<compile_context>
chip_gen: v7x
topology: tpu7x:2x2x1
jax: 0.10.2.dev20260603
libtpu: 0.0.44.dev20260713+nightly
codegen_flags: <defaults>
</compile_context>

<pallas_src>
import functools

import jax
import jax.numpy as jnp
from jax import lax
from jax.experimental import pallas as pl
from jax.experimental.pallas import tpu as pltpu
from jax.experimental.pallas import tpu_sc as plsc

_NU = 5000
_NI = 5000
_N = _NU + _NI
_D = 128
_E = 320000
_B = 4096
_NC, _NS, _L = 2, 16, 16
_NW = _NC * _NS
_C = 128
_CHUNKS_W = 79
_EPW = _CHUNKS_W * _C
_EPAD = _NW * _EPW
_RPT = 632
_PB = _B // _NW

_mesh = plsc.VectorSubcoreMesh(
    core_axis_name="c", subcore_axis_name="s", num_cores=_NC, num_subcores=_NS
)


def _worker_id():
    return lax.axis_index("s") * _NC + lax.axis_index("c")


def _bcast_lane(v16, lane):
    idx = jnp.full((_L,), lane, jnp.int32)
    return lax.gather(
        v16,
        idx[:, None],
        lax.GatherDimensionNumbers(
            offset_dims=(), collapsed_slice_dims=(0,), start_index_map=(0,)
        ),
        slice_sizes=(1,),
        mode=lax.GatherScatterMode.PROMISE_IN_BOUNDS,
    )


@functools.partial(
    pl.kernel,
    mesh=_mesh,
    out_type=jax.ShapeDtypeStruct((_NC, _N, _D), jnp.float32),
    scratch_types=[
        pltpu.VMEM((_C,), jnp.int32),
        pltpu.VMEM((_C,), jnp.int32),
        pltpu.VMEM((_C,), jnp.float32),
        pltpu.VMEM((_C, _D), jnp.float32),
        pltpu.VMEM_SHARED((_N, _D), jnp.float32),
        pltpu.SemaphoreType.DMA,
    ],
)
def _layer(table, src, dst, w, out, src_v, dst_v, w_v, rows_v, acc, sem):
    c = lax.axis_index("c")
    s = lax.axis_index("s")
    wid = _worker_id()

    def _zrow(r, _):
        for j in range(_D // _L):
            rows_v[r, pl.ds(j * _L, _L)] = jnp.zeros((_L,), jnp.float32)
        return 0

    lax.fori_loop(0, _C, _zrow, 0)
    for k in range(4):
        pltpu.sync_copy(
            rows_v.at[pl.ds(0, _C)],
            acc.at[pl.ds(s * _RPT + k * _C, _C)],
        )

    @pl.when(s < _NS - 1)
    def _():
        pltpu.sync_copy(
            rows_v.at[pl.ds(0, 120)], acc.at[pl.ds(s * _RPT + 512, 120)]
        )

    @pl.when(s == _NS - 1)
    def _():
        pltpu.sync_copy(
            rows_v.at[pl.ds(0, 8)], acc.at[pl.ds(s * _RPT + 512, 8)]
        )

    plsc.subcore_barrier()

    def _chunk(t, _):
        off = wid * _EPW + t * _C
        pltpu.sync_copy(src.at[pl.ds(off, _C)], src_v)
        pltpu.sync_copy(dst.at[pl.ds(off, _C)], dst_v)
        pltpu.sync_copy(w.at[pl.ds(off, _C)], w_v)
        pltpu.async_copy(table.at[src_v], rows_v, sem).wait()

        def _scale(r, _):
            w16 = w_v[pl.ds((r // _L) * _L, _L)]
            b = _bcast_lane(w16, r % _L)
            for j in range(_D // _L):
                rows_v[r, pl.ds(j * _L, _L)] = (
                    rows_v[r, pl.ds(j * _L, _L)] * b
                )
            return 0

        lax.fori_loop(0, _C, _scale, 0)
        pltpu.sync_copy(rows_v, acc.at[dst_v], add=True)
        return 0

    lax.fori_loop(0, _CHUNKS_W, _chunk, 0)
    plsc.subcore_barrier()

    @pl.when(s < _NS - 1)
    def _():
        pltpu.sync_copy(
            acc.at[pl.ds(s * _RPT, _RPT)], out.at[c, pl.ds(s * _RPT, _RPT)]
        )

    @pl.when(s == _NS - 1)
    def _():
        pltpu.sync_copy(
            acc.at[pl.ds(s * _RPT, _N - 15 * _RPT)],
            out.at[c, pl.ds(s * _RPT, _N - 15 * _RPT)],
        )


def _combine_body(p0_ref, p1_ref, prev_ref, emb_ref, acc_ref):
    e = p0_ref[...] + p1_ref[...]
    emb_ref[...] = e
    acc_ref[...] = prev_ref[...] + e


def _combine(p0, p1, prev_acc):
    blk = 1000
    spec = pl.BlockSpec((blk, _D), lambda i: (i, 0))
    return pl.pallas_call(
        _combine_body,
        grid=(_N // blk,),
        in_specs=[spec, spec, spec],
        out_specs=[spec, spec],
        out_shape=[
            jax.ShapeDtypeStruct((_N, _D), jnp.float32),
            jax.ShapeDtypeStruct((_N, _D), jnp.float32),
        ],
    )(p0, p1, prev_acc)


def _light_body(p0_ref, p1_ref, prev_ref, light_ref):
    light_ref[...] = (
        prev_ref[...] + p0_ref[...] + p1_ref[...]
    ) * 0.25


def _light(p0, p1, prev_acc):
    blk = 1000
    spec = pl.BlockSpec((blk, _D), lambda i: (i, 0))
    return pl.pallas_call(
        _light_body,
        grid=(_N // blk,),
        in_specs=[spec, spec, spec],
        out_specs=spec,
        out_shape=jax.ShapeDtypeStruct((_N, _D), jnp.float32),
    )(p0, p1, prev_acc)


@functools.partial(
    pl.kernel,
    mesh=_mesh,
    out_type=(
        jax.ShapeDtypeStruct((_B, _D), jnp.float32),
        jax.ShapeDtypeStruct((_B, _D), jnp.float32),
        jax.ShapeDtypeStruct((_B, _D), jnp.float32),
        jax.ShapeDtypeStruct((_B, _D), jnp.float32),
    ),
    scratch_types=[
        pltpu.VMEM((_PB,), jnp.int32),
        pltpu.VMEM((_PB,), jnp.int32),
        pltpu.VMEM((_PB, _D), jnp.float32),
        pltpu.SemaphoreType.DMA,
    ],
)
def _gather_batch(user_emb, item_emb, light, users, items, ou, lu, oi, li,
                  idx_v, idx2_v, rows_v, sem):
    wid = _worker_id()
    base = wid * _PB
    hbm_slice = pl.ds(base, _PB)

    pltpu.sync_copy(users.at[hbm_slice], idx_v)
    pltpu.async_copy(user_emb.at[idx_v], rows_v, sem).wait()
    pltpu.sync_copy(rows_v, ou.at[hbm_slice])
    pltpu.async_copy(light.at[idx_v], rows_v, sem).wait()
    pltpu.sync_copy(rows_v, lu.at[hbm_slice])

    pltpu.sync_copy(items.at[hbm_slice], idx_v)
    pltpu.async_copy(item_emb.at[idx_v], rows_v, sem).wait()
    pltpu.sync_copy(rows_v, oi.at[hbm_slice])
    for k in range(_PB // _L):
        idx2_v[pl.ds(k * _L, _L)] = idx_v[pl.ds(k * _L, _L)] + _NU
    pltpu.async_copy(light.at[idx2_v], rows_v, sem).wait()
    pltpu.sync_copy(rows_v, li.at[hbm_slice])


def _gamma_body(ou_ref, lu_ref, oi_ref, li_ref, w1_ref, w2_ref, out_ref):
    ou = ou_ref[...]
    lu = lu_ref[...]
    oi = oi_ref[...]
    li = li_ref[...]
    w1 = w1_ref[...]
    w2 = w2_ref[...]

    z0u = jnp.sum(ou * w1[0, :_D][None, :] + lu * w1[0, _D:][None, :],
                  axis=1, keepdims=True)
    z1u = jnp.sum(ou * w1[1, :_D][None, :] + lu * w1[1, _D:][None, :],
                  axis=1, keepdims=True)
    a0u = 1.0 / (1.0 + jnp.exp(z1u - z0u))
    urow = ou * a0u + lu * (1.0 - a0u)

    z0i = jnp.sum(oi * w2[0, :_D][None, :] + li * w2[0, _D:][None, :],
                  axis=1, keepdims=True)
    z1i = jnp.sum(oi * w2[1, :_D][None, :] + li * w2[1, _D:][None, :],
                  axis=1, keepdims=True)
    a0i = 1.0 / (1.0 + jnp.exp(z1i - z0i))
    irow = oi * a0i + li * (1.0 - a0i)

    out_ref[...] = jnp.sum(urow * irow, axis=1)


def _gamma(ou, lu, oi, li, att1_t, att2_t):
    blk = 512
    spec = pl.BlockSpec((blk, _D), lambda i: (i, 0))
    wspec = pl.BlockSpec((2, 2 * _D), lambda i: (0, 0))
    return pl.pallas_call(
        _gamma_body,
        grid=(_B // blk,),
        in_specs=[spec, spec, spec, spec, wspec, wspec],
        out_specs=pl.BlockSpec((blk,), lambda i: (i,)),
        out_shape=jax.ShapeDtypeStruct((_B,), jnp.float32),
    )(ou, lu, oi, li, att1_t, att2_t)


def kernel(user_emb, item_emb, att_exp1, att_exp2, edge_weight, edge_index,
           users, items):
    emb0 = jnp.concatenate([user_emb, item_emb], axis=0)
    src = jnp.pad(edge_index[0], (0, _EPAD - _E))
    dst = jnp.pad(edge_index[1], (0, _EPAD - _E))
    w = jnp.pad(edge_weight, (0, _EPAD - _E))

    p = _layer(emb0, src, dst, w)
    emb1, acc1 = _combine(p[0], p[1], emb0)
    q = _layer(emb1, src, dst, w)
    emb2, acc2 = _combine(q[0], q[1], acc1)
    r = _layer(emb2, src, dst, w)
    light = _light(r[0], r[1], acc2)

    ou, lu, oi, li = _gather_batch(user_emb, item_emb, light, users, items)
    return _gamma(ou, lu, oi, li, att_exp1.T, att_exp2.T)

# --- scband reference (transcript-rebuilt; emitter-appended) ---
"""Pipeline reference for scband-light-gcn-9096740733366 (READ-ONLY COPY).

The authoritative reference and input builder live on the scoring server;
editing this copy changes nothing except your own understanding.
"""

import jax, jax.numpy as jnp
import numpy as np

N_USERS = 4999   # embedding_user has N_USERS+1 rows
N_ITEMS = 5000
D = 128          # latent_dim == hidden_size
E = 320000       # n_edges in the bipartite propagation graph
N = N_USERS + 1 + N_ITEMS
N_LAYERS = 3
BATCH = 4096


def setup_inputs(seed: int = 0) -> dict:
    key = jax.random.key(seed)
    ks = jax.random.split(key, 8)
    user_emb = jax.random.normal(ks[0], (N_USERS + 1, D), dtype=jnp.float32) * 0.1
    item_emb = jax.random.normal(ks[1], (N_ITEMS, D), dtype=jnp.float32) * 0.1
    att_exp1 = jax.random.normal(ks[2], (2 * D, 2), dtype=jnp.float32) * 0.1
    att_exp2 = jax.random.normal(ks[3], (2 * D, 2), dtype=jnp.float32) * 0.1
    # normalized adjacency of the user-item interaction graph (dataset.getSparseGraph())
    edge_index = jax.random.randint(ks[4], (2, E), 0, N, dtype=jnp.int32)
    edge_weight = jax.random.uniform(ks[5], (E,), dtype=jnp.float32) / 32.0
    users = jax.random.randint(ks[6], (BATCH,), 0, N_USERS + 1, dtype=jnp.int32)
    items = jax.random.randint(ks[7], (BATCH,), 0, N_ITEMS, dtype=jnp.int32)
    return {
        "user_emb": user_emb,
        "item_emb": item_emb,
        "att_exp1": att_exp1,
        "att_exp2": att_exp2,
        "edge_weight": edge_weight,
        "edge_index": edge_index,
        "users": users,
        "items": items,
    }


def reference(user_emb, item_emb, att_exp1, att_exp2, edge_weight, edge_index, users, items):
    # LightGCN.forward with flag=1 (rating path): computer() -> attention mix -> gather -> dot
    all_emb = jnp.concatenate([user_emb, item_emb], axis=0)
    embs = [all_emb]
    src = edge_index[0]
    dst = edge_index[1]
    for _ in range(N_LAYERS):
        # torch.sparse.mm(Graph, all_emb) == scatter-add of weighted gathered rows
        msgs = edge_weight[:, None] * jnp.take(all_emb, src, axis=0)
        all_emb = jax.ops.segment_sum(msgs, dst, num_segments=N)
        embs.append(all_emb)
    stacked = jnp.stack(embs, axis=1)
    light_out = jnp.mean(stacked, axis=1)
    all_users_ex = light_out[: N_USERS + 1]
    all_items_ex = light_out[N_USERS + 1 :]
    all_users_or = user_emb
    all_items_or = item_emb
    att1 = jax.nn.softmax(jnp.concatenate([all_users_or, all_users_ex], axis=1) @ att_exp1, axis=1)
    att2 = jax.nn.softmax(jnp.concatenate([all_items_or, all_items_ex], axis=1) @ att_exp2, axis=1)
    all_users = all_users_or * att1[:, 0:1] + all_users_ex * att1[:, 1:2]
    all_items = all_items_or * att2[:, 0:1] + all_items_ex * att2[:, 1:2]
    users_emb = jnp.take(all_users, users, axis=0)
    items_emb = jnp.take(all_items, items, axis=0)
    inner_pro = users_emb * items_emb
    gamma = jnp.sum(inner_pro, axis=1)
    return gamma

if __name__ == "__main__":
    import jax
    _d = setup_inputs()
    print(jax.jit(kernel)(*tuple(_d.values())))

</pallas_src>

<mosaic_0001>
#map = affine_map<(d0, d1) -> (0, 0)>
#map1 = affine_map<(d0, d1) -> (0)>
#map2 = affine_map<(d0, d1) -> (0, 0, 0)>
module attributes {stable_mosaic.version = 14 : i64} {
  func.func @_layer(%arg0: i32, %arg1: i32, %arg2: memref<10000x128xf32, #tpu.memory_space<hbm>>, %arg3: memref<323584xi32, #tpu.memory_space<hbm>>, %arg4: memref<323584xi32, #tpu.memory_space<hbm>>, %arg5: memref<323584xf32, #tpu.memory_space<hbm>>, %arg6: memref<2x10000x128xf32, #tpu.memory_space<hbm>>, %arg7: memref<128xi32, #tpu.memory_space<vmem>>, %arg8: memref<128xi32, #tpu.memory_space<vmem>>, %arg9: memref<128xf32, #tpu.memory_space<vmem>>, %arg10: memref<128x128xf32, #tpu.memory_space<vmem>>, %arg11: memref<10000x128xf32, #tpu.memory_space<vmem_shared>>, %arg12: memref<!tpu.dma_semaphore, #tpu.memory_space<semaphore_mem>>) attributes {dimension_semantics = [#tpu.dimension_semantics<core_parallel>, #tpu.dimension_semantics<subcore_parallel>], iteration_bounds = array<i64: 2, 16>, scalar_prefetch = 0 : i64, scratch_operands = 6 : i64, tpu.core_type = #tpu.core_type<sc_vector_subcore>, window_params = [{transform_indices = #map}, {transform_indices = #map1}, {transform_indices = #map1}, {transform_indices = #map1}, {transform_indices = #map2}]} {
    %mul3A = arith.constant 2 : i32
    %mul3A_0 = arith.muli %arg1, %mul3A : i32
    %add3A = arith.addi %mul3A_0, %arg0 : i32
    %scan3A = arith.constant 0 : i32
    %scan3A_1 = arith.constant 0 : i32
    %scan3A_2 = arith.constant 128 : i32
    %scan3A_3 = arith.addi %scan3A_1, %scan3A_2 : i32
    %scan3A_4 = arith.constant 1 : i32
    %scan3A_5 = scf.for %scan3A_47 = %scan3A_1 to %scan3A_3 step %scan3A_4 iter_args(%scan3A_48 = %scan3A) -> (i32)  : i32 {
      %broadcast_in_dim3A = arith.constant 0.000000e+00 : f32
      %broadcast_in_dim3A_49 = vector.broadcast %broadcast_in_dim3A : f32 to vector<16xf32>
      %swap3A = arith.index_cast %scan3A_47 : i32 to index
      %swap3A_50 = arith.constant 0 : index
      %swap3A_51 = tpu.vector_load %arg10[%swap3A, %swap3A_50] {strides = array<i32>} : memref<128x128xf32, #tpu.memory_space<vmem>>, vector<1x16xf32>,
      %swap3A_52 = vector.shape_cast %swap3A_51 : vector<1x16xf32> to vector<16xf32>
      %swap3A_53 = vector.shape_cast %broadcast_in_dim3A_49 : vector<16xf32> to vector<1x16xf32>
      tpu.vector_store %arg10[%swap3A, %swap3A_50], %swap3A_53 {strides = array<i32>} : memref<128x128xf32, #tpu.memory_space<vmem>>, vector<1x16xf32>,
      %broadcast_in_dim3A_54 = arith.constant 0.000000e+00 : f32
      %broadcast_in_dim3A_55 = vector.broadcast %broadcast_in_dim3A_54 : f32 to vector<16xf32>
      %swap3A_56 = arith.index_cast %scan3A_47 : i32 to index
      %swap3A_57 = arith.constant 16 : index
      %swap3A_58 = tpu.vector_load %arg10[%swap3A_56, %swap3A_57] {strides = array<i32>} : memref<128x128xf32, #tpu.memory_space<vmem>>, vector<1x16xf32>,
      %swap3A_59 = vector.shape_cast %swap3A_58 : vector<1x16xf32> to vector<16xf32>
      %swap3A_60 = vector.shape_cast %broadcast_in_dim3A_55 : vector<16xf32> to vector<1x16xf32>
      tpu.vector_store %arg10[%swap3A_56, %swap3A_57], %swap3A_60 {strides = array<i32>} : memref<128x128xf32, #tpu.memory_space<vmem>>, vector<1x16xf32>,
      %broadcast_in_dim3A_61 = arith.constant 0.000000e+00 : f32
      %broadcast_in_dim3A_62 = vector.broadcast %broadcast_in_dim3A_61 : f32 to vector<16xf32>
      %swap3A_63 = arith.index_cast %scan3A_47 : i32 to index
      %swap3A_64 = arith.constant 32 : index
      %swap3A_65 = tpu.vector_load %arg10[%swap3A_63, %swap3A_64] {strides = array<i32>} : memref<128x128xf32, #tpu.memory_space<vmem>>, vector<1x16xf32>,
      %swap3A_66 = vector.shape_cast %swap3A_65 : vector<1x16xf32> to vector<16xf32>
      %swap3A_67 = vector.shape_cast %broadcast_in_dim3A_62 : vector<16xf32> to vector<1x16xf32>
      tpu.vector_store %arg10[%swap3A_63, %swap3A_64], %swap3A_67 {strides = array<i32>} : memref<128x128xf32, #tpu.memory_space<vmem>>, vector<1x16xf32>,
      %broadcast_in_dim3A_68 = arith.constant 0.000000e+00 : f32
      %broadcast_in_dim3A_69 = vector.broadcast %broadcast_in_dim3A_68 : f32 to vector<16xf32>
      %swap3A_70 = arith.index_cast %scan3A_47 : i32 to index
      %swap3A_71 = arith.constant 48 : index
      %swap3A_72 = tpu.vector_load %arg10[%swap3A_70, %swap3A_71] {strides = array<i32>} : memref<128x128xf32, #tpu.memory_space<vmem>>, vector<1x16xf32>,
      %swap3A_73 = vector.shape_cast %swap3A_72 : vector<1x16xf32> to vector<16xf32>
      %swap3A_74 = vector.shape_cast %broadcast_in_dim3A_69 : vector<16xf32> to vector<1x16xf32>
      tpu.vector_store %arg10[%swap3A_70, %swap3A_71], %swap3A_74 {strides = array<i32>} : memref<128x128xf32, #tpu.memory_space<vmem>>, vector<1x16xf32>,
      %broadcast_in_dim3A_75 = arith.constant 0.000000e+00 : f32
      %broadcast_in_dim3A_76 = vector.broadcast %broadcast_in_dim3A_75 : f32 to vector<16xf32>
      %swap3A_77 = arith.index_cast %scan3A_47 : i32 to index
      %swap3A_78 = arith.constant 64 : index
      %swap3A_79 = tpu.vector_load %arg10[%swap3A_77, %swap3A_78] {strides = array<i32>} : memref<128x128xf32, #tpu.memory_space<vmem>>, vector<1x16xf32>,
      %swap3A_80 = vector.shape_cast %swap3A_79 : vector<1x16xf32> to vector<16xf32>
      %swap3A_81 = vector.shape_cast %broadcast_in_dim3A_76 : vector<16xf32> to vector<1x16xf32>
      tpu.vector_store %arg10[%swap3A_77, %swap3A_78], %swap3A_81 {strides = array<i32>} : memref<128x128xf32, #tpu.memory_space<vmem>>, vector<1x16xf32>,
      %broadcast_in_dim3A_82 = arith.constant 0.000000e+00 : f32
      %broadcast_in_dim3A_83 = vector.broadcast %broadcast_in_dim3A_82 : f32 to vector<16xf32>
      %swap3A_84 = arith.index_cast %scan3A_47 : i32 to index
      %swap3A_85 = arith.constant 80 : index
      %swap3A_86 = tpu.vector_load %arg10[%swap3A_84, %swap3A_85] {strides = array<i32>} : memref<128x128xf32, #tpu.memory_space<vmem>>, vector<1x16xf32>,
      %swap3A_87 = vector.shape_cast %swap3A_86 : vector<1x16xf32> to vector<16xf32>
      %swap3A_88 = vector.shape_cast %broadcast_in_dim3A_83 : vector<16xf32> to vector<1x16xf32>
      tpu.vector_store %arg10[%swap3A_84, %swap3A_85], %swap3A_88 {strides = array<i32>} : memref<128x128xf32, #tpu.memory_space<vmem>>, vector<1x16xf32>,
      %broadcast_in_dim3A_89 = arith.constant 0.000000e+00 : f32
      %broadcast_in_dim3A_90 = vector.broadcast %broadcast_in_dim3A_89 : f32 to vector<16xf32>
      %swap3A_91 = arith.index_cast %scan3A_47 : i32 to index
      %swap3A_92 = arith.constant 96 : index
      %swap3A_93 = tpu.vector_load %arg10[%swap3A_91, %swap3A_92] {strides = array<i32>} : memref<128x128xf32, #tpu.memory_space<vmem>>, vector<1x16xf32>,
      %swap3A_94 = vector.shape_cast %swap3A_93 : vector<1x16xf32> to vector<16xf32>
      %swap3A_95 = vector.shape_cast %broadcast_in_dim3A_90 : vector<16xf32> to vector<1x16xf32>
      tpu.vector_store %arg10[%swap3A_91, %swap3A_92], %swap3A_95 {strides = array<i32>} : memref<128x128xf32, #tpu.memory_space<vmem>>, vector<1x16xf32>,
      %broadcast_in_dim3A_96 = arith.constant 0.000000e+00 : f32
      %broadcast_in_dim3A_97 = vector.broadcast %broadcast_in_dim3A_96 : f32 to vector<16xf32>
      %swap3A_98 = arith.index_cast %scan3A_47 : i32 to index
      %swap3A_99 = arith.constant 112 : index
      %swap3A_100 = tpu.vector_load %arg10[%swap3A_98, %swap3A_99] {strides = array<i32>} : memref<128x128xf32, #tpu.memory_space<vmem>>, vector<1x16xf32>,
      %swap3A_101 = vector.shape_cast %swap3A_100 : vector<1x16xf32> to vector<16xf32>
      %swap3A_102 = vector.shape_cast %broadcast_in_dim3A_97 : vector<16xf32> to vector<1x16xf32>
      tpu.vector_store %arg10[%swap3A_98, %swap3A_99], %swap3A_102 {strides = array<i32>} : memref<128x128xf32, #tpu.memory_space<vmem>>, vector<1x16xf32>,
      %scan3A_103 = arith.constant 0 : i32
      scf.yield %scan3A_103 : i32
    }
    %scan3A_6 = arith.constant 128 : i32
    %mul3A_7 = arith.constant 632 : i32
    %mul3A_8 = arith.muli %arg1, %mul3A_7 : i32
    %add3A_9 = arith.constant 0 : i32
    %add3A_10 = arith.addi %mul3A_8, %add3A_9 : i32
    "tpu.region"() ({
      %run_scoped3A = tpu.sem_alloc : memref<!tpu.dma_semaphore, #tpu.memory_space<semaphore_mem>>
      %dma_start3A = arith.constant 0 : i32
      %dma_start3A_47 = arith.constant 0 : i32
      %dma_start3A_48 = tpu.memref_slice %arg10[%dma_start3A, %dma_start3A_47] : memref<128x128xf32, #tpu.memory_space<vmem>> -> memref<128x128xf32, #tpu.memory_space<vmem>>
      %dma_start3A_49 = arith.constant 0 : i32
      %dma_start3A_50 = tpu.memref_slice %arg11[%add3A_10, %dma_start3A_49] : memref<10000x128xf32, #tpu.memory_space<vmem_shared>> -> memref<128x128xf32, #tpu.memory_space<vmem_shared>>
      %dma_start3A_51 = arith.constant 0 : i32
      %dma_start3A_52 = tpu.memref_slice %arg11[%add3A_10, %dma_start3A_51] : memref<10000x128xf32, #tpu.memory_space<vmem_shared>> -> memref<128x128xf32, #tpu.memory_space<vmem_shared>>
      %dma_start3A_53 = arith.constant 0 : i32
      %dma_start3A_54 = arith.constant 0 : i32
      %dma_start3A_55 = tpu.memref_slice %arg10[%dma_start3A_53, %dma_start3A_54] : memref<128x128xf32, #tpu.memory_space<vmem>> -> memref<128x128xf32, #tpu.memory_space<vmem>>
      tpu.enqueue_dma source(%dma_start3A_55 : memref<128x128xf32, #tpu.memory_space<vmem>>) target(%dma_start3A_52 : memref<128x128xf32, #tpu.memory_space<vmem_shared>>) target_semaphore(%run_scoped3A : memref<!tpu.dma_semaphore, #tpu.memory_space<semaphore_mem>>)
      %dma_wait3A = arith.constant 0 : i32
      %dma_wait3A_56 = arith.constant 0 : i32
      %dma_wait3A_57 = tpu.memref_slice %arg10[%dma_wait3A, %dma_wait3A_56] : memref<128x128xf32, #tpu.memory_space<vmem>> -> memref<128x128xf32, #tpu.memory_space<vmem>>
      %dma_wait3A_58 = arith.constant 0 : i32
      %dma_wait3A_59 = tpu.memref_slice %arg11[%add3A_10, %dma_wait3A_58] : memref<10000x128xf32, #tpu.memory_space<vmem_shared>> -> memref<128x128xf32, #tpu.memory_space<vmem_shared>>
      %dma_wait3A_60 = arith.constant 0 : i32
      %dma_wait3A_61 = tpu.memref_slice %arg11[%add3A_10, %dma_wait3A_60] : memref<10000x128xf32, #tpu.memory_space<vmem_shared>> -> memref<128x128xf32, #tpu.memory_space<vmem_shared>>
      %dma_wait3A_62 = arith.constant 0 : i32
      %dma_wait3A_63 = arith.constant 0 : i32
      %dma_wait3A_64 = tpu.memref_slice %arg10[%dma_wait3A_62, %dma_wait3A_63] : memref<128x128xf32, #tpu.memory_space<vmem>> -> memref<128x128xf32, #tpu.memory_space<vmem>>
      tpu.wait_dma2 semaphore(%run_scoped3A : memref<!tpu.dma_semaphore, #tpu.memory_space<semaphore_mem>>) src(%dma_wait3A_64 : memref<128x128xf32, #tpu.memory_space<vmem>>) dst(%dma_wait3A_61 : memref<128x128xf32, #tpu.memory_space<vmem_shared>>)
      tpu.yield
    }) : () -> ()
    %mul3A_11 = arith.constant 632 : i32
    %mul3A_12 = arith.muli %arg1, %mul3A_11 : i32
    %add3A_13 = arith.constant 128 : i32
    %add3A_14 = arith.addi %mul3A_12, %add3A_13 : i32
    "tpu.region"() ({
      %run_scoped3A = tpu.sem_alloc : memref<!tpu.dma_semaphore, #tpu.memory_space<semaphore_mem>>
      %dma_start3A = arith.constant 0 : i32
      %dma_start3A_47 = arith.constant 0 : i32
      %dma_start3A_48 = tpu.memref_slice %arg10[%dma_start3A, %dma_start3A_47] : memref<128x128xf32, #tpu.memory_space<vmem>> -> memref<128x128xf32, #tpu.memory_space<vmem>>
      %dma_start3A_49 = arith.constant 0 : i32
      %dma_start3A_50 = tpu.memref_slice %arg11[%add3A_14, %dma_start3A_49] : memref<10000x128xf32, #tpu.memory_space<vmem_shared>> -> memref<128x128xf32, #tpu.memory_space<vmem_shared>>
      %dma_start3A_51 = arith.constant 0 : i32
      %dma_start3A_52 = tpu.memref_slice %arg11[%add3A_14, %dma_start3A_51] : memref<10000x128xf32, #tpu.memory_space<vmem_shared>> -> memref<128x128xf32, #tpu.memory_space<vmem_shared>>
      %dma_start3A_53 = arith.constant 0 : i32
      %dma_start3A_54 = arith.constant 0 : i32
      %dma_start3A_55 = tpu.memref_slice %arg10[%dma_start3A_53, %dma_start3A_54] : memref<128x128xf32, #tpu.memory_space<vmem>> -> memref<128x128xf32, #tpu.memory_space<vmem>>
      tpu.enqueue_dma source(%dma_start3A_55 : memref<128x128xf32, #tpu.memory_space<vmem>>) target(%dma_start3A_52 : memref<128x128xf32, #tpu.memory_space<vmem_shared>>) target_semaphore(%run_scoped3A : memref<!tpu.dma_semaphore, #tpu.memory_space<semaphore_mem>>)
      %dma_wait3A = arith.constant 0 : i32
      %dma_wait3A_56 = arith.constant 0 : i32
      %dma_wait3A_57 = tpu.memref_slice %arg10[%dma_wait3A, %dma_wait3A_56] : memref<128x128xf32, #tpu.memory_space<vmem>> -> memref<128x128xf32, #tpu.memory_space<vmem>>
      %dma_wait3A_58 = arith.constant 0 : i32
      %dma_wait3A_59 = tpu.memref_slice %arg11[%add3A_14, %dma_wait3A_58] : memref<10000x128xf32, #tpu.memory_space<vmem_shared>> -> memref<128x128xf32, #tpu.memory_space<vmem_shared>>
      %dma_wait3A_60 = arith.constant 0 : i32
      %dma_wait3A_61 = tpu.memref_slice %arg11[%add3A_14, %dma_wait3A_60] : memref<10000x128xf32, #tpu.memory_space<vmem_shared>> -> memref<128x128xf32, #tpu.memory_space<vmem_shared>>
      %dma_wait3A_62 = arith.constant 0 : i32
      %dma_wait3A_63 = arith.constant 0 : i32
      %dma_wait3A_64 = tpu.memref_slice %arg10[%dma_wait3A_62, %dma_wait3A_63] : memref<128x128xf32, #tpu.memory_space<vmem>> -> memref<128x128xf32, #tpu.memory_space<vmem>>
      tpu.wait_dma2 semaphore(%run_scoped3A : memref<!tpu.dma_semaphore, #tpu.memory_space<semaphore_mem>>) src(%dma_wait3A_64 : memref<128x128xf32, #tpu.memory_space<vmem>>) dst(%dma_wait3A_61 : memref<128x128xf32, #tpu.memory_space<vmem_shared>>)
      tpu.yield
    }) : () -> ()
    %mul3A_15 = arith.constant 632 : i32
    %mul3A_16 = arith.muli %arg1, %mul3A_15 : i32
    %add3A_17 = arith.constant 256 : i32
    %add3A_18 = arith.addi %mul3A_16, %add3A_17 : i32
    "tpu.region"() ({
      %run_scoped3A = tpu.sem_alloc : memref<!tpu.dma_semaphore, #tpu.memory_space<semaphore_mem>>
      %dma_start3A = arith.constant 0 : i32
      %dma_start3A_47 = arith.constant 0 : i32
      %dma_start3A_48 = tpu.memref_slice %arg10[%dma_start3A, %dma_start3A_47] : memref<128x128xf32, #tpu.memory_space<vmem>> -> memref<128x128xf32, #tpu.memory_space<vmem>>
      %dma_start3A_49 = arith.constant 0 : i32
      %dma_start3A_50 = tpu.memref_slice %arg11[%add3A_18, %dma_start3A_49] : memref<10000x128xf32, #tpu.memory_space<vmem_shared>> -> memref<128x128xf32, #tpu.memory_space<vmem_shared>>
      %dma_start3A_51 = arith.constant 0 : i32
      %dma_start3A_52 = tpu.memref_slice %arg11[%add3A_18, %dma_start3A_51] : memref<10000x128xf32, #tpu.memory_space<vmem_shared>> -> memref<128x128xf32, #tpu.memory_space<vmem_shared>>
      %dma_start3A_53 = arith.constant 0 : i32
      %dma_start3A_54 = arith.constant 0 : i32
      %dma_start3A_55 = tpu.memref_slice %arg10[%dma_start3A_53, %dma_start3A_54] : memref<128x128xf32, #tpu.memory_space<vmem>> -> memref<128x128xf32, #tpu.memory_space<vmem>>
      tpu.enqueue_dma source(%dma_start3A_55 : memref<128x128xf32, #tpu.memory_space<vmem>>) target(%dma_start3A_52 : memref<128x128xf32, #tpu.memory_space<vmem_shared>>) target_semaphore(%run_scoped3A : memref<!tpu.dma_semaphore, #tpu.memory_space<semaphore_mem>>)
      %dma_wait3A = arith.constant 0 : i32
      %dma_wait3A_56 = arith.constant 0 : i32
      %dma_wait3A_57 = tpu.memref_slice %arg10[%dma_wait3A, %dma_wait3A_56] : memref<128x128xf32, #tpu.memory_space<vmem>> -> memref<128x128xf32, #tpu.memory_space<vmem>>
      %dma_wait3A_58 = arith.constant 0 : i32
      %dma_wait3A_59 = tpu.memref_slice %arg11[%add3A_18, %dma_wait3A_58] : memref<10000x128xf32, #tpu.memory_space<vmem_shared>> -> memref<128x128xf32, #tpu.memory_space<vmem_shared>>
      %dma_wait3A_60 = arith.constant 0 : i32
      %dma_wait3A_61 = tpu.memref_slice %arg11[%add3A_18, %dma_wait3A_60] : memref<10000x128xf32, #tpu.memory_space<vmem_shared>> -> memref<128x128xf32, #tpu.memory_space<vmem_shared>>
      %dma_wait3A_62 = arith.constant 0 : i32
      %dma_wait3A_63 = arith.constant 0 : i32
      %dma_wait3A_64 = tpu.memref_slice %arg10[%dma_wait3A_62, %dma_wait3A_63] : memref<128x128xf32, #tpu.memory_space<vmem>> -> memref<128x128xf32, #tpu.memory_space<vmem>>
      tpu.wait_dma2 semaphore(%run_scoped3A : memref<!tpu.dma_semaphore, #tpu.memory_space<semaphore_mem>>) src(%dma_wait3A_64 : memref<128x128xf32, #tpu.memory_space<vmem>>) dst(%dma_wait3A_61 : memref<128x128xf32, #tpu.memory_space<vmem_shared>>)
      tpu.yield
    }) : () -> ()
    %mul3A_19 = arith.constant 632 : i32
    %mul3A_20 = arith.muli %arg1, %mul3A_19 : i32
    %add3A_21 = arith.constant 384 : i32
    %add3A_22 = arith.addi %mul3A_20, %add3A_21 : i32
    "tpu.region"() ({
      %run_scoped3A = tpu.sem_alloc : memref<!tpu.dma_semaphore, #tpu.memory_space<semaphore_mem>>
      %dma_start3A = arith.constant 0 : i32
      %dma_start3A_47 = arith.constant 0 : i32
      %dma_start3A_48 = tpu.memref_slice %arg10[%dma_start3A, %dma_start3A_47] : memref<128x128xf32, #tpu.memory_space<vmem>> -> memref<128x128xf32, #tpu.memory_space<vmem>>
      %dma_start3A_49 = arith.constant 0 : i32
      %dma_start3A_50 = tpu.memref_slice %arg11[%add3A_22, %dma_start3A_49] : memref<10000x128xf32, #tpu.memory_space<vmem_shared>> -> memref<128x128xf32, #tpu.memory_space<vmem_shared>>
      %dma_start3A_51 = arith.constant 0 : i32
      %dma_start3A_52 = tpu.memref_slice %arg11[%add3A_22, %dma_start3A_51] : memref<10000x128xf32, #tpu.memory_space<vmem_shared>> -> memref<128x128xf32, #tpu.memory_space<vmem_shared>>
      %dma_start3A_53 = arith.constant 0 : i32
      %dma_start3A_54 = arith.constant 0 : i32
      %dma_start3A_55 = tpu.memref_slice %arg10[%dma_start3A_53, %dma_start3A_54] : memref<128x128xf32, #tpu.memory_space<vmem>> -> memref<128x128xf32, #tpu.memory_space<vmem>>
      tpu.enqueue_dma source(%dma_start3A_55 : memref<128x128xf32, #tpu.memory_space<vmem>>) target(%dma_start3A_52 : memref<128x128xf32, #tpu.memory_space<vmem_shared>>) target_semaphore(%run_scoped3A : memref<!tpu.dma_semaphore, #tpu.memory_space<semaphore_mem>>)
      %dma_wait3A = arith.constant 0 : i32
      %dma_wait3A_56 = arith.constant 0 : i32
      %dma_wait3A_57 = tpu.memref_slice %arg10[%dma_wait3A, %dma_wait3A_56] : memref<128x128xf32, #tpu.memory_space<vmem>> -> memref<128x128xf32, #tpu.memory_space<vmem>>
      %dma_wait3A_58 = arith.constant 0 : i32
      %dma_wait3A_59 = tpu.memref_slice %arg11[%add3A_22, %dma_wait3A_58] : memref<10000x128xf32, #tpu.memory_space<vmem_shared>> -> memref<128x128xf32, #tpu.memory_space<vmem_shared>>
      %dma_wait3A_60 = arith.constant 0 : i32
      %dma_wait3A_61 = tpu.memref_slice %arg11[%add3A_22, %dma_wait3A_60] : memref<10000x128xf32, #tpu.memory_space<vmem_shared>> -> memref<128x128xf32, #tpu.memory_space<vmem_shared>>
      %dma_wait3A_62 = arith.constant 0 : i32
      %dma_wait3A_63 = arith.constant 0 : i32
      %dma_wait3A_64 = tpu.memref_slice %arg10[%dma_wait3A_62, %dma_wait3A_63] : memref<128x128xf32, #tpu.memory_space<vmem>> -> memref<128x128xf32, #tpu.memory_space<vmem>>
      tpu.wait_dma2 semaphore(%run_scoped3A : memref<!tpu.dma_semaphore, #tpu.memory_space<semaphore_mem>>) src(%dma_wait3A_64 : memref<128x128xf32, #tpu.memory_space<vmem>>) dst(%dma_wait3A_61 : memref<128x128xf32, #tpu.memory_space<vmem_shared>>)
      tpu.yield
    }) : () -> ()
    %lt3A = arith.constant 15 : i32
    %lt3A_23 = arith.cmpi slt, %arg1, %lt3A : i32
    %convert_element_type3A = arith.extui %lt3A_23 : i1 to i32
    %cond3A = arith.constant 0 : i32
    %cond3A_24 = arith.cmpi ne, %convert_element_type3A, %cond3A : i32
    scf.if %cond3A_24 {
      %mul3A_47 = arith.constant 632 : i32
      %mul3A_48 = arith.muli %arg1, %mul3A_47 : i32
      %add3A_49 = arith.constant 512 : i32
      %add3A_50 = arith.addi %mul3A_48, %add3A_49 : i32
      "tpu.region"() ({
        %run_scoped3A = tpu.sem_alloc : memref<!tpu.dma_semaphore, #tpu.memory_space<semaphore_mem>>
        %dma_start3A = arith.constant 0 : i32
        %dma_start3A_51 = arith.constant 0 : i32
        %dma_start3A_52 = tpu.memref_slice %arg10[%dma_start3A, %dma_start3A_51] : memref<128x128xf32, #tpu.memory_space<vmem>> -> memref<120x128xf32, #tpu.memory_space<vmem>>
        %dma_start3A_53 = arith.constant 0 : i32
        %dma_start3A_54 = tpu.memref_slice %arg11[%add3A_50, %dma_start3A_53] : memref<10000x128xf32, #tpu.memory_space<vmem_shared>> -> memref<120x128xf32, #tpu.memory_space<vmem_shared>>
        %dma_start3A_55 = arith.constant 0 : i32
        %dma_start3A_56 = tpu.memref_slice %arg11[%add3A_50, %dma_start3A_55] : memref<10000x128xf32, #tpu.memory_space<vmem_shared>> -> memref<120x128xf32, #tpu.memory_space<vmem_shared>>
        %dma_start3A_57 = arith.constant 0 : i32
        %dma_start3A_58 = arith.constant 0 : i32
        %dma_start3A_59 = tpu.memref_slice %arg10[%dma_start3A_57, %dma_start3A_58] : memref<128x128xf32, #tpu.memory_space<vmem>> -> memref<120x128xf32, #tpu.memory_space<vmem>>
        tpu.enqueue_dma source(%dma_start3A_59 : memref<120x128xf32, #tpu.memory_space<vmem>>) target(%dma_start3A_56 : memref<120x128xf32, #tpu.memory_space<vmem_shared>>) target_semaphore(%run_scoped3A : memref<!tpu.dma_semaphore, #tpu.memory_space<semaphore_mem>>)
        %dma_wait3A = arith.constant 0 : i32
        %dma_wait3A_60 = arith.constant 0 : i32
        %dma_wait3A_61 = tpu.memref_slice %arg10[%dma_wait3A, %dma_wait3A_60] : memref<128x128xf32, #tpu.memory_space<vmem>> -> memref<120x128xf32, #tpu.memory_space<vmem>>
        %dma_wait3A_62 = arith.constant 0 : i32
        %dma_wait3A_63 = tpu.memref_slice %arg11[%add3A_50, %dma_wait3A_62] : memref<10000x128xf32, #tpu.memory_space<vmem_shared>> -> memref<120x128xf32, #tpu.memory_space<vmem_shared>>
        %dma_wait3A_64 = arith.constant 0 : i32
        %dma_wait3A_65 = tpu.memref_slice %arg11[%add3A_50, %dma_wait3A_64] : memref<10000x128xf32, #tpu.memory_space<vmem_shared>> -> memref<120x128xf32, #tpu.memory_space<vmem_shared>>
        %dma_wait3A_66 = arith.constant 0 : i32
        %dma_wait3A_67 = arith.constant 0 : i32
        %dma_wait3A_68 = tpu.memref_slice %arg10[%dma_wait3A_66, %dma_wait3A_67] : memref<128x128xf32, #tpu.memory_space<vmem>> -> memref<120x128xf32, #tpu.memory_space<vmem>>
        tpu.wait_dma2 semaphore(%run_scoped3A : memref<!tpu.dma_semaphore, #tpu.memory_space<semaphore_mem>>) src(%dma_wait3A_68 : memref<120x128xf32, #tpu.memory_space<vmem>>) dst(%dma_wait3A_65 : memref<120x128xf32, #tpu.memory_space<vmem_shared>>)
        tpu.yield
      }) : () -> ()
    } else {
    }
    %eq3A = arith.constant 15 : i32
    %eq3A_25 = arith.cmpi eq, %arg1, %eq3A : i32
    %convert_element_type3A_26 = arith.extui %eq3A_25 : i1 to i32
    %cond3A_27 = arith.constant 0 : i32
    %cond3A_28 = arith.cmpi ne, %convert_element_type3A_26, %cond3A_27 : i32
    scf.if %cond3A_28 {
      %mul3A_47 = arith.constant 632 : i32
      %mul3A_48 = arith.muli %arg1, %mul3A_47 : i32
      %add3A_49 = arith.constant 512 : i32
      %add3A_50 = arith.addi %mul3A_48, %add3A_49 : i32
      "tpu.region"() ({
        %run_scoped3A = tpu.sem_alloc : memref<!tpu.dma_semaphore, #tpu.memory_space<semaphore_mem>>
        %dma_start3A = arith.constant 0 : i32
        %dma_start3A_51 = arith.constant 0 : i32
        %dma_start3A_52 = tpu.memref_slice %arg10[%dma_start3A, %dma_start3A_51] : memref<128x128xf32, #tpu.memory_space<vmem>> -> memref<8x128xf32, #tpu.memory_space<vmem>>
        %dma_start3A_53 = arith.constant 0 : i32
        %dma_start3A_54 = tpu.memref_slice %arg11[%add3A_50, %dma_start3A_53] : memref<10000x128xf32, #tpu.memory_space<vmem_shared>> -> memref<8x128xf32, #tpu.memory_space<vmem_shared>>
        %dma_start3A_55 = arith.constant 0 : i32
        %dma_start3A_56 = tpu.memref_slice %arg11[%add3A_50, %dma_start3A_55] : memref<10000x128xf32, #tpu.memory_space<vmem_shared>> -> memref<8x128xf32, #tpu.memory_space<vmem_shared>>
        %dma_start3A_57 = arith.constant 0 : i32
        %dma_start3A_58 = arith.constant 0 : i32
        %dma_start3A_59 = tpu.memref_slice %arg10[%dma_start3A_57, %dma_start3A_58] : memref<128x128xf32, #tpu.memory_space<vmem>> -> memref<8x128xf32, #tpu.memory_space<vmem>>
        tpu.enqueue_dma source(%dma_start3A_59 : memref<8x128xf32, #tpu.memory_space<vmem>>) target(%dma_start3A_56 : memref<8x128xf32, #tpu.memory_space<vmem_shared>>) target_semaphore(%run_scoped3A : memref<!tpu.dma_semaphore, #tpu.memory_space<semaphore_mem>>)
        %dma_wait3A = arith.constant 0 : i32
        %dma_wait3A_60 = arith.constant 0 : i32
        %dma_wait3A_61 = tpu.memref_slice %arg10[%dma_wait3A, %dma_wait3A_60] : memref<128x128xf32, #tpu.memory_space<vmem>> -> memref<8x128xf32, #tpu.memory_space<vmem>>
        %dma_wait3A_62 = arith.constant 0 : i32
        %dma_wait3A_63 = tpu.memref_slice %arg11[%add3A_50, %dma_wait3A_62] : memref<10000x128xf32, #tpu.memory_space<vmem_shared>> -> memref<8x128xf32, #tpu.memory_space<vmem_shared>>
        %dma_wait3A_64 = arith.constant 0 : i32
        %dma_wait3A_65 = tpu.memref_slice %arg11[%add3A_50, %dma_wait3A_64] : memref<10000x128xf32, #tpu.memory_space<vmem_shared>> -> memref<8x128xf32, #tpu.memory_space<vmem_shared>>
        %dma_wait3A_66 = arith.constant 0 : i32
        %dma_wait3A_67 = arith.constant 0 : i32
        %dma_wait3A_68 = tpu.memref_slice %arg10[%dma_wait3A_66, %dma_wait3A_67] : memref<128x128xf32, #tpu.memory_space<vmem>> -> memref<8x128xf32, #tpu.memory_space<vmem>>
        tpu.wait_dma2 semaphore(%run_scoped3A : memref<!tpu.dma_semaphore, #tpu.memory_space<semaphore_mem>>) src(%dma_wait3A_68 : memref<8x128xf32, #tpu.memory_space<vmem>>) dst(%dma_wait3A_65 : memref<8x128xf32, #tpu.memory_space<vmem_shared>>)
        tpu.yield
      }) : () -> ()
    } else {
    }
    %barrier3A = arith.constant 0 : index
    tpu.barrier barrier_id(%barrier3A)
    %scan3A_29 = arith.constant 0 : i32
    %scan3A_30 = arith.constant 0 : i32
    %scan3A_31 = arith.constant 79 : i32
    %scan3A_32 = arith.addi %scan3A_30, %scan3A_31 : i32
    %scan3A_33 = arith.constant 1 : i32
    %scan3A_34 = scf.for %scan3A_47 = %scan3A_30 to %scan3A_32 step %scan3A_33 iter_args(%scan3A_48 = %scan3A_29) -> (i32)  : i32 {
      %mul3A_49 = arith.constant 10112 : i32
      %mul3A_50 = arith.muli %add3A, %mul3A_49 : i32
      %mul3A_51 = arith.constant 128 : i32
      %mul3A_52 = arith.muli %scan3A_47, %mul3A_51 : i32
      %add3A_53 = arith.addi %mul3A_50, %mul3A_52 : i32
      "tpu.region"() ({
        %run_scoped3A = tpu.sem_alloc : memref<!tpu.dma_semaphore, #tpu.memory_space<semaphore_mem>>
        %dma_start3A_66 = tpu.memref_slice %arg3[%add3A_53] : memref<323584xi32, #tpu.memory_space<hbm>> -> memref<128xi32, #tpu.memory_space<hbm>>
        %dma_start3A_67 = tpu.memref_slice %arg3[%add3A_53] : memref<323584xi32, #tpu.memory_space<hbm>> -> memref<128xi32, #tpu.memory_space<hbm>>
        tpu.enqueue_dma source(%dma_start3A_67 : memref<128xi32, #tpu.memory_space<hbm>>) target(%arg7 : memref<128xi32, #tpu.memory_space<vmem>>) target_semaphore(%run_scoped3A : memref<!tpu.dma_semaphore, #tpu.memory_space<semaphore_mem>>)
        %dma_wait3A_68 = tpu.memref_slice %arg3[%add3A_53] : memref<323584xi32, #tpu.memory_space<hbm>> -> memref<128xi32, #tpu.memory_space<hbm>>
        %dma_wait3A_69 = tpu.memref_slice %arg3[%add3A_53] : memref<323584xi32, #tpu.memory_space<hbm>> -> memref<128xi32, #tpu.memory_space<hbm>>
        tpu.wait_dma2 semaphore(%run_scoped3A : memref<!tpu.dma_semaphore, #tpu.memory_space<semaphore_mem>>) src(%dma_wait3A_69 : memref<128xi32, #tpu.memory_space<hbm>>) dst(%arg7 : memref<128xi32, #tpu.memory_space<vmem>>)
        tpu.yield
      }) : () -> ()
      "tpu.region"() ({
        %run_scoped3A = tpu.sem_alloc : memref<!tpu.dma_semaphore, #tpu.memory_space<semaphore_mem>>
        %dma_start3A_66 = tpu.memref_slice %arg4[%add3A_53] : memref<323584xi32, #tpu.memory_space<hbm>> -> memref<128xi32, #tpu.memory_space<hbm>>
        %dma_start3A_67 = tpu.memref_slice %arg4[%add3A_53] : memref<323584xi32, #tpu.memory_space<hbm>> -> memref<128xi32, #tpu.memory_space<hbm>>
        tpu.enqueue_dma source(%dma_start3A_67 : memref<128xi32, #tpu.memory_space<hbm>>) target(%arg8 : memref<128xi32, #tpu.memory_space<vmem>>) target_semaphore(%run_scoped3A : memref<!tpu.dma_semaphore, #tpu.memory_space<semaphore_mem>>)
        %dma_wait3A_68 = tpu.memref_slice %arg4[%add3A_53] : memref<323584xi32, #tpu.memory_space<hbm>> -> memref<128xi32, #tpu.memory_space<hbm>>
        %dma_wait3A_69 = tpu.memref_slice %arg4[%add3A_53] : memref<323584xi32, #tpu.memory_space<hbm>> -> memref<128xi32, #tpu.memory_space<hbm>>
        tpu.wait_dma2 semaphore(%run_scoped3A : memref<!tpu.dma_semaphore, #tpu.memory_space<semaphore_mem>>) src(%dma_wait3A_69 : memref<128xi32, #tpu.memory_space<hbm>>) dst(%arg8 : memref<128xi32, #tpu.memory_space<vmem>>)
        tpu.yield
      }) : () -> ()
      "tpu.region"() ({
        %run_scoped3A = tpu.sem_alloc : memref<!tpu.dma_semaphore, #tpu.memory_space<semaphore_mem>>
        %dma_start3A_66 = tpu.memref_slice %arg5[%add3A_53] : memref<323584xf32, #tpu.memory_space<hbm>> -> memref<128xf32, #tpu.memory_space<hbm>>
        %dma_start3A_67 = tpu.memref_slice %arg5[%add3A_53] : memref<323584xf32, #tpu.memory_space<hbm>> -> memref<128xf32, #tpu.memory_space<hbm>>
        tpu.enqueue_dma source(%dma_start3A_67 : memref<128xf32, #tpu.memory_space<hbm>>) target(%arg9 : memref<128xf32, #tpu.memory_space<vmem>>) target_semaphore(%run_scoped3A : memref<!tpu.dma_semaphore, #tpu.memory_space<semaphore_mem>>)
        %dma_wait3A_68 = tpu.memref_slice %arg5[%add3A_53] : memref<323584xf32, #tpu.memory_space<hbm>> -> memref<128xf32, #tpu.memory_space<hbm>>
        %dma_wait3A_69 = tpu.memref_slice %arg5[%add3A_53] : memref<323584xf32, #tpu.memory_space<hbm>> -> memref<128xf32, #tpu.memory_space<hbm>>
        tpu.wait_dma2 semaphore(%run_scoped3A : memref<!tpu.dma_semaphore, #tpu.memory_space<semaphore_mem>>) src(%dma_wait3A_69 : memref<128xf32, #tpu.memory_space<hbm>>) dst(%arg9 : memref<128xf32, #tpu.memory_space<vmem>>)
        tpu.yield
      }) : () -> ()
      %dma_start3A = arith.constant 0 : i32
      %dma_start3A_54 = arith.constant 0 : i32
      %dma_start3A_55 = tpu.memref_slice %arg2[%dma_start3A, %dma_start3A_54] : memref<10000x128xf32, #tpu.memory_space<hbm>> -> memref<10000x128xf32, #tpu.memory_space<hbm>>
      tpu.enqueue_indirect_dma source(%dma_start3A_55 : memref<10000x128xf32, #tpu.memory_space<hbm>>) target(%arg10 : memref<128x128xf32, #tpu.memory_space<vmem>>) offsets(%arg7 : memref<128xi32, #tpu.memory_space<vmem>>) semaphore(%arg12 : memref<!tpu.dma_semaphore, #tpu.memory_space<semaphore_mem>>)
      %dma_wait3A = arith.constant 0 : i32
      %dma_wait3A_56 = arith.constant 0 : i32
      %dma_wait3A_57 = tpu.memref_slice %arg2[%dma_wait3A, %dma_wait3A_56] : memref<10000x128xf32, #tpu.memory_space<hbm>> -> memref<10000x128xf32, #tpu.memory_space<hbm>>
      tpu.wait_indirect_dma semaphore(%arg12 : memref<!tpu.dma_semaphore, #tpu.memory_space<semaphore_mem>>) src(%dma_wait3A_57 : memref<10000x128xf32, #tpu.memory_space<hbm>>) dst(%arg10 : memref<128x128xf32, #tpu.memory_space<vmem>>)
      %scan3A_58 = arith.constant 0 : i32
      %scan3A_59 = arith.constant 0 : i32
      %scan3A_60 = arith.constant 128 : i32
      %scan3A_61 = arith.addi %scan3A_59, %scan3A_60 : i32
      %scan3A_62 = arith.constant 1 : i32
      %scan3A_63 = scf.for %scan3A_66 = %scan3A_59 to %scan3A_61 step %scan3A_62 iter_args(%scan3A_67 = %scan3A_58) -> (i32)  : i32 {
        %jit3A = arith.constant 16 : i32
        %div3A = arith.divsi %scan3A_66, %jit3A : i32
        %sign3A = arith.constant 0 : i32
        %sign3A_68 = arith.cmpi sgt, %scan3A_66, %sign3A : i32
        %sign3A_69 = arith.extui %sign3A_68 : i1 to i32
        %sign3A_70 = arith.constant 0 : i32
        %sign3A_71 = arith.cmpi slt, %scan3A_66, %sign3A_70 : i32
        %sign3A_72 = arith.extui %sign3A_71 : i1 to i32
        %sign3A_73 = arith.subi %sign3A_69, %sign3A_72 : i32
        %sign3A_74 = arith.constant 0 : i32
        %sign3A_75 = arith.cmpi sgt, %jit3A, %sign3A_74 : i32
        %sign3A_76 = arith.extui %sign3A_75 : i1 to i32
        %sign3A_77 = arith.constant 0 : i32
        %sign3A_78 = arith.cmpi slt, %jit3A, %sign3A_77 : i32
        %sign3A_79 = arith.extui %sign3A_78 : i1 to i32
        %sign3A_80 = arith.subi %sign3A_76, %sign3A_79 : i32
        %ne3A = arith.cmpi ne, %sign3A_73, %sign3A_80 : i32
        %rem3A = arith.remsi %scan3A_66, %jit3A : i32
        %ne3A_81 = arith.constant 0 : i32
        %ne3A_82 = arith.cmpi ne, %rem3A, %ne3A_81 : i32
        %and3A = arith.andi %ne3A, %ne3A_82 : i1
        %sub3A = arith.constant 1 : i32
        %sub3A_83 = arith.subi %div3A, %sub3A : i32
        %select_n3A = arith.select %and3A, %sub3A_83, %div3A : i32
        %mul3A_84 = arith.constant 16 : i32
        %mul3A_85 = arith.muli %select_n3A, %mul3A_84 : i32
        %get3A = arith.index_cast %mul3A_85 : i32 to index
        %get3A_86 = tpu.vector_load %arg9[%get3A] {strides = array<i32>} : memref<128xf32, #tpu.memory_space<vmem>>, vector<16xf32>,
        %get3A_87 = vector.shape_cast %get3A_86 : vector<16xf32> to vector<16xf32>
        %jit3A_88 = arith.constant 16 : i32
        %eq3A_89 = arith.constant 0 : i32
        %eq3A_90 = arith.cmpi eq, %jit3A_88, %eq3A_89 : i32
        %jit3A_91 = arith.constant 1 : i32
        %select_n3A_92 = arith.select %eq3A_90, %jit3A_91, %jit3A_88 : i32
        %rem3A_93 = arith.remsi %scan3A_66, %select_n3A_92 : i32
        %ne3A_94 = arith.constant 0 : i32
        %ne3A_95 = arith.cmpi ne, %rem3A_93, %ne3A_94 : i32
        %lt3A_96 = arith.constant 0 : i32
        %lt3A_97 = arith.cmpi slt, %rem3A_93, %lt3A_96 : i32
        %lt3A_98 = arith.constant 0 : i32
        %lt3A_99 = arith.cmpi slt, %select_n3A_92, %lt3A_98 : i32
        %ne3A_100 = arith.xori %lt3A_97, %lt3A_99 : i1
        %and3A_101 = arith.andi %ne3A_100, %ne3A_95 : i1
        %add3A_102 = arith.addi %rem3A_93, %select_n3A_92 : i32
        %select_n3A_103 = arith.select %and3A_101, %add3A_102, %rem3A_93 : i32
        %broadcast_in_dim3A = vector.broadcast %select_n3A_103 : i32 to vector<16xi32>
        %broadcast_in_dim3A_104 = vector.shape_cast %broadcast_in_dim3A : vector<16xi32> to vector<16x1xi32>
        %gather3A = vector.shape_cast %broadcast_in_dim3A_104 : vector<16x1xi32> to vector<16xi32>
        %gather3A_105 = tpu.dynamic_gather %get3A_87[%gather3A] in [0] : vector<16xf32>, vector<16xi32> -> vector<16xf32>
        %get3A_106 = arith.index_cast %scan3A_66 : i32 to index
        %get3A_107 = arith.constant 0 : index
        %get3A_108 = tpu.vector_load %arg10[%get3A_106, %get3A_107] {strides = array<i32>} : memref<128x128xf32, #tpu.memory_space<vmem>>, vector<1x16xf32>,
        %get3A_109 = vector.shape_cast %get3A_108 : vector<1x16xf32> to vector<16xf32>
        %mul3A_110 = arith.mulf %get3A_109, %gather3A_105 : vector<16xf32>
        %swap3A = arith.index_cast %scan3A_66 : i32 to index
        %swap3A_111 = arith.constant 0 : index
        %swap3A_112 = tpu.vector_load %arg10[%swap3A, %swap3A_111] {strides = array<i32>} : memref<128x128xf32, #tpu.memory_space<vmem>>, vector<1x16xf32>,
        %swap3A_113 = vector.shape_cast %swap3A_112 : vector<1x16xf32> to vector<16xf32>
        %swap3A_114 = vector.shape_cast %mul3A_110 : vector<16xf32> to vector<1x16xf32>
        tpu.vector_store %arg10[%swap3A, %swap3A_111], %swap3A_114 {strides = array<i32>} : memref<128x128xf32, #tpu.memory_space<vmem>>, vector<1x16xf32>,
        %get3A_115 = arith.index_cast %scan3A_66 : i32 to index
        %get3A_116 = arith.constant 16 : index
        %get3A_117 = tpu.vector_load %arg10[%get3A_115, %get3A_116] {strides = array<i32>} : memref<128x128xf32, #tpu.memory_space<vmem>>, vector<1x16xf32>,
        %get3A_118 = vector.shape_cast %get3A_117 : vector<1x16xf32> to vector<16xf32>
        %mul3A_119 = arith.mulf %get3A_118, %gather3A_105 : vector<16xf32>
        %swap3A_120 = arith.index_cast %scan3A_66 : i32 to index
        %swap3A_121 = arith.constant 16 : index
        %swap3A_122 = tpu.vector_load %arg10[%swap3A_120, %swap3A_121] {strides = array<i32>} : memref<128x128xf32, #tpu.memory_space<vmem>>, vector<1x16xf32>,
        %swap3A_123 = vector.shape_cast %swap3A_122 : vector<1x16xf32> to vector<16xf32>
        %swap3A_124 = vector.shape_cast %mul3A_119 : vector<16xf32> to vector<1x16xf32>
        tpu.vector_store %arg10[%swap3A_120, %swap3A_121], %swap3A_124 {strides = array<i32>} : memref<128x128xf32, #tpu.memory_space<vmem>>, vector<1x16xf32>,
        %get3A_125 = arith.index_cast %scan3A_66 : i32 to index
        %get3A_126 = arith.constant 32 : index
        %get3A_127 = tpu.vector_load %arg10[%get3A_125, %get3A_126] {strides = array<i32>} : memref<128x128xf32, #tpu.memory_space<vmem>>, vector<1x16xf32>,
        %get3A_128 = vector.shape_cast %get3A_127 : vector<1x16xf32> to vector<16xf32>
        %mul3A_129 = arith.mulf %get3A_128, %gather3A_105 : vector<16xf32>
        %swap3A_130 = arith.index_cast %scan3A_66 : i32 to index
        %swap3A_131 = arith.constant 32 : index
        %swap3A_132 = tpu.vector_load %arg10[%swap3A_130, %swap3A_131] {strides = array<i32>} : memref<128x128xf32, #tpu.memory_space<vmem>>, vector<1x16xf32>,
        %swap3A_133 = vector.shape_cast %swap3A_132 : vector<1x16xf32> to vector<16xf32>
        %swap3A_134 = vector.shape_cast %mul3A_129 : vector<16xf32> to vector<1x16xf32>
        tpu.vector_store %arg10[%swap3A_130, %swap3A_131], %swap3A_134 {strides = array<i32>} : memref<128x128xf32, #tpu.memory_space<vmem>>, vector<1x16xf32>,
        %get3A_135 = arith.index_cast %scan3A_66 : i32 to index
        %get3A_136 = arith.constant 48 : index
        %get3A_137 = tpu.vector_load %arg10[%get3A_135, %get3A_136] {strides = array<i32>} : memref<128x128xf32, #tpu.memory_space<vmem>>, vector<1x16xf32>,
        %get3A_138 = vector.shape_cast %get3A_137 : vector<1x16xf32> to vector<16xf32>
        %mul3A_139 = arith.mulf %get3A_138, %gather3A_105 : vector<16xf32>
        %swap3A_140 = arith.index_cast %scan3A_66 : i32 to index
        %swap3A_141 = arith.constant 48 : index
        %swap3A_142 = tpu.vector_load %arg10[%swap3A_140, %swap3A_141] {strides = array<i32>} : memref<128x128xf32, #tpu.memory_space<vmem>>, vector<1x16xf32>,
        %swap3A_143 = vector.shape_cast %swap3A_142 : vector<1x16xf32> to vector<16xf32>
        %swap3A_144 = vector.shape_cast %mul3A_139 : vector<16xf32> to vector<1x16xf32>
        tpu.vector_store %arg10[%swap3A_140, %swap3A_141], %swap3A_144 {strides = array<i32>} : memref<128x128xf32, #tpu.memory_space<vmem>>, vector<1x16xf32>,
        %get3A_145 = arith.index_cast %scan3A_66 : i32 to index
        %get3A_146 = arith.constant 64 : index
        %get3A_147 = tpu.vector_load %arg10[%get3A_145, %get3A_146] {strides = array<i32>} : memref<128x128xf32, #tpu.memory_space<vmem>>, vector<1x16xf32>,
        %get3A_148 = vector.shape_cast %get3A_147 : vector<1x16xf32> to vector<16xf32>
        %mul3A_149 = arith.mulf %get3A_148, %gather3A_105 : vector<16xf32>
        %swap3A_150 = arith.index_cast %scan3A_66 : i32 to index
        %swap3A_151 = arith.constant 64 : index
        %swap3A_152 = tpu.vector_load %arg10[%swap3A_150, %swap3A_151] {strides = array<i32>} : memref<128x128xf32, #tpu.memory_space<vmem>>, vector<1x16xf32>,
        %swap3A_153 = vector.shape_cast %swap3A_152 : vector<1x16xf32> to vector<16xf32>
        %swap3A_154 = vector.shape_cast %mul3A_149 : vector<16xf32> to vector<1x16xf32>
        tpu.vector_store %arg10[%swap3A_150, %swap3A_151], %swap3A_154 {strides = array<i32>} : memref<128x128xf32, #tpu.memory_space<vmem>>, vector<1x16xf32>,
        %get3A_155 = arith.index_cast %scan3A_66 : i32 to index
        %get3A_156 = arith.constant 80 : index
        %get3A_157 = tpu.vector_load %arg10[%get3A_155, %get3A_156] {strides = array<i32>} : memref<128x128xf32, #tpu.memory_space<vmem>>, vector<1x16xf32>,
        %get3A_158 = vector.shape_cast %get3A_157 : vector<1x16xf32> to vector<16xf32>
        %mul3A_159 = arith.mulf %get3A_158, %gather3A_105 : vector<16xf32>
        %swap3A_160 = arith.index_cast %scan3A_66 : i32 to index
        %swap3A_161 = arith.constant 80 : index
        %swap3A_162 = tpu.vector_load %arg10[%swap3A_160, %swap3A_161] {strides = array<i32>} : memref<128x128xf32, #tpu.memory_space<vmem>>, vector<1x16xf32>,
        %swap3A_163 = vector.shape_cast %swap3A_162 : vector<1x16xf32> to vector<16xf32>
        %swap3A_164 = vector.shape_cast %mul3A_159 : vector<16xf32> to vector<1x16xf32>
        tpu.vector_store %arg10[%swap3A_160, %swap3A_161], %swap3A_164 {strides = array<i32>} : memref<128x128xf32, #tpu.memory_space<vmem>>, vector<1x16xf32>,
        %get3A_165 = arith.index_cast %scan3A_66 : i32 to index
        %get3A_166 = arith.constant 96 : index
        %get3A_167 = tpu.vector_load %arg10[%get3A_165, %get3A_166] {strides = array<i32>} : memref<128x128xf32, #tpu.memory_space<vmem>>, vector<1x16xf32>,
        %get3A_168 = vector.shape_cast %get3A_167 : vector<1x16xf32> to vector<16xf32>
        %mul3A_169 = arith.mulf %get3A_168, %gather3A_105 : vector<16xf32>
        %swap3A_170 = arith.index_cast %scan3A_66 : i32 to index
        %swap3A_171 = arith.constant 96 : index
        %swap3A_172 = tpu.vector_load %arg10[%swap3A_170, %swap3A_171] {strides = array<i32>} : memref<128x128xf32, #tpu.memory_space<vmem>>, vector<1x16xf32>,
        %swap3A_173 = vector.shape_cast %swap3A_172 : vector<1x16xf32> to vector<16xf32>
        %swap3A_174 = vector.shape_cast %mul3A_169 : vector<16xf32> to vector<1x16xf32>
        tpu.vector_store %arg10[%swap3A_170, %swap3A_171], %swap3A_174 {strides = array<i32>} : memref<128x128xf32, #tpu.memory_space<vmem>>, vector<1x16xf32>,
        %get3A_175 = arith.index_cast %scan3A_66 : i32 to index
        %get3A_176 = arith.constant 112 : index
        %get3A_177 = tpu.vector_load %arg10[%get3A_175, %get3A_176] {strides = array<i32>} : memref<128x128xf32, #tpu.memory_space<vmem>>, vector<1x16xf32>,
        %get3A_178 = vector.shape_cast %get3A_177 : vector<1x16xf32> to vector<16xf32>
        %mul3A_179 = arith.mulf %get3A_178, %gather3A_105 : vector<16xf32>
        %swap3A_180 = arith.index_cast %scan3A_66 : i32 to index
        %swap3A_181 = arith.constant 112 : index
        %swap3A_182 = tpu.vector_load %arg10[%swap3A_180, %swap3A_181] {strides = array<i32>} : memref<128x128xf32, #tpu.memory_space<vmem>>, vector<1x16xf32>,
        %swap3A_183 = vector.shape_cast %swap3A_182 : vector<1x16xf32> to vector<16xf32>
        %swap3A_184 = vector.shape_cast %mul3A_179 : vector<16xf32> to vector<1x16xf32>
        tpu.vector_store %arg10[%swap3A_180, %swap3A_181], %swap3A_184 {strides = array<i32>} : memref<128x128xf32, #tpu.memory_space<vmem>>, vector<1x16xf32>,
        %scan3A_185 = arith.constant 0 : i32
        scf.yield %scan3A_185 : i32
      }
      %scan3A_64 = arith.constant 128 : i32
      "tpu.region"() ({
        %run_scoped3A = tpu.sem_alloc : memref<!tpu.dma_semaphore, #tpu.memory_space<semaphore_mem>>
        %dma_start3A_66 = arith.constant 0 : i32
        %dma_start3A_67 = arith.constant 0 : i32
        %dma_start3A_68 = tpu.memref_slice %arg11[%dma_start3A_66, %dma_start3A_67] : memref<10000x128xf32, #tpu.memory_space<vmem_shared>> -> memref<10000x128xf32, #tpu.memory_space<vmem_shared>>
        tpu.enqueue_indirect_dma source(%arg10 : memref<128x128xf32, #tpu.memory_space<vmem>>) target(%dma_start3A_68 : memref<10000x128xf32, #tpu.memory_space<vmem_shared>>) offsets(%arg8 : memref<128xi32, #tpu.memory_space<vmem>>) semaphore(%run_scoped3A : memref<!tpu.dma_semaphore, #tpu.memory_space<semaphore_mem>>) {add = true}
        %dma_wait3A_69 = arith.constant 0 : i32
        %dma_wait3A_70 = arith.constant 0 : i32
        %dma_wait3A_71 = tpu.memref_slice %arg11[%dma_wait3A_69, %dma_wait3A_70] : memref<10000x128xf32, #tpu.memory_space<vmem_shared>> -> memref<10000x128xf32, #tpu.memory_space<vmem_shared>>
        tpu.wait_indirect_dma semaphore(%run_scoped3A : memref<!tpu.dma_semaphore, #tpu.memory_space<semaphore_mem>>) src(%arg10 : memref<128x128xf32, #tpu.memory_space<vmem>>) dst(%dma_wait3A_71 : memref<10000x128xf32, #tpu.memory_space<vmem_shared>>)
        tpu.yield
      }) : () -> ()
      %scan3A_65 = arith.constant 0 : i32
      scf.yield %scan3A_65 : i32
    }
    %scan3A_35 = arith.constant 79 : i32
    %barrier3A_36 = arith.constant 0 : index
    tpu.barrier barrier_id(%barrier3A_36)
    %lt3A_37 = arith.constant 15 : i32
    %lt3A_38 = arith.cmpi slt, %arg1, %lt3A_37 : i32
    %convert_element_type3A_39 = arith.extui %lt3A_38 : i1 to i32
    %cond3A_40 = arith.constant 0 : i32
    %cond3A_41 = arith.cmpi ne, %convert_element_type3A_39, %cond3A_40 : i32
    scf.if %cond3A_41 {
      %mul3A_47 = arith.constant 632 : i32
      %mul3A_48 = arith.muli %arg1, %mul3A_47 : i32
      %mul3A_49 = arith.constant 632 : i32
      %mul3A_50 = arith.muli %arg1, %mul3A_49 : i32
      "tpu.region"() ({
        %run_scoped3A = tpu.sem_alloc : memref<!tpu.dma_semaphore, #tpu.memory_space<semaphore_mem>>
        %dma_start3A = arith.constant 0 : i32
        %dma_start3A_51 = tpu.memref_slice %arg6[%arg0, %mul3A_50, %dma_start3A] : memref<2x10000x128xf32, #tpu.memory_space<hbm>> -> memref<1x632x128xf32, #tpu.memory_space<hbm>>
        %dma_start3A_52 = tpu.memref_squeeze %dma_start3A_51 : memref<1x632x128xf32, #tpu.memory_space<hbm>> -> memref<632x128xf32, #tpu.memory_space<hbm>>
        %dma_start3A_53 = arith.constant 0 : i32
        %dma_start3A_54 = tpu.memref_slice %arg11[%mul3A_48, %dma_start3A_53] : memref<10000x128xf32, #tpu.memory_space<vmem_shared>> -> memref<632x128xf32, #tpu.memory_space<vmem_shared>>
        tpu.enqueue_dma source(%dma_start3A_54 : memref<632x128xf32, #tpu.memory_space<vmem_shared>>) target(%dma_start3A_52 : memref<632x128xf32, #tpu.memory_space<hbm>>) target_semaphore(%run_scoped3A : memref<!tpu.dma_semaphore, #tpu.memory_space<semaphore_mem>>)
        %dma_wait3A = arith.constant 0 : i32
        %dma_wait3A_55 = tpu.memref_slice %arg6[%arg0, %mul3A_50, %dma_wait3A] : memref<2x10000x128xf32, #tpu.memory_space<hbm>> -> memref<1x632x128xf32, #tpu.memory_space<hbm>>
        %dma_wait3A_56 = tpu.memref_squeeze %dma_wait3A_55 : memref<1x632x128xf32, #tpu.memory_space<hbm>> -> memref<632x128xf32, #tpu.memory_space<hbm>>
        %dma_wait3A_57 = arith.constant 0 : i32
        %dma_wait3A_58 = tpu.memref_slice %arg11[%mul3A_48, %dma_wait3A_57] : memref<10000x128xf32, #tpu.memory_space<vmem_shared>> -> memref<632x128xf32, #tpu.memory_space<vmem_shared>>
        tpu.wait_dma2 semaphore(%run_scoped3A : memref<!tpu.dma_semaphore, #tpu.memory_space<semaphore_mem>>) src(%dma_wait3A_58 : memref<632x128xf32, #tpu.memory_space<vmem_shared>>) dst(%dma_wait3A_56 : memref<632x128xf32, #tpu.memory_space<hbm>>)
        tpu.yield
      }) : () -> ()
    } else {
    }
    %eq3A_42 = arith.constant 15 : i32
    %eq3A_43 = arith.cmpi eq, %arg1, %eq3A_42 : i32
    %convert_element_type3A_44 = arith.extui %eq3A_43 : i1 to i32
    %cond3A_45 = arith.constant 0 : i32
    %cond3A_46 = arith.cmpi ne, %convert_element_type3A_44, %cond3A_45 : i32
    scf.if %cond3A_46 {
      %mul3A_47 = arith.constant 632 : i32
      %mul3A_48 = arith.muli %arg1, %mul3A_47 : i32
      %mul3A_49 = arith.constant 632 : i32
      %mul3A_50 = arith.muli %arg1, %mul3A_49 : i32
      "tpu.region"() ({
        %run_scoped3A = tpu.sem_alloc : memref<!tpu.dma_semaphore, #tpu.memory_space<semaphore_mem>>
        %dma_start3A = arith.constant 0 : i32
        %dma_start3A_51 = tpu.memref_slice %arg6[%arg0, %mul3A_50, %dma_start3A] : memref<2x10000x128xf32, #tpu.memory_space<hbm>> -> memref<1x520x128xf32, #tpu.memory_space<hbm>>
        %dma_start3A_52 = tpu.memref_squeeze %dma_start3A_51 : memref<1x520x128xf32, #tpu.memory_space<hbm>> -> memref<520x128xf32, #tpu.memory_space<hbm>>
        %dma_start3A_53 = arith.constant 0 : i32
        %dma_start3A_54 = tpu.memref_slice %arg11[%mul3A_48, %dma_start3A_53] : memref<10000x128xf32, #tpu.memory_space<vmem_shared>> -> memref<520x128xf32, #tpu.memory_space<vmem_shared>>
        tpu.enqueue_dma source(%dma_start3A_54 : memref<520x128xf32, #tpu.memory_space<vmem_shared>>) target(%dma_start3A_52 : memref<520x128xf32, #tpu.memory_space<hbm>>) target_semaphore(%run_scoped3A : memref<!tpu.dma_semaphore, #tpu.memory_space<semaphore_mem>>)
        %dma_wait3A = arith.constant 0 : i32
        %dma_wait3A_55 = tpu.memref_slice %arg6[%arg0, %mul3A_50, %dma_wait3A] : memref<2x10000x128xf32, #tpu.memory_space<hbm>> -> memref<1x520x128xf32, #tpu.memory_space<hbm>>
        %dma_wait3A_56 = tpu.memref_squeeze %dma_wait3A_55 : memref<1x520x128xf32, #tpu.memory_space<hbm>> -> memref<520x128xf32, #tpu.memory_space<hbm>>
        %dma_wait3A_57 = arith.constant 0 : i32
        %dma_wait3A_58 = tpu.memref_slice %arg11[%mul3A_48, %dma_wait3A_57] : memref<10000x128xf32, #tpu.memory_space<vmem_shared>> -> memref<520x128xf32, #tpu.memory_space<vmem_shared>>
        tpu.wait_dma2 semaphore(%run_scoped3A : memref<!tpu.dma_semaphore, #tpu.memory_space<semaphore_mem>>) src(%dma_wait3A_58 : memref<520x128xf32, #tpu.memory_space<vmem_shared>>) dst(%dma_wait3A_56 : memref<520x128xf32, #tpu.memory_space<hbm>>)
        tpu.yield
      }) : () -> ()
    } else {
    }
    return
  }
}

#map = affine_map<(d0, d1) -> (0, 0)>
#map1 = affine_map<(d0, d1) -> (0)>
#map2 = affine_map<(d0, d1) -> (0, 0, 0)>
module attributes {stable_mosaic.version = 14 : i64} {
  func.func @_layer(%arg0: i32, %arg1: i32, %arg2: memref<10000x128xf32, #tpu.memory_space<hbm>>, %arg3: memref<323584xi32, #tpu.memory_space<hbm>>, %arg4: memref<323584xi32, #tpu.memory_space<hbm>>, %arg5: memref<323584xf32, #tpu.memory_space<hbm>>, %arg6: memref<2x10000x128xf32, #tpu.memory_space<hbm>>, %arg7: memref<128xi32, #tpu.memory_space<vmem>>, %arg8: memref<128xi32, #tpu.memory_space<vmem>>, %arg9: memref<128xf32, #tpu.memory_space<vmem>>, %arg10: memref<128x128xf32, #tpu.memory_space<vmem>>, %arg11: memref<10000x128xf32, #tpu.memory_space<vmem_shared>>, %arg12: memref<!tpu.dma_semaphore, #tpu.memory_space<semaphore_mem>>) attributes {dimension_semantics = [#tpu.dimension_semantics<core_parallel>, #tpu.dimension_semantics<subcore_parallel>], iteration_bounds = array<i64: 2, 16>, scalar_prefetch = 0 : i64, scratch_operands = 6 : i64, tpu.core_type = #tpu.core_type<sc_vector_subcore>, window_params = [{transform_indices = #map}, {transform_indices = #map1}, {transform_indices = #map1}, {transform_indices = #map1}, {transform_indices = #map2}]} {
    %mul3A = arith.constant 2 : i32
    %mul3A_0 = arith.muli %arg1, %mul3A : i32
    %add3A = arith.addi %mul3A_0, %arg0 : i32
    %scan3A = arith.constant 0 : i32
    %scan3A_1 = arith.constant 0 : i32
    %scan3A_2 = arith.constant 128 : i32
    %scan3A_3 = arith.addi %scan3A_1, %scan3A_2 : i32
    %scan3A_4 = arith.constant 1 : i32
    %scan3A_5 = scf.for %scan3A_47 = %scan3A_1 to %scan3A_3 step %scan3A_4 iter_args(%scan3A_48 = %scan3A) -> (i32)  : i32 {
      %broadcast_in_dim3A = arith.constant 0.000000e+00 : f32
      %broadcast_in_dim3A_49 = vector.broadcast %broadcast_in_dim3A : f32 to vector<16xf32>
      %swap3A = arith.index_cast %scan3A_47 : i32 to index
      %swap3A_50 = arith.constant 0 : index
      %swap3A_51 = tpu.vector_load %arg10[%swap3A, %swap3A_50] {strides = array<i32>} : memref<128x128xf32, #tpu.memory_space<vmem>>, vector<1x16xf32>,
      %swap3A_52 = vector.shape_cast %swap3A_51 : vector<1x16xf32> to vector<16xf32>
      %swap3A_53 = vector.shape_cast %broadcast_in_dim3A_49 : vector<16xf32> to vector<1x16xf32>
      tpu.vector_store %arg10[%swap3A, %swap3A_50], %swap3A_53 {strides = array<i32>} : memref<128x128xf32, #tpu.memory_space<vmem>>, vector<1x16xf32>,
      %broadcast_in_dim3A_54 = arith.constant 0.000000e+00 : f32
      %broadcast_in_dim3A_55 = vector.broadcast %broadcast_in_dim3A_54 : f32 to vector<16xf32>
      %swap3A_56 = arith.index_cast %scan3A_47 : i32 to index
      %swap3A_57 = arith.constant 16 : index
      %swap3A_58 = tpu.vector_load %arg10[%swap3A_56, %swap3A_57] {strides = array<i32>} : memref<128x128xf32, #tpu.memory_space<vmem>>, vector<1x16xf32>,
      %swap3A_59 = vector.shape_cast %swap3A_58 : vector<1x16xf32> to vector<16xf32>
      %swap3A_60 = vector.shape_cast %broadcast_in_dim3A_55 : vector<16xf32> to vector<1x16xf32>
      tpu.vector_store %arg10[%swap3A_56, %swap3A_57], %swap3A_60 {strides = array<i32>} : memref<128x128xf32, #tpu.memory_space<vmem>>, vector<1x16xf32>,
      %broadcast_in_dim3A_61 = arith.constant 0.000000e+00 : f32
      %broadcast_in_dim3A_62 = vector.broadcast %broadcast_in_dim3A_61 : f32 to vector<16xf32>
      %swap3A_63 = arith.index_cast %scan3A_47 : i32 to index
      %swap3A_64 = arith.constant 32 : index
      %swap3A_65 = tpu.vector_load %arg10[%swap3A_63, %swap3A_64] {strides = array<i32>} : memref<128x128xf32, #tpu.memory_space<vmem>>, vector<1x16xf32>,
      %swap3A_66 = vector.shape_cast %swap3A_65 : vector<1x16xf32> to vector<16xf32>
      %swap3A_67 = vector.shape_cast %broadcast_in_dim3A_62 : vector<16xf32> to vector<1x16xf32>
      tpu.vector_store %arg10[%swap3A_63, %swap3A_64], %swap3A_67 {strides = array<i32>} : memref<128x128xf32, #tpu.memory_space<vmem>>, vector<1x16xf32>,
      %broadcast_in_dim3A_68 = arith.constant 0.000000e+00 : f32
      %broadcast_in_dim3A_69 = vector.broadcast %broadcast_in_dim3A_68 : f32 to vector<16xf32>
      %swap3A_70 = arith.index_cast %scan3A_47 : i32 to index
      %swap3A_71 = arith.constant 48 : index
      %swap3A_72 = tpu.vector_load %arg10[%swap3A_70, %swap3A_71] {strides = array<i32>} : memref<128x128xf32, #tpu.memory_space<vmem>>, vector<1x16xf32>,
      %swap3A_73 = vector.shape_cast %swap3A_72 : vector<1x16xf32> to vector<16xf32>
      %swap3A_74 = vector.shape_cast %broadcast_in_dim3A_69 : vector<16xf32> to vector<1x16xf32>
      tpu.vector_store %arg10[%swap3A_70, %swap3A_71], %swap3A_74 {strides = array<i32>} : memref<128x128xf32, #tpu.memory_space<vmem>>, vector<1x16xf32>,
      %broadcast_in_dim3A_75 = arith.constant 0.000000e+00 : f32
      %broadcast_in_dim3A_76 = vector.broadcast %broadcast_in_dim3A_75 : f32 to vector<16xf32>
      %swap3A_77 = arith.index_cast %scan3A_47 : i32 to index
      %swap3A_78 = arith.constant 64 : index
      %swap3A_79 = tpu.vector_load %arg10[%swap3A_77, %swap3A_78] {strides = array<i32>} : memref<128x128xf32, #tpu.memory_space<vmem>>, vector<1x16xf32>,
      %swap3A_80 = vector.shape_cast %swap3A_79 : vector<1x16xf32> to vector<16xf32>
      %swap3A_81 = vector.shape_cast %broadcast_in_dim3A_76 : vector<16xf32> to vector<1x16xf32>
      tpu.vector_store %arg10[%swap3A_77, %swap3A_78], %swap3A_81 {strides = array<i32>} : memref<128x128xf32, #tpu.memory_space<vmem>>, vector<1x16xf32>,
      %broadcast_in_dim3A_82 = arith.constant 0.000000e+00 : f32
      %broadcast_in_dim3A_83 = vector.broadcast %broadcast_in_dim3A_82 : f32 to vector<16xf32>
      %swap3A_84 = arith.index_cast %scan3A_47 : i32 to index
      %swap3A_85 = arith.constant 80 : index
      %swap3A_86 = tpu.vector_load %arg10[%swap3A_84, %swap3A_85] {strides = array<i32>} : memref<128x128xf32, #tpu.memory_space<vmem>>, vector<1x16xf32>,
      %swap3A_87 = vector.shape_cast %swap3A_86 : vector<1x16xf32> to vector<16xf32>
      %swap3A_88 = vector.shape_cast %broadcast_in_dim3A_83 : vector<16xf32> to vector<1x16xf32>
      tpu.vector_store %arg10[%swap3A_84, %swap3A_85], %swap3A_88 {strides = array<i32>} : memref<128x128xf32, #tpu.memory_space<vmem>>, vector<1x16xf32>,
      %broadcast_in_dim3A_89 = arith.constant 0.000000e+00 : f32
      %broadcast_in_dim3A_90 = vector.broadcast %broadcast_in_dim3A_89 : f32 to vector<16xf32>
      %swap3A_91 = arith.index_cast %scan3A_47 : i32 to index
      %swap3A_92 = arith.constant 96 : index
      %swap3A_93 = tpu.vector_load %arg10[%swap3A_91, %swap3A_92] {strides = array<i32>} : memref<128x128xf32, #tpu.memory_space<vmem>>, vector<1x16xf32>,
      %swap3A_94 = vector.shape_cast %swap3A_93 : vector<1x16xf32> to vector<16xf32>
      %swap3A_95 = vector.shape_cast %broadcast_in_dim3A_90 : vector<16xf32> to vector<1x16xf32>
      tpu.vector_store %arg10[%swap3A_91, %swap3A_92], %swap3A_95 {strides = array<i32>} : memref<128x128xf32, #tpu.memory_space<vmem>>, vector<1x16xf32>,
      %broadcast_in_dim3A_96 = arith.constant 0.000000e+00 : f32
      %broadcast_in_dim3A_97 = vector.broadcast %broadcast_in_dim3A_96 : f32 to vector<16xf32>
      %swap3A_98 = arith.index_cast %scan3A_47 : i32 to index
      %swap3A_99 = arith.constant 112 : index
      %swap3A_100 = tpu.vector_load %arg10[%swap3A_98, %swap3A_99] {strides = array<i32>} : memref<128x128xf32, #tpu.memory_space<vmem>>, vector<1x16xf32>,
      %swap3A_101 = vector.shape_cast %swap3A_100 : vector<1x16xf32> to vector<16xf32>
      %swap3A_102 = vector.shape_cast %broadcast_in_dim3A_97 : vector<16xf32> to vector<1x16xf32>
      tpu.vector_store %arg10[%swap3A_98, %swap3A_99], %swap3A_102 {strides = array<i32>} : memref<128x128xf32, #tpu.memory_space<vmem>>, vector<1x16xf32>,
      %scan3A_103 = arith.constant 0 : i32
      scf.yield %scan3A_103 : i32
    }
    %scan3A_6 = arith.constant 128 : i32
    %mul3A_7 = arith.constant 632 : i32
    %mul3A_8 = arith.muli %arg1, %mul3A_7 : i32
    %add3A_9 = arith.constant 0 : i32
    %add3A_10 = arith.addi %mul3A_8, %add3A_9 : i32
    "tpu.region"() ({
      %run_scoped3A = tpu.sem_alloc : memref<!tpu.dma_semaphore, #tpu.memory_space<semaphore_mem>>
      %dma_start3A = arith.constant 0 : i32
      %dma_start3A_47 = arith.constant 0 : i32
      %dma_start3A_48 = tpu.memref_slice %arg10[%dma_start3A, %dma_start3A_47] : memref<128x128xf32, #tpu.memory_space<vmem>> -> memref<128x128xf32, #tpu.memory_space<vmem>>
      %dma_start3A_49 = arith.constant 0 : i32
      %dma_start3A_50 = tpu.memref_slice %arg11[%add3A_10, %dma_start3A_49] : memref<10000x128xf32, #tpu.memory_space<vmem_shared>> -> memref<128x128xf32, #tpu.memory_space<vmem_shared>>
      %dma_start3A_51 = arith.constant 0 : i32
      %dma_start3A_52 = tpu.memref_slice %arg11[%add3A_10, %dma_start3A_51] : memref<10000x128xf32, #tpu.memory_space<vmem_shared>> -> memref<128x128xf32, #tpu.memory_space<vmem_shared>>
      %dma_start3A_53 = arith.constant 0 : i32
      %dma_start3A_54 = arith.constant 0 : i32
      %dma_start3A_55 = tpu.memref_slice %arg10[%dma_start3A_53, %dma_start3A_54] : memref<128x128xf32, #tpu.memory_space<vmem>> -> memref<128x128xf32, #tpu.memory_space<vmem>>
      tpu.enqueue_dma source(%dma_start3A_55 : memref<128x128xf32, #tpu.memory_space<vmem>>) target(%dma_start3A_52 : memref<128x128xf32, #tpu.memory_space<vmem_shared>>) target_semaphore(%run_scoped3A : memref<!tpu.dma_semaphore, #tpu.memory_space<semaphore_mem>>)
      %dma_wait3A = arith.constant 0 : i32
      %dma_wait3A_56 = arith.constant 0 : i32
      %dma_wait3A_57 = tpu.memref_slice %arg10[%dma_wait3A, %dma_wait3A_56] : memref<128x128xf32, #tpu.memory_space<vmem>> -> memref<128x128xf32, #tpu.memory_space<vmem>>
      %dma_wait3A_58 = arith.constant 0 : i32
      %dma_wait3A_59 = tpu.memref_slice %arg11[%add3A_10, %dma_wait3A_58] : memref<10000x128xf32, #tpu.memory_space<vmem_shared>> -> memref<128x128xf32, #tpu.memory_space<vmem_shared>>
      %dma_wait3A_60 = arith.constant 0 : i32
      %dma_wait3A_61 = tpu.memref_slice %arg11[%add3A_10, %dma_wait3A_60] : memref<10000x128xf32, #tpu.memory_space<vmem_shared>> -> memref<128x128xf32, #tpu.memory_space<vmem_shared>>
      %dma_wait3A_62 = arith.constant 0 : i32
      %dma_wait3A_63 = arith.constant 0 : i32
      %dma_wait3A_64 = tpu.memref_slice %arg10[%dma_wait3A_62, %dma_wait3A_63] : memref<128x128xf32, #tpu.memory_space<vmem>> -> memref<128x128xf32, #tpu.memory_space<vmem>>
      tpu.wait_dma2 semaphore(%run_scoped3A : memref<!tpu.dma_semaphore, #tpu.memory_space<semaphore_mem>>) src(%dma_wait3A_64 : memref<128x128xf32, #tpu.memory_space<vmem>>) dst(%dma_wait3A_61 : memref<128x128xf32, #tpu.memory_space<vmem_shared>>)
      tpu.yield
    }) : () -> ()
    %mul3A_11 = arith.constant 632 : i32
    %mul3A_12 = arith.muli %arg1, %mul3A_11 : i32
    %add3A_13 = arith.constant 128 : i32
    %add3A_14 = arith.addi %mul3A_12, %add3A_13 : i32
    "tpu.region"() ({
      %run_scoped3A = tpu.sem_alloc : memref<!tpu.dma_semaphore, #tpu.memory_space<semaphore_mem>>
      %dma_start3A = arith.constant 0 : i32
      %dma_start3A_47 = arith.constant 0 : i32
      %dma_start3A_48 = tpu.memref_slice %arg10[%dma_start3A, %dma_start3A_47] : memref<128x128xf32, #tpu.memory_space<vmem>> -> memref<128x128xf32, #tpu.memory_space<vmem>>
      %dma_start3A_49 = arith.constant 0 : i32
      %dma_start3A_50 = tpu.memref_slice %arg11[%add3A_14, %dma_start3A_49] : memref<10000x128xf32, #tpu.memory_space<vmem_shared>> -> memref<128x128xf32, #tpu.memory_space<vmem_shared>>
      %dma_start3A_51 = arith.constant 0 : i32
      %dma_start3A_52 = tpu.memref_slice %arg11[%add3A_14, %dma_start3A_51] : memref<10000x128xf32, #tpu.memory_space<vmem_shared>> -> memref<128x128xf32, #tpu.memory_space<vmem_shared>>
      %dma_start3A_53 = arith.constant 0 : i32
      %dma_start3A_54 = arith.constant 0 : i32
      %dma_start3A_55 = tpu.memref_slice %arg10[%dma_start3A_53, %dma_start3A_54] : memref<128x128xf32, #tpu.memory_space<vmem>> -> memref<128x128xf32, #tpu.memory_space<vmem>>
      tpu.enqueue_dma source(%dma_start3A_55 : memref<128x128xf32, #tpu.memory_space<vmem>>) target(%dma_start3A_52 : memref<128x128xf32, #tpu.memory_space<vmem_shared>>) target_semaphore(%run_scoped3A : memref<!tpu.dma_semaphore, #tpu.memory_space<semaphore_mem>>)
      %dma_wait3A = arith.constant 0 : i32
      %dma_wait3A_56 = arith.constant 0 : i32
      %dma_wait3A_57 = tpu.memref_slice %arg10[%dma_wait3A, %dma_wait3A_56] : memref<128x128xf32, #tpu.memory_space<vmem>> -> memref<128x128xf32, #tpu.memory_space<vmem>>
      %dma_wait3A_58 = arith.constant 0 : i32
      %dma_wait3A_59 = tpu.memref_slice %arg11[%add3A_14, %dma_wait3A_58] : memref<10000x128xf32, #tpu.memory_space<vmem_shared>> -> memref<128x128xf32, #tpu.memory_space<vmem_shared>>
      %dma_wait3A_60 = arith.constant 0 : i32
      %dma_wait3A_61 = tpu.memref_slice %arg11[%add3A_14, %dma_wait3A_60] : memref<10000x128xf32, #tpu.memory_space<vmem_shared>> -> memref<128x128xf32, #tpu.memory_space<vmem_shared>>
      %dma_wait3A_62 = arith.constant 0 : i32
      %dma_wait3A_63 = arith.constant 0 : i32
      %dma_wait3A_64 = tpu.memref_slice %arg10[%dma_wait3A_62, %dma_wait3A_63] : memref<128x128xf32, #tpu.memory_space<vmem>> -> memref<128x128xf32, #tpu.memory_space<vmem>>
      tpu.wait_dma2 semaphore(%run_scoped3A : memref<!tpu.dma_semaphore, #tpu.memory_space<semaphore_mem>>) src(%dma_wait3A_64 : memref<128x128xf32, #tpu.memory_space<vmem>>) dst(%dma_wait3A_61 : memref<128x128xf32, #tpu.memory_space<vmem_shared>>)
      tpu.yield
    }) : () -> ()
    %mul3A_15 = arith.constant 632 : i32
    %mul3A_16 = arith.muli %arg1, %mul3A_15 : i32
    %add3A_17 = arith.constant 256 : i32
    %add3A_18 = arith.addi %mul3A_16, %add3A_17 : i32
    "tpu.region"() ({
      %run_scoped3A = tpu.sem_alloc : memref<!tpu.dma_semaphore, #tpu.memory_space<semaphore_mem>>
      %dma_start3A = arith.constant 0 : i32
      %dma_start3A_47 = arith.constant 0 : i32
      %dma_start3A_48 = tpu.memref_slice %arg10[%dma_start3A, %dma_start3A_47] : memref<128x128xf32, #tpu.memory_space<vmem>> -> memref<128x128xf32, #tpu.memory_space<vmem>>
      %dma_start3A_49 = arith.constant 0 : i32
      %dma_start3A_50 = tpu.memref_slice %arg11[%add3A_18, %dma_start3A_49] : memref<10000x128xf32, #tpu.memory_space<vmem_shared>> -> memref<128x128xf32, #tpu.memory_space<vmem_shared>>
      %dma_start3A_51 = arith.constant 0 : i32
      %dma_start3A_52 = tpu.memref_slice %arg11[%add3A_18, %dma_start3A_51] : memref<10000x128xf32, #tpu.memory_space<vmem_shared>> -> memref<128x128xf32, #tpu.memory_space<vmem_shared>>
      %dma_start3A_53 = arith.constant 0 : i32
      %dma_start3A_54 = arith.constant 0 : i32
      %dma_start3A_55 = tpu.memref_slice %arg10[%dma_start3A_53, %dma_start3A_54] : memref<128x128xf32, #tpu.memory_space<vmem>> -> memref<128x128xf32, #tpu.memory_space<vmem>>
      tpu.enqueue_dma source(%dma_start3A_55 : memref<128x128xf32, #tpu.memory_space<vmem>>) target(%dma_start3A_52 : memref<128x128xf32, #tpu.memory_space<vmem_shared>>) target_semaphore(%run_scoped3A : memref<!tpu.dma_semaphore, #tpu.memory_space<semaphore_mem>>)
      %dma_wait3A = arith.constant 0 : i32
      %dma_wait3A_56 = arith.constant 0 : i32
      %dma_wait3A_57 = tpu.memref_slice %arg10[%dma_wait3A, %dma_wait3A_56] : memref<128x128xf32, #tpu.memory_space<vmem>> -> memref<128x128xf32, #tpu.memory_space<vmem>>
      %dma_wait3A_58 = arith.constant 0 : i32
      %dma_wait3A_59 = tpu.memref_slice %arg11[%add3A_18, %dma_wait3A_58] : memref<10000x128xf32, #tpu.memory_space<vmem_shared>> -> memref<128x128xf32, #tpu.memory_space<vmem_shared>>
      %dma_wait3A_60 = arith.constant 0 : i32
      %dma_wait3A_61 = tpu.memref_slice %arg11[%add3A_18, %dma_wait3A_60] : memref<10000x128xf32, #tpu.memory_space<vmem_shared>> -> memref<128x128xf32, #tpu.memory_space<vmem_shared>>
      %dma_wait3A_62 = arith.constant 0 : i32
      %dma_wait3A_63 = arith.constant 0 : i32
      %dma_wait3A_64 = tpu.memref_slice %arg10[%dma_wait3A_62, %dma_wait3A_63] : memref<128x128xf32, #tpu.memory_space<vmem>> -> memref<128x128xf32, #tpu.memory_space<vmem>>
      tpu.wait_dma2 semaphore(%run_scoped3A : memref<!tpu.dma_semaphore, #tpu.memory_space<semaphore_mem>>) src(%dma_wait3A_64 : memref<128x128xf32, #tpu.memory_space<vmem>>) dst(%dma_wait3A_61 : memref<128x128xf32, #tpu.memory_space<vmem_shared>>)
      tpu.yield
    }) : () -> ()
    %mul3A_19 = arith.constant 632 : i32
    %mul3A_20 = arith.muli %arg1, %mul3A_19 : i32
    %add3A_21 = arith.constant 384 : i32
    %add3A_22 = arith.addi %mul3A_20, %add3A_21 : i32
    "tpu.region"() ({
      %run_scoped3A = tpu.sem_alloc : memref<!tpu.dma_semaphore, #tpu.memory_space<semaphore_mem>>
      %dma_start3A = arith.constant 0 : i32
      %dma_start3A_47 = arith.constant 0 : i32
      %dma_start3A_48 = tpu.memref_slice %arg10[%dma_start3A, %dma_start3A_47] : memref<128x128xf32, #tpu.memory_space<vmem>> -> memref<128x128xf32, #tpu.memory_space<vmem>>
      %dma_start3A_49 = arith.constant 0 : i32
      %dma_start3A_50 = tpu.memref_slice %arg11[%add3A_22, %dma_start3A_49] : memref<10000x128xf32, #tpu.memory_space<vmem_shared>> -> memref<128x128xf32, #tpu.memory_space<vmem_shared>>
      %dma_start3A_51 = arith.constant 0 : i32
      %dma_start3A_52 = tpu.memref_slice %arg11[%add3A_22, %dma_start3A_51] : memref<10000x128xf32, #tpu.memory_space<vmem_shared>> -> memref<128x128xf32, #tpu.memory_space<vmem_shared>>
      %dma_start3A_53 = arith.constant 0 : i32
      %dma_start3A_54 = arith.constant 0 : i32
      %dma_start3A_55 = tpu.memref_slice %arg10[%dma_start3A_53, %dma_start3A_54] : memref<128x128xf32, #tpu.memory_space<vmem>> -> memref<128x128xf32, #tpu.memory_space<vmem>>
      tpu.enqueue_dma source(%dma_start3A_55 : memref<128x128xf32, #tpu.memory_space<vmem>>) target(%dma_start3A_52 : memref<128x128xf32, #tpu.memory_space<vmem_shared>>) target_semaphore(%run_scoped3A : memref<!tpu.dma_semaphore, #tpu.memory_space<semaphore_mem>>)
      %dma_wait3A = arith.constant 0 : i32
      %dma_wait3A_56 = arith.constant 0 : i32
      %dma_wait3A_57 = tpu.memref_slice %arg10[%dma_wait3A, %dma_wait3A_56] : memref<128x128xf32, #tpu.memory_space<vmem>> -> memref<128x128xf32, #tpu.memory_space<vmem>>
      %dma_wait3A_58 = arith.constant 0 : i32
      %dma_wait3A_59 = tpu.memref_slice %arg11[%add3A_22, %dma_wait3A_58] : memref<10000x128xf32, #tpu.memory_space<vmem_shared>> -> memref<128x128xf32, #tpu.memory_space<vmem_shared>>
      %dma_wait3A_60 = arith.constant 0 : i32
      %dma_wait3A_61 = tpu.memref_slice %arg11[%add3A_22, %dma_wait3A_60] : memref<10000x128xf32, #tpu.memory_space<vmem_shared>> -> memref<128x128xf32, #tpu.memory_space<vmem_shared>>
      %dma_wait3A_62 = arith.constant 0 : i32
      %dma_wait3A_63 = arith.constant 0 : i32
      %dma_wait3A_64 = tpu.memref_slice %arg10[%dma_wait3A_62, %dma_wait3A_63] : memref<128x128xf32, #tpu.memory_space<vmem>> -> memref<128x128xf32, #tpu.memory_space<vmem>>
      tpu.wait_dma2 semaphore(%run_scoped3A : memref<!tpu.dma_semaphore, #tpu.memory_space<semaphore_mem>>) src(%dma_wait3A_64 : memref<128x128xf32, #tpu.memory_space<vmem>>) dst(%dma_wait3A_61 : memref<128x128xf32, #tpu.memory_space<vmem_shared>>)
      tpu.yield
    }) : () -> ()
    %lt3A = arith.constant 15 : i32
    %lt3A_23 = arith.cmpi slt, %arg1, %lt3A : i32
    %convert_element_type3A = arith.extui %lt3A_23 : i1 to i32
    %cond3A = arith.constant 0 : i32
    %cond3A_24 = arith.cmpi ne, %convert_element_type3A, %cond3A : i32
    scf.if %cond3A_24 {
      %mul3A_47 = arith.constant 632 : i32
      %mul3A_48 = arith.muli %arg1, %mul3A_47 : i32
      %add3A_49 = arith.constant 512 : i32
      %add3A_50 = arith.addi %mul3A_48, %add3A_49 : i32
      "tpu.region"() ({
        %run_scoped3A = tpu.sem_alloc : memref<!tpu.dma_semaphore, #tpu.memory_space<semaphore_mem>>
        %dma_start3A = arith.constant 0 : i32
        %dma_start3A_51 = arith.constant 0 : i32
        %dma_start3A_52 = tpu.memref_slice %arg10[%dma_start3A, %dma_start3A_51] : memref<128x128xf32, #tpu.memory_space<vmem>> -> memref<120x128xf32, #tpu.memory_space<vmem>>
        %dma_start3A_53 = arith.constant 0 : i32
        %dma_start3A_54 = tpu.memref_slice %arg11[%add3A_50, %dma_start3A_53] : memref<10000x128xf32, #tpu.memory_space<vmem_shared>> -> memref<120x128xf32, #tpu.memory_space<vmem_shared>>
        %dma_start3A_55 = arith.constant 0 : i32
        %dma_start3A_56 = tpu.memref_slice %arg11[%add3A_50, %dma_start3A_55] : memref<10000x128xf32, #tpu.memory_space<vmem_shared>> -> memref<120x128xf32, #tpu.memory_space<vmem_shared>>
        %dma_start3A_57 = arith.constant 0 : i32
        %dma_start3A_58 = arith.constant 0 : i32
        %dma_start3A_59 = tpu.memref_slice %arg10[%dma_start3A_57, %dma_start3A_58] : memref<128x128xf32, #tpu.memory_space<vmem>> -> memref<120x128xf32, #tpu.memory_space<vmem>>
        tpu.enqueue_dma source(%dma_start3A_59 : memref<120x128xf32, #tpu.memory_space<vmem>>) target(%dma_start3A_56 : memref<120x128xf32, #tpu.memory_space<vmem_shared>>) target_semaphore(%run_scoped3A : memref<!tpu.dma_semaphore, #tpu.memory_space<semaphore_mem>>)
        %dma_wait3A = arith.constant 0 : i32
        %dma_wait3A_60 = arith.constant 0 : i32
        %dma_wait3A_61 = tpu.memref_slice %arg10[%dma_wait3A, %dma_wait3A_60] : memref<128x128xf32, #tpu.memory_space<vmem>> -> memref<120x128xf32, #tpu.memory_space<vmem>>
        %dma_wait3A_62 = arith.constant 0 : i32
        %dma_wait3A_63 = tpu.memref_slice %arg11[%add3A_50, %dma_wait3A_62] : memref<10000x128xf32, #tpu.memory_space<vmem_shared>> -> memref<120x128xf32, #tpu.memory_space<vmem_shared>>
        %dma_wait3A_64 = arith.constant 0 : i32
        %dma_wait3A_65 = tpu.memref_slice %arg11[%add3A_50, %dma_wait3A_64] : memref<10000x128xf32, #tpu.memory_space<vmem_shared>> -> memref<120x128xf32, #tpu.memory_space<vmem_shared>>
        %dma_wait3A_66 = arith.constant 0 : i32
        %dma_wait3A_67 = arith.constant 0 : i32
        %dma_wait3A_68 = tpu.memref_slice %arg10[%dma_wait3A_66, %dma_wait3A_67] : memref<128x128xf32, #tpu.memory_space<vmem>> -> memref<120x128xf32, #tpu.memory_space<vmem>>
        tpu.wait_dma2 semaphore(%run_scoped3A : memref<!tpu.dma_semaphore, #tpu.memory_space<semaphore_mem>>) src(%dma_wait3A_68 : memref<120x128xf32, #tpu.memory_space<vmem>>) dst(%dma_wait3A_65 : memref<120x128xf32, #tpu.memory_space<vmem_shared>>)
        tpu.yield
      }) : () -> ()
    } else {
    }
    %eq3A = arith.constant 15 : i32
    %eq3A_25 = arith.cmpi eq, %arg1, %eq3A : i32
    %convert_element_type3A_26 = arith.extui %eq3A_25 : i1 to i32
    %cond3A_27 = arith.constant 0 : i32
    %cond3A_28 = arith.cmpi ne, %convert_element_type3A_26, %cond3A_27 : i32
    scf.if %cond3A_28 {
      %mul3A_47 = arith.constant 632 : i32
      %mul3A_48 = arith.muli %arg1, %mul3A_47 : i32
      %add3A_49 = arith.constant 512 : i32
      %add3A_50 = arith.addi %mul3A_48, %add3A_49 : i32
      "tpu.region"() ({
        %run_scoped3A = tpu.sem_alloc : memref<!tpu.dma_semaphore, #tpu.memory_space<semaphore_mem>>
        %dma_start3A = arith.constant 0 : i32
        %dma_start3A_51 = arith.constant 0 : i32
        %dma_start3A_52 = tpu.memref_slice %arg10[%dma_start3A, %dma_start3A_51] : memref<128x128xf32, #tpu.memory_space<vmem>> -> memref<8x128xf32, #tpu.memory_space<vmem>>
        %dma_start3A_53 = arith.constant 0 : i32
        %dma_start3A_54 = tpu.memref_slice %arg11[%add3A_50, %dma_start3A_53] : memref<10000x128xf32, #tpu.memory_space<vmem_shared>> -> memref<8x128xf32, #tpu.memory_space<vmem_shared>>
        %dma_start3A_55 = arith.constant 0 : i32
        %dma_start3A_56 = tpu.memref_slice %arg11[%add3A_50, %dma_start3A_55] : memref<10000x128xf32, #tpu.memory_space<vmem_shared>> -> memref<8x128xf32, #tpu.memory_space<vmem_shared>>
        %dma_start3A_57 = arith.constant 0 : i32
        %dma_start3A_58 = arith.constant 0 : i32
        %dma_start3A_59 = tpu.memref_slice %arg10[%dma_start3A_57, %dma_start3A_58] : memref<128x128xf32, #tpu.memory_space<vmem>> -> memref<8x128xf32, #tpu.memory_space<vmem>>
        tpu.enqueue_dma source(%dma_start3A_59 : memref<8x128xf32, #tpu.memory_space<vmem>>) target(%dma_start3A_56 : memref<8x128xf32, #tpu.memory_space<vmem_shared>>) target_semaphore(%run_scoped3A : memref<!tpu.dma_semaphore, #tpu.memory_space<semaphore_mem>>)
        %dma_wait3A = arith.constant 0 : i32
        %dma_wait3A_60 = arith.constant 0 : i32
        %dma_wait3A_61 = tpu.memref_slice %arg10[%dma_wait3A, %dma_wait3A_60] : memref<128x128xf32, #tpu.memory_space<vmem>> -> memref<8x128xf32, #tpu.memory_space<vmem>>
        %dma_wait3A_62 = arith.constant 0 : i32
        %dma_wait3A_63 = tpu.memref_slice %arg11[%add3A_50, %dma_wait3A_62] : memref<10000x128xf32, #tpu.memory_space<vmem_shared>> -> memref<8x128xf32, #tpu.memory_space<vmem_shared>>
        %dma_wait3A_64 = arith.constant 0 : i32
        %dma_wait3A_65 = tpu.memref_slice %arg11[%add3A_50, %dma_wait3A_64] : memref<10000x128xf32, #tpu.memory_space<vmem_shared>> -> memref<8x128xf32, #tpu.memory_space<vmem_shared>>
        %dma_wait3A_66 = arith.constant 0 : i32
        %dma_wait3A_67 = arith.constant 0 : i32
        %dma_wait3A_68 = tpu.memref_slice %arg10[%dma_wait3A_66, %dma_wait3A_67] : memref<128x128xf32, #tpu.memory_space<vmem>> -> memref<8x128xf32, #tpu.memory_space<vmem>>
        tpu.wait_dma2 semaphore(%run_scoped3A : memref<!tpu.dma_semaphore, #tpu.memory_space<semaphore_mem>>) src(%dma_wait3A_68 : memref<8x128xf32, #tpu.memory_space<vmem>>) dst(%dma_wait3A_65 : memref<8x128xf32, #tpu.memory_space<vmem_shared>>)
        tpu.yield
      }) : () -> ()
    } else {
    }
    %barrier3A = arith.constant 0 : index
    tpu.barrier barrier_id(%barrier3A)
    %scan3A_29 = arith.constant 0 : i32
    %scan3A_30 = arith.constant 0 : i32
    %scan3A_31 = arith.constant 79 : i32
    %scan3A_32 = arith.addi %scan3A_30, %scan3A_31 : i32
    %scan3A_33 = arith.constant 1 : i32
    %scan3A_34 = scf.for %scan3A_47 = %scan3A_30 to %scan3A_32 step %scan3A_33 iter_args(%scan3A_48 = %scan3A_29) -> (i32)  : i32 {
      %mul3A_49 = arith.constant 10112 : i32
      %mul3A_50 = arith.muli %add3A, %mul3A_49 : i32
      %mul3A_51 = arith.constant 128 : i32
      %mul3A_52 = arith.muli %scan3A_47, %mul3A_51 : i32
      %add3A_53 = arith.addi %mul3A_50, %mul3A_52 : i32
      "tpu.region"() ({
        %run_scoped3A = tpu.sem_alloc : memref<!tpu.dma_semaphore, #tpu.memory_space<semaphore_mem>>
        %dma_start3A_66 = tpu.memref_slice %arg3[%add3A_53] : memref<323584xi32, #tpu.memory_space<hbm>> -> memref<128xi32, #tpu.memory_space<hbm>>
        %dma_start3A_67 = tpu.memref_slice %arg3[%add3A_53] : memref<323584xi32, #tpu.memory_space<hbm>> -> memref<128xi32, #tpu.memory_space<hbm>>
        tpu.enqueue_dma source(%dma_start3A_67 : memref<128xi32, #tpu.memory_space<hbm>>) target(%arg7 : memref<128xi32, #tpu.memory_space<vmem>>) target_semaphore(%run_scoped3A : memref<!tpu.dma_semaphore, #tpu.memory_space<semaphore_mem>>)
        %dma_wait3A_68 = tpu.memref_slice %arg3[%add3A_53] : memref<323584xi32, #tpu.memory_space<hbm>> -> memref<128xi32, #tpu.memory_space<hbm>>
        %dma_wait3A_69 = tpu.memref_slice %arg3[%add3A_53] : memref<323584xi32, #tpu.memory_space<hbm>> -> memref<128xi32, #tpu.memory_space<hbm>>
        tpu.wait_dma2 semaphore(%run_scoped3A : memref<!tpu.dma_semaphore, #tpu.memory_space<semaphore_mem>>) src(%dma_wait3A_69 : memref<128xi32, #tpu.memory_space<hbm>>) dst(%arg7 : memref<128xi32, #tpu.memory_space<vmem>>)
        tpu.yield
      }) : () -> ()
      "tpu.region"() ({
        %run_scoped3A = tpu.sem_alloc : memref<!tpu.dma_semaphore, #tpu.memory_space<semaphore_mem>>
        %dma_start3A_66 = tpu.memref_slice %arg4[%add3A_53] : memref<323584xi32, #tpu.memory_space<hbm>> -> memref<128xi32, #tpu.memory_space<hbm>>
        %dma_start3A_67 = tpu.memref_slice %arg4[%add3A_53] : memref<323584xi32, #tpu.memory_space<hbm>> -> memref<128xi32, #tpu.memory_space<hbm>>
        tpu.enqueue_dma source(%dma_start3A_67 : memref<128xi32, #tpu.memory_space<hbm>>) target(%arg8 : memref<128xi32, #tpu.memory_space<vmem>>) target_semaphore(%run_scoped3A : memref<!tpu.dma_semaphore, #tpu.memory_space<semaphore_mem>>)
        %dma_wait3A_68 = tpu.memref_slice %arg4[%add3A_53] : memref<323584xi32, #tpu.memory_space<hbm>> -> memref<128xi32, #tpu.memory_space<hbm>>
        %dma_wait3A_69 = tpu.memref_slice %arg4[%add3A_53] : memref<323584xi32, #tpu.memory_space<hbm>> -> memref<128xi32, #tpu.memory_space<hbm>>
        tpu.wait_dma2 semaphore(%run_scoped3A : memref<!tpu.dma_semaphore, #tpu.memory_space<semaphore_mem>>) src(%dma_wait3A_69 : memref<128xi32, #tpu.memory_space<hbm>>) dst(%arg8 : memref<128xi32, #tpu.memory_space<vmem>>)
        tpu.yield
      }) : () -> ()
      "tpu.region"() ({
        %run_scoped3A = tpu.sem_alloc : memref<!tpu.dma_semaphore, #tpu.memory_space<semaphore_mem>>
        %dma_start3A_66 = tpu.memref_slice %arg5[%add3A_53] : memref<323584xf32, #tpu.memory_space<hbm>> -> memref<128xf32, #tpu.memory_space<hbm>>
        %dma_start3A_67 = tpu.memref_slice %arg5[%add3A_53] : memref<323584xf32, #tpu.memory_space<hbm>> -> memref<128xf32, #tpu.memory_space<hbm>>
        tpu.enqueue_dma source(%dma_start3A_67 : memref<128xf32, #tpu.memory_space<hbm>>) target(%arg9 : memref<128xf32, #tpu.memory_space<vmem>>) target_semaphore(%run_scoped3A : memref<!tpu.dma_semaphore, #tpu.memory_space<semaphore_mem>>)
        %dma_wait3A_68 = tpu.memref_slice %arg5[%add3A_53] : memref<323584xf32, #tpu.memory_space<hbm>> -> memref<128xf32, #tpu.memory_space<hbm>>
        %dma_wait3A_69 = tpu.memref_slice %arg5[%add3A_53] : memref<323584xf32, #tpu.memory_space<hbm>> -> memref<128xf32, #tpu.memory_space<hbm>>
        tpu.wait_dma2 semaphore(%run_scoped3A : memref<!tpu.dma_semaphore, #tpu.memory_space<semaphore_mem>>) src(%dma_wait3A_69 : memref<128xf32, #tpu.memory_space<hbm>>) dst(%arg9 : memref<128xf32, #tpu.memory_space<vmem>>)
        tpu.yield
      }) : () -> ()
      %dma_start3A = arith.constant 0 : i32
      %dma_start3A_54 = arith.constant 0 : i32
      %dma_start3A_55 = tpu.memref_slice %arg2[%dma_start3A, %dma_start3A_54] : memref<10000x128xf32, #tpu.memory_space<hbm>> -> memref<10000x128xf32, #tpu.memory_space<hbm>>
      tpu.enqueue_indirect_dma source(%dma_start3A_55 : memref<10000x128xf32, #tpu.memory_space<hbm>>) target(%arg10 : memref<128x128xf32, #tpu.memory_space<vmem>>) offsets(%arg7 : memref<128xi32, #tpu.memory_space<vmem>>) semaphore(%arg12 : memref<!tpu.dma_semaphore, #tpu.memory_space<semaphore_mem>>)
      %dma_wait3A = arith.constant 0 : i32
      %dma_wait3A_56 = arith.constant 0 : i32
      %dma_wait3A_57 = tpu.memref_slice %arg2[%dma_wait3A, %dma_wait3A_56] : memref<10000x128xf32, #tpu.memory_space<hbm>> -> memref<10000x128xf32, #tpu.memory_space<hbm>>
      tpu.wait_indirect_dma semaphore(%arg12 : memref<!tpu.dma_semaphore, #tpu.memory_space<semaphore_mem>>) src(%dma_wait3A_57 : memref<10000x128xf32, #tpu.memory_space<hbm>>) dst(%arg10 : memref<128x128xf32, #tpu.memory_space<vmem>>)
      %scan3A_58 = arith.constant 0 : i32
      %scan3A_59 = arith.constant 0 : i32
      %scan3A_60 = arith.constant 128 : i32
      %scan3A_61 = arith.addi %scan3A_59, %scan3A_60 : i32
      %scan3A_62 = arith.constant 1 : i32
      %scan3A_63 = scf.for %scan3A_66 = %scan3A_59 to %scan3A_61 step %scan3A_62 iter_args(%scan3A_67 = %scan3A_58) -> (i32)  : i32 {
        %jit3A = arith.constant 16 : i32
        %div3A = arith.divsi %scan3A_66, %jit3A : i32
        %sign3A = arith.constant 0 : i32
        %sign3A_68 = arith.cmpi sgt, %scan3A_66, %sign3A : i32
        %sign3A_69 = arith.extui %sign3A_68 : i1 to i32
        %sign3A_70 = arith.constant 0 : i32
        %sign3A_71 = arith.cmpi slt, %scan3A_66, %sign3A_70 : i32
        %sign3A_72 = arith.extui %sign3A_71 : i1 to i32
        %sign3A_73 = arith.subi %sign3A_69, %sign3A_72 : i32
        %sign3A_74 = arith.constant 0 : i32
        %sign3A_75 = arith.cmpi sgt, %jit3A, %sign3A_74 : i32
        %sign3A_76 = arith.extui %sign3A_75 : i1 to i32
        %sign3A_77 = arith.constant 0 : i32
        %sign3A_78 = arith.cmpi slt, %jit3A, %sign3A_77 : i32
        %sign3A_79 = arith.extui %sign3A_78 : i1 to i32
        %sign3A_80 = arith.subi %sign3A_76, %sign3A_79 : i32
        %ne3A = arith.cmpi ne, %sign3A_73, %sign3A_80 : i32
        %rem3A = arith.remsi %scan3A_66, %jit3A : i32
        %ne3A_81 = arith.constant 0 : i32
        %ne3A_82 = arith.cmpi ne, %rem3A, %ne3A_81 : i32
        %and3A = arith.andi %ne3A, %ne3A_82 : i1
        %sub3A = arith.constant 1 : i32
        %sub3A_83 = arith.subi %div3A, %sub3A : i32
        %select_n3A = arith.select %and3A, %sub3A_83, %div3A : i32
        %mul3A_84 = arith.constant 16 : i32
        %mul3A_85 = arith.muli %select_n3A, %mul3A_84 : i32
        %get3A = arith.index_cast %mul3A_85 : i32 to index
        %get3A_86 = tpu.vector_load %arg9[%get3A] {strides = array<i32>} : memref<128xf32, #tpu.memory_space<vmem>>, vector<16xf32>,
        %get3A_87 = vector.shape_cast %get3A_86 : vector<16xf32> to vector<16xf32>
        %jit3A_88 = arith.constant 16 : i32
        %eq3A_89 = arith.constant 0 : i32
        %eq3A_90 = arith.cmpi eq, %jit3A_88, %eq3A_89 : i32
        %jit3A_91 = arith.constant 1 : i32
        %select_n3A_92 = arith.select %eq3A_90, %jit3A_91, %jit3A_88 : i32
        %rem3A_93 = arith.remsi %scan3A_66, %select_n3A_92 : i32
        %ne3A_94 = arith.constant 0 : i32
        %ne3A_95 = arith.cmpi ne, %rem3A_93, %ne3A_94 : i32
        %lt3A_96 = arith.constant 0 : i32
        %lt3A_97 = arith.cmpi slt, %rem3A_93, %lt3A_96 : i32
        %lt3A_98 = arith.constant 0 : i32
        %lt3A_99 = arith.cmpi slt, %select_n3A_92, %lt3A_98 : i32
        %ne3A_100 = arith.xori %lt3A_97, %lt3A_99 : i1
        %and3A_101 = arith.andi %ne3A_100, %ne3A_95 : i1
        %add3A_102 = arith.addi %rem3A_93, %select_n3A_92 : i32
        %select_n3A_103 = arith.select %and3A_101, %add3A_102, %rem3A_93 : i32
        %broadcast_in_dim3A = vector.broadcast %select_n3A_103 : i32 to vector<16xi32>
        %broadcast_in_dim3A_104 = vector.shape_cast %broadcast_in_dim3A : vector<16xi32> to vector<16x1xi32>
        %gather3A = vector.shape_cast %broadcast_in_dim3A_104 : vector<16x1xi32> to vector<16xi32>
        %gather3A_105 = tpu.dynamic_gather %get3A_87[%gather3A] in [0] : vector<16xf32>, vector<16xi32> -> vector<16xf32>
        %get3A_106 = arith.index_cast %scan3A_66 : i32 to index
        %get3A_107 = arith.constant 0 : index
        %get3A_108 = tpu.vector_load %arg10[%get3A_106, %get3A_107] {strides = array<i32>} : memref<128x128xf32, #tpu.memory_space<vmem>>, vector<1x16xf32>,
        %get3A_109 = vector.shape_cast %get3A_108 : vector<1x16xf32> to vector<16xf32>
        %mul3A_110 = arith.mulf %get3A_109, %gather3A_105 : vector<16xf32>
        %swap3A = arith.index_cast %scan3A_66 : i32 to index
        %swap3A_111 = arith.constant 0 : index
        %swap3A_112 = tpu.vector_load %arg10[%swap3A, %swap3A_111] {strides = array<i32>} : memref<128x128xf32, #tpu.memory_space<vmem>>, vector<1x16xf32>,
        %swap3A_113 = vector.shape_cast %swap3A_112 : vector<1x16xf32> to vector<16xf32>
        %swap3A_114 = vector.shape_cast %mul3A_110 : vector<16xf32> to vector<1x16xf32>
        tpu.vector_store %arg10[%swap3A, %swap3A_111], %swap3A_114 {strides = array<i32>} : memref<128x128xf32, #tpu.memory_space<vmem>>, vector<1x16xf32>,
        %get3A_115 = arith.index_cast %scan3A_66 : i32 to index
        %get3A_116 = arith.constant 16 : index
        %get3A_117 = tpu.vector_load %arg10[%get3A_115, %get3A_116] {strides = array<i32>} : memref<128x128xf32, #tpu.memory_space<vmem>>, vector<1x16xf32>,
        %get3A_118 = vector.shape_cast %get3A_117 : vector<1x16xf32> to vector<16xf32>
        %mul3A_119 = arith.mulf %get3A_118, %gather3A_105 : vector<16xf32>
        %swap3A_120 = arith.index_cast %scan3A_66 : i32 to index
        %swap3A_121 = arith.constant 16 : index
        %swap3A_122 = tpu.vector_load %arg10[%swap3A_120, %swap3A_121] {strides = array<i32>} : memref<128x128xf32, #tpu.memory_space<vmem>>, vector<1x16xf32>,
        %swap3A_123 = vector.shape_cast %swap3A_122 : vector<1x16xf32> to vector<16xf32>
        %swap3A_124 = vector.shape_cast %mul3A_119 : vector<16xf32> to vector<1x16xf32>
        tpu.vector_store %arg10[%swap3A_120, %swap3A_121], %swap3A_124 {strides = array<i32>} : memref<128x128xf32, #tpu.memory_space<vmem>>, vector<1x16xf32>,
        %get3A_125 = arith.index_cast %scan3A_66 : i32 to index
        %get3A_126 = arith.constant 32 : index
        %get3A_127 = tpu.vector_load %arg10[%get3A_125, %get3A_126] {strides = array<i32>} : memref<128x128xf32, #tpu.memory_space<vmem>>, vector<1x16xf32>,
        %get3A_128 = vector.shape_cast %get3A_127 : vector<1x16xf32> to vector<16xf32>
        %mul3A_129 = arith.mulf %get3A_128, %gather3A_105 : vector<16xf32>
        %swap3A_130 = arith.index_cast %scan3A_66 : i32 to index
        %swap3A_131 = arith.constant 32 : index
        %swap3A_132 = tpu.vector_load %arg10[%swap3A_130, %swap3A_131] {strides = array<i32>} : memref<128x128xf32, #tpu.memory_space<vmem>>, vector<1x16xf32>,
        %swap3A_133 = vector.shape_cast %swap3A_132 : vector<1x16xf32> to vector<16xf32>
        %swap3A_134 = vector.shape_cast %mul3A_129 : vector<16xf32> to vector<1x16xf32>
        tpu.vector_store %arg10[%swap3A_130, %swap3A_131], %swap3A_134 {strides = array<i32>} : memref<128x128xf32, #tpu.memory_space<vmem>>, vector<1x16xf32>,
        %get3A_135 = arith.index_cast %scan3A_66 : i32 to index
        %get3A_136 = arith.constant 48 : index
        %get3A_137 = tpu.vector_load %arg10[%get3A_135, %get3A_136] {strides = array<i32>} : memref<128x128xf32, #tpu.memory_space<vmem>>, vector<1x16xf32>,
        %get3A_138 = vector.shape_cast %get3A_137 : vector<1x16xf32> to vector<16xf32>
        %mul3A_139 = arith.mulf %get3A_138, %gather3A_105 : vector<16xf32>
        %swap3A_140 = arith.index_cast %scan3A_66 : i32 to index
        %swap3A_141 = arith.constant 48 : index
        %swap3A_142 = tpu.vector_load %arg10[%swap3A_140, %swap3A_141] {strides = array<i32>} : memref<128x128xf32, #tpu.memory_space<vmem>>, vector<1x16xf32>,
        %swap3A_143 = vector.shape_cast %swap3A_142 : vector<1x16xf32> to vector<16xf32>
        %swap3A_144 = vector.shape_cast %mul3A_139 : vector<16xf32> to vector<1x16xf32>
        tpu.vector_store %arg10[%swap3A_140, %swap3A_141], %swap3A_144 {strides = array<i32>} : memref<128x128xf32, #tpu.memory_space<vmem>>, vector<1x16xf32>,
        %get3A_145 = arith.index_cast %scan3A_66 : i32 to index
        %get3A_146 = arith.constant 64 : index
        %get3A_147 = tpu.vector_load %arg10[%get3A_145, %get3A_146] {strides = array<i32>} : memref<128x128xf32, #tpu.memory_space<vmem>>, vector<1x16xf32>,
        %get3A_148 = vector.shape_cast %get3A_147 : vector<1x16xf32> to vector<16xf32>
        %mul3A_149 = arith.mulf %get3A_148, %gather3A_105 : vector<16xf32>
        %swap3A_150 = arith.index_cast %scan3A_66 : i32 to index
        %swap3A_151 = arith.constant 64 : index
        %swap3A_152 = tpu.vector_load %arg10[%swap3A_150, %swap3A_151] {strides = array<i32>} : memref<128x128xf32, #tpu.memory_space<vmem>>, vector<1x16xf32>,
        %swap3A_153 = vector.shape_cast %swap3A_152 : vector<1x16xf32> to vector<16xf32>
        %swap3A_154 = vector.shape_cast %mul3A_149 : vector<16xf32> to vector<1x16xf32>
        tpu.vector_store %arg10[%swap3A_150, %swap3A_151], %swap3A_154 {strides = array<i32>} : memref<128x128xf32, #tpu.memory_space<vmem>>, vector<1x16xf32>,
        %get3A_155 = arith.index_cast %scan3A_66 : i32 to index
        %get3A_156 = arith.constant 80 : index
        %get3A_157 = tpu.vector_load %arg10[%get3A_155, %get3A_156] {strides = array<i32>} : memref<128x128xf32, #tpu.memory_space<vmem>>, vector<1x16xf32>,
        %get3A_158 = vector.shape_cast %get3A_157 : vector<1x16xf32> to vector<16xf32>
        %mul3A_159 = arith.mulf %get3A_158, %gather3A_105 : vector<16xf32>
        %swap3A_160 = arith.index_cast %scan3A_66 : i32 to index
        %swap3A_161 = arith.constant 80 : index
        %swap3A_162 = tpu.vector_load %arg10[%swap3A_160, %swap3A_161] {strides = array<i32>} : memref<128x128xf32, #tpu.memory_space<vmem>>, vector<1x16xf32>,
        %swap3A_163 = vector.shape_cast %swap3A_162 : vector<1x16xf32> to vector<16xf32>
        %swap3A_164 = vector.shape_cast %mul3A_159 : vector<16xf32> to vector<1x16xf32>
        tpu.vector_store %arg10[%swap3A_160, %swap3A_161], %swap3A_164 {strides = array<i32>} : memref<128x128xf32, #tpu.memory_space<vmem>>, vector<1x16xf32>,
        %get3A_165 = arith.index_cast %scan3A_66 : i32 to index
        %get3A_166 = arith.constant 96 : index
        %get3A_167 = tpu.vector_load %arg10[%get3A_165, %get3A_166] {strides = array<i32>} : memref<128x128xf32, #tpu.memory_space<vmem>>, vector<1x16xf32>,
        %get3A_168 = vector.shape_cast %get3A_167 : vector<1x16xf32> to vector<16xf32>
        %mul3A_169 = arith.mulf %get3A_168, %gather3A_105 : vector<16xf32>
        %swap3A_170 = arith.index_cast %scan3A_66 : i32 to index
        %swap3A_171 = arith.constant 96 : index
        %swap3A_172 = tpu.vector_load %arg10[%swap3A_170, %swap3A_171] {strides = array<i32>} : memref<128x128xf32, #tpu.memory_space<vmem>>, vector<1x16xf32>,
        %swap3A_173 = vector.shape_cast %swap3A_172 : vector<1x16xf32> to vector<16xf32>
        %swap3A_174 = vector.shape_cast %mul3A_169 : vector<16xf32> to vector<1x16xf32>
        tpu.vector_store %arg10[%swap3A_170, %swap3A_171], %swap3A_174 {strides = array<i32>} : memref<128x128xf32, #tpu.memory_space<vmem>>, vector<1x16xf32>,
        %get3A_175 = arith.index_cast %scan3A_66 : i32 to index
        %get3A_176 = arith.constant 112 : index
        %get3A_177 = tpu.vector_load %arg10[%get3A_175, %get3A_176] {strides = array<i32>} : memref<128x128xf32, #tpu.memory_space<vmem>>, vector<1x16xf32>,
        %get3A_178 = vector.shape_cast %get3A_177 : vector<1x16xf32> to vector<16xf32>
        %mul3A_179 = arith.mulf %get3A_178, %gather3A_105 : vector<16xf32>
        %swap3A_180 = arith.index_cast %scan3A_66 : i32 to index
        %swap3A_181 = arith.constant 112 : index
        %swap3A_182 = tpu.vector_load %arg10[%swap3A_180, %swap3A_181] {strides = array<i32>} : memref<128x128xf32, #tpu.memory_space<vmem>>, vector<1x16xf32>,
        %swap3A_183 = vector.shape_cast %swap3A_182 : vector<1x16xf32> to vector<16xf32>
        %swap3A_184 = vector.shape_cast %mul3A_179 : vector<16xf32> to vector<1x16xf32>
        tpu.vector_store %arg10[%swap3A_180, %swap3A_181], %swap3A_184 {strides = array<i32>} : memref<128x128xf32, #tpu.memory_space<vmem>>, vector<1x16xf32>,
        %scan3A_185 = arith.constant 0 : i32
        scf.yield %scan3A_185 : i32
      }
      %scan3A_64 = arith.constant 128 : i32
      "tpu.region"() ({
        %run_scoped3A = tpu.sem_alloc : memref<!tpu.dma_semaphore, #tpu.memory_space<semaphore_mem>>
        %dma_start3A_66 = arith.constant 0 : i32
        %dma_start3A_67 = arith.constant 0 : i32
        %dma_start3A_68 = tpu.memref_slice %arg11[%dma_start3A_66, %dma_start3A_67] : memref<10000x128xf32, #tpu.memory_space<vmem_shared>> -> memref<10000x128xf32, #tpu.memory_space<vmem_shared>>
        tpu.enqueue_indirect_dma source(%arg10 : memref<128x128xf32, #tpu.memory_space<vmem>>) target(%dma_start3A_68 : memref<10000x128xf32, #tpu.memory_space<vmem_shared>>) offsets(%arg8 : memref<128xi32, #tpu.memory_space<vmem>>) semaphore(%run_scoped3A : memref<!tpu.dma_semaphore, #tpu.memory_space<semaphore_mem>>) {add = true}
        %dma_wait3A_69 = arith.constant 0 : i32
        %dma_wait3A_70 = arith.constant 0 : i32
        %dma_wait3A_71 = tpu.memref_slice %arg11[%dma_wait3A_69, %dma_wait3A_70] : memref<10000x128xf32, #tpu.memory_space<vmem_shared>> -> memref<10000x128xf32, #tpu.memory_space<vmem_shared>>
        tpu.wait_indirect_dma semaphore(%run_scoped3A : memref<!tpu.dma_semaphore, #tpu.memory_space<semaphore_mem>>) src(%arg10 : memref<128x128xf32, #tpu.memory_space<vmem>>) dst(%dma_wait3A_71 : memref<10000x128xf32, #tpu.memory_space<vmem_shared>>)
        tpu.yield
      }) : () -> ()
      %scan3A_65 = arith.constant 0 : i32
      scf.yield %scan3A_65 : i32
    }
    %scan3A_35 = arith.constant 79 : i32
    %barrier3A_36 = arith.constant 0 : index
    tpu.barrier barrier_id(%barrier3A_36)
    %lt3A_37 = arith.constant 15 : i32
    %lt3A_38 = arith.cmpi slt, %arg1, %lt3A_37 : i32
    %convert_element_type3A_39 = arith.extui %lt3A_38 : i1 to i32
    %cond3A_40 = arith.constant 0 : i32
    %cond3A_41 = arith.cmpi ne, %convert_element_type3A_39, %cond3A_40 : i32
    scf.if %cond3A_41 {
      %mul3A_47 = arith.constant 632 : i32
      %mul3A_48 = arith.muli %arg1, %mul3A_47 : i32
      %mul3A_49 = arith.constant 632 : i32
      %mul3A_50 = arith.muli %arg1, %mul3A_49 : i32
      "tpu.region"() ({
        %run_scoped3A = tpu.sem_alloc : memref<!tpu.dma_semaphore, #tpu.memory_space<semaphore_mem>>
        %dma_start3A = arith.constant 0 : i32
        %dma_start3A_51 = tpu.memref_slice %arg6[%arg0, %mul3A_50, %dma_start3A] : memref<2x10000x128xf32, #tpu.memory_space<hbm>> -> memref<1x632x128xf32, #tpu.memory_space<hbm>>
        %dma_start3A_52 = tpu.memref_squeeze %dma_start3A_51 : memref<1x632x128xf32, #tpu.memory_space<hbm>> -> memref<632x128xf32, #tpu.memory_space<hbm>>
        %dma_start3A_53 = arith.constant 0 : i32
        %dma_start3A_54 = tpu.memref_slice %arg11[%mul3A_48, %dma_start3A_53] : memref<10000x128xf32, #tpu.memory_space<vmem_shared>> -> memref<632x128xf32, #tpu.memory_space<vmem_shared>>
        tpu.enqueue_dma source(%dma_start3A_54 : memref<632x128xf32, #tpu.memory_space<vmem_shared>>) target(%dma_start3A_52 : memref<632x128xf32, #tpu.memory_space<hbm>>) target_semaphore(%run_scoped3A : memref<!tpu.dma_semaphore, #tpu.memory_space<semaphore_mem>>)
        %dma_wait3A = arith.constant 0 : i32
        %dma_wait3A_55 = tpu.memref_slice %arg6[%arg0, %mul3A_50, %dma_wait3A] : memref<2x10000x128xf32, #tpu.memory_space<hbm>> -> memref<1x632x128xf32, #tpu.memory_space<hbm>>
        %dma_wait3A_56 = tpu.memref_squeeze %dma_wait3A_55 : memref<1x632x128xf32, #tpu.memory_space<hbm>> -> memref<632x128xf32, #tpu.memory_space<hbm>>
        %dma_wait3A_57 = arith.constant 0 : i32
        %dma_wait3A_58 = tpu.memref_slice %arg11[%mul3A_48, %dma_wait3A_57] : memref<10000x128xf32, #tpu.memory_space<vmem_shared>> -> memref<632x128xf32, #tpu.memory_space<vmem_shared>>
        tpu.wait_dma2 semaphore(%run_scoped3A : memref<!tpu.dma_semaphore, #tpu.memory_space<semaphore_mem>>) src(%dma_wait3A_58 : memref<632x128xf32, #tpu.memory_space<vmem_shared>>) dst(%dma_wait3A_56 : memref<632x128xf32, #tpu.memory_space<hbm>>)
        tpu.yield
      }) : () -> ()
    } else {
    }
    %eq3A_42 = arith.constant 15 : i32
    %eq3A_43 = arith.cmpi eq, %arg1, %eq3A_42 : i32
    %convert_element_type3A_44 = arith.extui %eq3A_43 : i1 to i32
    %cond3A_45 = arith.constant 0 : i32
    %cond3A_46 = arith.cmpi ne, %convert_element_type3A_44, %cond3A_45 : i32
    scf.if %cond3A_46 {
      %mul3A_47 = arith.constant 632 : i32
      %mul3A_48 = arith.muli %arg1, %mul3A_47 : i32
      %mul3A_49 = arith.constant 632 : i32
      %mul3A_50 = arith.muli %arg1, %mul3A_49 : i32
      "tpu.region"() ({
        %run_scoped3A = tpu.sem_alloc : memref<!tpu.dma_semaphore, #tpu.memory_space<semaphore_mem>>
        %dma_start3A = arith.constant 0 : i32
        %dma_start3A_51 = tpu.memref_slice %arg6[%arg0, %mul3A_50, %dma_start3A] : memref<2x10000x128xf32, #tpu.memory_space<hbm>> -> memref<1x520x128xf32, #tpu.memory_space<hbm>>
        %dma_start3A_52 = tpu.memref_squeeze %dma_start3A_51 : memref<1x520x128xf32, #tpu.memory_space<hbm>> -> memref<520x128xf32, #tpu.memory_space<hbm>>
        %dma_start3A_53 = arith.constant 0 : i32
        %dma_start3A_54 = tpu.memref_slice %arg11[%mul3A_48, %dma_start3A_53] : memref<10000x128xf32, #tpu.memory_space<vmem_shared>> -> memref<520x128xf32, #tpu.memory_space<vmem_shared>>
        tpu.enqueue_dma source(%dma_start3A_54 : memref<520x128xf32, #tpu.memory_space<vmem_shared>>) target(%dma_start3A_52 : memref<520x128xf32, #tpu.memory_space<hbm>>) target_semaphore(%run_scoped3A : memref<!tpu.dma_semaphore, #tpu.memory_space<semaphore_mem>>)
        %dma_wait3A = arith.constant 0 : i32
        %dma_wait3A_55 = tpu.memref_slice %arg6[%arg0, %mul3A_50, %dma_wait3A] : memref<2x10000x128xf32, #tpu.memory_space<hbm>> -> memref<1x520x128xf32, #tpu.memory_space<hbm>>
        %dma_wait3A_56 = tpu.memref_squeeze %dma_wait3A_55 : memref<1x520x128xf32, #tpu.memory_space<hbm>> -> memref<520x128xf32, #tpu.memory_space<hbm>>
        %dma_wait3A_57 = arith.constant 0 : i32
        %dma_wait3A_58 = tpu.memref_slice %arg11[%mul3A_48, %dma_wait3A_57] : memref<10000x128xf32, #tpu.memory_space<vmem_shared>> -> memref<520x128xf32, #tpu.memory_space<vmem_shared>>
        tpu.wait_dma2 semaphore(%run_scoped3A : memref<!tpu.dma_semaphore, #tpu.memory_space<semaphore_mem>>) src(%dma_wait3A_58 : memref<520x128xf32, #tpu.memory_space<vmem_shared>>) dst(%dma_wait3A_56 : memref<520x128xf32, #tpu.memory_space<hbm>>)
        tpu.yield
      }) : () -> ()
    } else {
    }
    return
  }
}

#map = affine_map<(d0, d1) -> (0, 0)>
#map1 = affine_map<(d0, d1) -> (0)>
module attributes {stable_mosaic.version = 14 : i64} {
  func.func @_gather_batch(%arg0: i32, %arg1: i32, %arg2: memref<5000x128xf32, #tpu.memory_space<hbm>>, %arg3: memref<5000x128xf32, #tpu.memory_space<hbm>>, %arg4: memref<10000x128xf32, #tpu.memory_space<hbm>>, %arg5: memref<4096xi32, #tpu.memory_space<hbm>>, %arg6: memref<4096xi32, #tpu.memory_space<hbm>>, %arg7: memref<4096x128xf32, #tpu.memory_space<hbm>>, %arg8: memref<4096x128xf32, #tpu.memory_space<hbm>>, %arg9: memref<4096x128xf32, #tpu.memory_space<hbm>>, %arg10: memref<4096x128xf32, #tpu.memory_space<hbm>>, %arg11: memref<128xi32, #tpu.memory_space<vmem>>, %arg12: memref<128xi32, #tpu.memory_space<vmem>>, %arg13: memref<128x128xf32, #tpu.memory_space<vmem>>, %arg14: memref<!tpu.dma_semaphore, #tpu.memory_space<semaphore_mem>>) attributes {dimension_semantics = [#tpu.dimension_semantics<core_parallel>, #tpu.dimension_semantics<subcore_parallel>], iteration_bounds = array<i64: 2, 16>, scalar_prefetch = 0 : i64, scratch_operands = 4 : i64, tpu.core_type = #tpu.core_type<sc_vector_subcore>, window_params = [{transform_indices = #map}, {transform_indices = #map}, {transform_indices = #map}, {transform_indices = #map1}, {transform_indices = #map1}, {transform_indices = #map}, {transform_indices = #map}, {transform_indices = #map}, {transform_indices = #map}]} {
    %mul3A = arith.constant 2 : i32
    %mul3A_0 = arith.muli %arg1, %mul3A : i32
    %add3A = arith.addi %mul3A_0, %arg0 : i32
    %mul3A_1 = arith.constant 128 : i32
    %mul3A_2 = arith.muli %add3A, %mul3A_1 : i32
    "tpu.region"() ({
      %run_scoped3A = tpu.sem_alloc : memref<!tpu.dma_semaphore, #tpu.memory_space<semaphore_mem>>
      %dma_start3A_103 = tpu.memref_slice %arg5[%mul3A_2] : memref<4096xi32, #tpu.memory_space<hbm>> -> memref<128xi32, #tpu.memory_space<hbm>>
      %dma_start3A_104 = tpu.memref_slice %arg5[%mul3A_2] : memref<4096xi32, #tpu.memory_space<hbm>> -> memref<128xi32, #tpu.memory_space<hbm>>
      tpu.enqueue_dma source(%dma_start3A_104 : memref<128xi32, #tpu.memory_space<hbm>>) target(%arg11 : memref<128xi32, #tpu.memory_space<vmem>>) target_semaphore(%run_scoped3A : memref<!tpu.dma_semaphore, #tpu.memory_space<semaphore_mem>>)
      %dma_wait3A_105 = tpu.memref_slice %arg5[%mul3A_2] : memref<4096xi32, #tpu.memory_space<hbm>> -> memref<128xi32, #tpu.memory_space<hbm>>
      %dma_wait3A_106 = tpu.memref_slice %arg5[%mul3A_2] : memref<4096xi32, #tpu.memory_space<hbm>> -> memref<128xi32, #tpu.memory_space<hbm>>
      tpu.wait_dma2 semaphore(%run_scoped3A : memref<!tpu.dma_semaphore, #tpu.memory_space<semaphore_mem>>) src(%dma_wait3A_106 : memref<128xi32, #tpu.memory_space<hbm>>) dst(%arg11 : memref<128xi32, #tpu.memory_space<vmem>>)
      tpu.yield
    }) : () -> ()
    %dma_start3A = arith.constant 0 : i32
    %dma_start3A_3 = arith.constant 0 : i32
    %dma_start3A_4 = tpu.memref_slice %arg2[%dma_start3A, %dma_start3A_3] : memref<5000x128xf32, #tpu.memory_space<hbm>> -> memref<5000x128xf32, #tpu.memory_space<hbm>>
    tpu.enqueue_indirect_dma source(%dma_start3A_4 : memref<5000x128xf32, #tpu.memory_space<hbm>>) target(%arg13 : memref<128x128xf32, #tpu.memory_space<vmem>>) offsets(%arg11 : memref<128xi32, #tpu.memory_space<vmem>>) semaphore(%arg14 : memref<!tpu.dma_semaphore, #tpu.memory_space<semaphore_mem>>)
    %dma_wait3A = arith.constant 0 : i32
    %dma_wait3A_5 = arith.constant 0 : i32
    %dma_wait3A_6 = tpu.memref_slice %arg2[%dma_wait3A, %dma_wait3A_5] : memref<5000x128xf32, #tpu.memory_space<hbm>> -> memref<5000x128xf32, #tpu.memory_space<hbm>>
    tpu.wait_indirect_dma semaphore(%arg14 : memref<!tpu.dma_semaphore, #tpu.memory_space<semaphore_mem>>) src(%dma_wait3A_6 : memref<5000x128xf32, #tpu.memory_space<hbm>>) dst(%arg13 : memref<128x128xf32, #tpu.memory_space<vmem>>)
    "tpu.region"() ({
      %run_scoped3A = tpu.sem_alloc : memref<!tpu.dma_semaphore, #tpu.memory_space<semaphore_mem>>
      %dma_start3A_103 = arith.constant 0 : i32
      %dma_start3A_104 = tpu.memref_slice %arg7[%mul3A_2, %dma_start3A_103] : memref<4096x128xf32, #tpu.memory_space<hbm>> -> memref<128x128xf32, #tpu.memory_space<hbm>>
      %dma_start3A_105 = arith.constant 0 : i32
      %dma_start3A_106 = tpu.memref_slice %arg7[%mul3A_2, %dma_start3A_105] : memref<4096x128xf32, #tpu.memory_space<hbm>> -> memref<128x128xf32, #tpu.memory_space<hbm>>
      tpu.enqueue_dma source(%arg13 : memref<128x128xf32, #tpu.memory_space<vmem>>) target(%dma_start3A_106 : memref<128x128xf32, #tpu.memory_space<hbm>>) target_semaphore(%run_scoped3A : memref<!tpu.dma_semaphore, #tpu.memory_space<semaphore_mem>>)
      %dma_wait3A_107 = arith.constant 0 : i32
      %dma_wait3A_108 = tpu.memref_slice %arg7[%mul3A_2, %dma_wait3A_107] : memref<4096x128xf32, #tpu.memory_space<hbm>> -> memref<128x128xf32, #tpu.memory_space<hbm>>
      %dma_wait3A_109 = arith.constant 0 : i32
      %dma_wait3A_110 = tpu.memref_slice %arg7[%mul3A_2, %dma_wait3A_109] : memref<4096x128xf32, #tpu.memory_space<hbm>> -> memref<128x128xf32, #tpu.memory_space<hbm>>
      tpu.wait_dma2 semaphore(%run_scoped3A : memref<!tpu.dma_semaphore, #tpu.memory_space<semaphore_mem>>) src(%arg13 : memref<128x128xf32, #tpu.memory_space<vmem>>) dst(%dma_wait3A_110 : memref<128x128xf32, #tpu.memory_space<hbm>>)
      tpu.yield
    }) : () -> ()
    %dma_start3A_7 = arith.constant 0 : i32
    %dma_start3A_8 = arith.constant 0 : i32
    %dma_start3A_9 = tpu.memref_slice %arg4[%dma_start3A_7, %dma_start3A_8] : memref<10000x128xf32, #tpu.memory_space<hbm>> -> memref<10000x128xf32, #tpu.memory_space<hbm>>
    tpu.enqueue_indirect_dma source(%dma_start3A_9 : memref<10000x128xf32, #tpu.memory_space<hbm>>) target(%arg13 : memref<128x128xf32, #tpu.memory_space<vmem>>) offsets(%arg11 : memref<128xi32, #tpu.memory_space<vmem>>) semaphore(%arg14 : memref<!tpu.dma_semaphore, #tpu.memory_space<semaphore_mem>>)
    %dma_wait3A_10 = arith.constant 0 : i32
    %dma_wait3A_11 = arith.constant 0 : i32
    %dma_wait3A_12 = tpu.memref_slice %arg4[%dma_wait3A_10, %dma_wait3A_11] : memref<10000x128xf32, #tpu.memory_space<hbm>> -> memref<10000x128xf32, #tpu.memory_space<hbm>>
    tpu.wait_indirect_dma semaphore(%arg14 : memref<!tpu.dma_semaphore, #tpu.memory_space<semaphore_mem>>) src(%dma_wait3A_12 : memref<10000x128xf32, #tpu.memory_space<hbm>>) dst(%arg13 : memref<128x128xf32, #tpu.memory_space<vmem>>)
    "tpu.region"() ({
      %run_scoped3A = tpu.sem_alloc : memref<!tpu.dma_semaphore, #tpu.memory_space<semaphore_mem>>
      %dma_start3A_103 = arith.constant 0 : i32
      %dma_start3A_104 = tpu.memref_slice %arg8[%mul3A_2, %dma_start3A_103] : memref<4096x128xf32, #tpu.memory_space<hbm>> -> memref<128x128xf32, #tpu.memory_space<hbm>>
      %dma_start3A_105 = arith.constant 0 : i32
      %dma_start3A_106 = tpu.memref_slice %arg8[%mul3A_2, %dma_start3A_105] : memref<4096x128xf32, #tpu.memory_space<hbm>> -> memref<128x128xf32, #tpu.memory_space<hbm>>
      tpu.enqueue_dma source(%arg13 : memref<128x128xf32, #tpu.memory_space<vmem>>) target(%dma_start3A_106 : memref<128x128xf32, #tpu.memory_space<hbm>>) target_semaphore(%run_scoped3A : memref<!tpu.dma_semaphore, #tpu.memory_space<semaphore_mem>>)
      %dma_wait3A_107 = arith.constant 0 : i32
      %dma_wait3A_108 = tpu.memref_slice %arg8[%mul3A_2, %dma_wait3A_107] : memref<4096x128xf32, #tpu.memory_space<hbm>> -> memref<128x128xf32, #tpu.memory_space<hbm>>
      %dma_wait3A_109 = arith.constant 0 : i32
      %dma_wait3A_110 = tpu.memref_slice %arg8[%mul3A_2, %dma_wait3A_109] : memref<4096x128xf32, #tpu.memory_space<hbm>> -> memref<128x128xf32, #tpu.memory_space<hbm>>
      tpu.wait_dma2 semaphore(%run_scoped3A : memref<!tpu.dma_semaphore, #tpu.memory_space<semaphore_mem>>) src(%arg13 : memref<128x128xf32, #tpu.memory_space<vmem>>) dst(%dma_wait3A_110 : memref<128x128xf32, #tpu.memory_space<hbm>>)
      tpu.yield
    }) : () -> ()
    "tpu.region"() ({
      %run_scoped3A = tpu.sem_alloc : memref<!tpu.dma_semaphore, #tpu.memory_space<semaphore_mem>>
      %dma_start3A_103 = tpu.memref_slice %arg6[%mul3A_2] : memref<4096xi32, #tpu.memory_space<hbm>> -> memref<128xi32, #tpu.memory_space<hbm>>
      %dma_start3A_104 = tpu.memref_slice %arg6[%mul3A_2] : memref<4096xi32, #tpu.memory_space<hbm>> -> memref<128xi32, #tpu.memory_space<hbm>>
      tpu.enqueue_dma source(%dma_start3A_104 : memref<128xi32, #tpu.memory_space<hbm>>) target(%arg11 : memref<128xi32, #tpu.memory_space<vmem>>) target_semaphore(%run_scoped3A : memref<!tpu.dma_semaphore, #tpu.memory_space<semaphore_mem>>)
      %dma_wait3A_105 = tpu.memref_slice %arg6[%mul3A_2] : memref<4096xi32, #tpu.memory_space<hbm>> -> memref<128xi32, #tpu.memory_space<hbm>>
      %dma_wait3A_106 = tpu.memref_slice %arg6[%mul3A_2] : memref<4096xi32, #tpu.memory_space<hbm>> -> memref<128xi32, #tpu.memory_space<hbm>>
      tpu.wait_dma2 semaphore(%run_scoped3A : memref<!tpu.dma_semaphore, #tpu.memory_space<semaphore_mem>>) src(%dma_wait3A_106 : memref<128xi32, #tpu.memory_space<hbm>>) dst(%arg11 : memref<128xi32, #tpu.memory_space<vmem>>)
      tpu.yield
    }) : () -> ()
    %dma_start3A_13 = arith.constant 0 : i32
    %dma_start3A_14 = arith.constant 0 : i32
    %dma_start3A_15 = tpu.memref_slice %arg3[%dma_start3A_13, %dma_start3A_14] : memref<5000x128xf32, #tpu.memory_space<hbm>> -> memref<5000x128xf32, #tpu.memory_space<hbm>>
    tpu.enqueue_indirect_dma source(%dma_start3A_15 : memref<5000x128xf32, #tpu.memory_space<hbm>>) target(%arg13 : memref<128x128xf32, #tpu.memory_space<vmem>>) offsets(%arg11 : memref<128xi32, #tpu.memory_space<vmem>>) semaphore(%arg14 : memref<!tpu.dma_semaphore, #tpu.memory_space<semaphore_mem>>)
    %dma_wait3A_16 = arith.constant 0 : i32
    %dma_wait3A_17 = arith.constant 0 : i32
    %dma_wait3A_18 = tpu.memref_slice %arg3[%dma_wait3A_16, %dma_wait3A_17] : memref<5000x128xf32, #tpu.memory_space<hbm>> -> memref<5000x128xf32, #tpu.memory_space<hbm>>
    tpu.wait_indirect_dma semaphore(%arg14 : memref<!tpu.dma_semaphore, #tpu.memory_space<semaphore_mem>>) src(%dma_wait3A_18 : memref<5000x128xf32, #tpu.memory_space<hbm>>) dst(%arg13 : memref<128x128xf32, #tpu.memory_space<vmem>>)
    "tpu.region"() ({
      %run_scoped3A = tpu.sem_alloc : memref<!tpu.dma_semaphore, #tpu.memory_space<semaphore_mem>>
      %dma_start3A_103 = arith.constant 0 : i32
      %dma_start3A_104 = tpu.memref_slice %arg9[%mul3A_2, %dma_start3A_103] : memref<4096x128xf32, #tpu.memory_space<hbm>> -> memref<128x128xf32, #tpu.memory_space<hbm>>
      %dma_start3A_105 = arith.constant 0 : i32
      %dma_start3A_106 = tpu.memref_slice %arg9[%mul3A_2, %dma_start3A_105] : memref<4096x128xf32, #tpu.memory_space<hbm>> -> memref<128x128xf32, #tpu.memory_space<hbm>>
      tpu.enqueue_dma source(%arg13 : memref<128x128xf32, #tpu.memory_space<vmem>>) target(%dma_start3A_106 : memref<128x128xf32, #tpu.memory_space<hbm>>) target_semaphore(%run_scoped3A : memref<!tpu.dma_semaphore, #tpu.memory_space<semaphore_mem>>)
      %dma_wait3A_107 = arith.constant 0 : i32
      %dma_wait3A_108 = tpu.memref_slice %arg9[%mul3A_2, %dma_wait3A_107] : memref<4096x128xf32, #tpu.memory_space<hbm>> -> memref<128x128xf32, #tpu.memory_space<hbm>>
      %dma_wait3A_109 = arith.constant 0 : i32
      %dma_wait3A_110 = tpu.memref_slice %arg9[%mul3A_2, %dma_wait3A_109] : memref<4096x128xf32, #tpu.memory_space<hbm>> -> memref<128x128xf32, #tpu.memory_space<hbm>>
      tpu.wait_dma2 semaphore(%run_scoped3A : memref<!tpu.dma_semaphore, #tpu.memory_space<semaphore_mem>>) src(%arg13 : memref<128x128xf32, #tpu.memory_space<vmem>>) dst(%dma_wait3A_110 : memref<128x128xf32, #tpu.memory_space<hbm>>)
      tpu.yield
    }) : () -> ()
    %get3A = arith.constant 0 : index
    %get3A_19 = tpu.vector_load %arg11[%get3A] {strides = array<i32>} : memref<128xi32, #tpu.memory_space<vmem>>, vector<16xi32>,
    %get3A_20 = vector.shape_cast %get3A_19 : vector<16xi32> to vector<16xi32>
    %add3A_21 = arith.constant 5000 : i32
    %add3A_22 = vector.broadcast %add3A_21 : i32 to vector<16xi32>
    %add3A_23 = arith.addi %get3A_20, %add3A_22 : vector<16xi32>
    %swap3A = arith.constant 0 : index
    %swap3A_24 = tpu.vector_load %arg12[%swap3A] {strides = array<i32>} : memref<128xi32, #tpu.memory_space<vmem>>, vector<16xi32>,
    %swap3A_25 = vector.shape_cast %swap3A_24 : vector<16xi32> to vector<16xi32>
    %swap3A_26 = vector.shape_cast %add3A_23 : vector<16xi32> to vector<16xi32>
    tpu.vector_store %arg12[%swap3A], %swap3A_26 {strides = array<i32>} : memref<128xi32, #tpu.memory_space<vmem>>, vector<16xi32>,
    %get3A_27 = arith.constant 16 : index
    %get3A_28 = tpu.vector_load %arg11[%get3A_27] {strides = array<i32>} : memref<128xi32, #tpu.memory_space<vmem>>, vector<16xi32>,
    %get3A_29 = vector.shape_cast %get3A_28 : vector<16xi32> to vector<16xi32>
    %add3A_30 = arith.constant 5000 : i32
    %add3A_31 = vector.broadcast %add3A_30 : i32 to vector<16xi32>
    %add3A_32 = arith.addi %get3A_29, %add3A_31 : vector<16xi32>
    %swap3A_33 = arith.constant 16 : index
    %swap3A_34 = tpu.vector_load %arg12[%swap3A_33] {strides = array<i32>} : memref<128xi32, #tpu.memory_space<vmem>>, vector<16xi32>,
    %swap3A_35 = vector.shape_cast %swap3A_34 : vector<16xi32> to vector<16xi32>
    %swap3A_36 = vector.shape_cast %add3A_32 : vector<16xi32> to vector<16xi32>
    tpu.vector_store %arg12[%swap3A_33], %swap3A_36 {strides = array<i32>} : memref<128xi32, #tpu.memory_space<vmem>>, vector<16xi32>,
    %get3A_37 = arith.constant 32 : index
    %get3A_38 = tpu.vector_load %arg11[%get3A_37] {strides = array<i32>} : memref<128xi32, #tpu.memory_space<vmem>>, vector<16xi32>,
    %get3A_39 = vector.shape_cast %get3A_38 : vector<16xi32> to vector<16xi32>
    %add3A_40 = arith.constant 5000 : i32
    %add3A_41 = vector.broadcast %add3A_40 : i32 to vector<16xi32>
    %add3A_42 = arith.addi %get3A_39, %add3A_41 : vector<16xi32>
    %swap3A_43 = arith.constant 32 : index
    %swap3A_44 = tpu.vector_load %arg12[%swap3A_43] {strides = array<i32>} : memref<128xi32, #tpu.memory_space<vmem>>, vector<16xi32>,
    %swap3A_45 = vector.shape_cast %swap3A_44 : vector<16xi32> to vector<16xi32>
    %swap3A_46 = vector.shape_cast %add3A_42 : vector<16xi32> to vector<16xi32>
    tpu.vector_store %arg12[%swap3A_43], %swap3A_46 {strides = array<i32>} : memref<128xi32, #tpu.memory_space<vmem>>, vector<16xi32>,
    %get3A_47 = arith.constant 48 : index
    %get3A_48 = tpu.vector_load %arg11[%get3A_47] {strides = array<i32>} : memref<128xi32, #tpu.memory_space<vmem>>, vector<16xi32>,
    %get3A_49 = vector.shape_cast %get3A_48 : vector<16xi32> to vector<16xi32>
    %add3A_50 = arith.constant 5000 : i32
    %add3A_51 = vector.broadcast %add3A_50 : i32 to vector<16xi32>
    %add3A_52 = arith.addi %get3A_49, %add3A_51 : vector<16xi32>
    %swap3A_53 = arith.constant 48 : index
    %swap3A_54 = tpu.vector_load %arg12[%swap3A_53] {strides = array<i32>} : memref<128xi32, #tpu.memory_space<vmem>>, vector<16xi32>,
    %swap3A_55 = vector.shape_cast %swap3A_54 : vector<16xi32> to vector<16xi32>
    %swap3A_56 = vector.shape_cast %add3A_52 : vector<16xi32> to vector<16xi32>
    tpu.vector_store %arg12[%swap3A_53], %swap3A_56 {strides = array<i32>} : memref<128xi32, #tpu.memory_space<vmem>>, vector<16xi32>,
    %get3A_57 = arith.constant 64 : index
    %get3A_58 = tpu.vector_load %arg11[%get3A_57] {strides = array<i32>} : memref<128xi32, #tpu.memory_space<vmem>>, vector<16xi32>,
    %get3A_59 = vector.shape_cast %get3A_58 : vector<16xi32> to vector<16xi32>
    %add3A_60 = arith.constant 5000 : i32
    %add3A_61 = vector.broadcast %add3A_60 : i32 to vector<16xi32>
    %add3A_62 = arith.addi %get3A_59, %add3A_61 : vector<16xi32>
    %swap3A_63 = arith.constant 64 : index
    %swap3A_64 = tpu.vector_load %arg12[%swap3A_63] {strides = array<i32>} : memref<128xi32, #tpu.memory_space<vmem>>, vector<16xi32>,
    %swap3A_65 = vector.shape_cast %swap3A_64 : vector<16xi32> to vector<16xi32>
    %swap3A_66 = vector.shape_cast %add3A_62 : vector<16xi32> to vector<16xi32>
    tpu.vector_store %arg12[%swap3A_63], %swap3A_66 {strides = array<i32>} : memref<128xi32, #tpu.memory_space<vmem>>, vector<16xi32>,
    %get3A_67 = arith.constant 80 : index
    %get3A_68 = tpu.vector_load %arg11[%get3A_67] {strides = array<i32>} : memref<128xi32, #tpu.memory_space<vmem>>, vector<16xi32>,
    %get3A_69 = vector.shape_cast %get3A_68 : vector<16xi32> to vector<16xi32>
    %add3A_70 = arith.constant 5000 : i32
    %add3A_71 = vector.broadcast %add3A_70 : i32 to vector<16xi32>
    %add3A_72 = arith.addi %get3A_69, %add3A_71 : vector<16xi32>
    %swap3A_73 = arith.constant 80 : index
    %swap3A_74 = tpu.vector_load %arg12[%swap3A_73] {strides = array<i32>} : memref<128xi32, #tpu.memory_space<vmem>>, vector<16xi32>,
    %swap3A_75 = vector.shape_cast %swap3A_74 : vector<16xi32> to vector<16xi32>
    %swap3A_76 = vector.shape_cast %add3A_72 : vector<16xi32> to vector<16xi32>
    tpu.vector_store %arg12[%swap3A_73], %swap3A_76 {strides = array<i32>} : memref<128xi32, #tpu.memory_space<vmem>>, vector<16xi32>,
    %get3A_77 = arith.constant 96 : index
    %get3A_78 = tpu.vector_load %arg11[%get3A_77] {strides = array<i32>} : memref<128xi32, #tpu.memory_space<vmem>>, vector<16xi32>,
    %get3A_79 = vector.shape_cast %get3A_78 : vector<16xi32> to vector<16xi32>
    %add3A_80 = arith.constant 5000 : i32
    %add3A_81 = vector.broadcast %add3A_80 : i32 to vector<16xi32>
    %add3A_82 = arith.addi %get3A_79, %add3A_81 : vector<16xi32>
    %swap3A_83 = arith.constant 96 : index
    %swap3A_84 = tpu.vector_load %arg12[%swap3A_83] {strides = array<i32>} : memref<128xi32, #tpu.memory_space<vmem>>, vector<16xi32>,
    %swap3A_85 = vector.shape_cast %swap3A_84 : vector<16xi32> to vector<16xi32>
    %swap3A_86 = vector.shape_cast %add3A_82 : vector<16xi32> to vector<16xi32>
    tpu.vector_store %arg12[%swap3A_83], %swap3A_86 {strides = array<i32>} : memref<128xi32, #tpu.memory_space<vmem>>, vector<16xi32>,
    %get3A_87 = arith.constant 112 : index
    %get3A_88 = tpu.vector_load %arg11[%get3A_87] {strides = array<i32>} : memref<128xi32, #tpu.memory_space<vmem>>, vector<16xi32>,
    %get3A_89 = vector.shape_cast %get3A_88 : vector<16xi32> to vector<16xi32>
    %add3A_90 = arith.constant 5000 : i32
    %add3A_91 = vector.broadcast %add3A_90 : i32 to vector<16xi32>
    %add3A_92 = arith.addi %get3A_89, %add3A_91 : vector<16xi32>
    %swap3A_93 = arith.constant 112 : index
    %swap3A_94 = tpu.vector_load %arg12[%swap3A_93] {strides = array<i32>} : memref<128xi32, #tpu.memory_space<vmem>>, vector<16xi32>,
    %swap3A_95 = vector.shape_cast %swap3A_94 : vector<16xi32> to vector<16xi32>
    %swap3A_96 = vector.shape_cast %add3A_92 : vector<16xi32> to vector<16xi32>
    tpu.vector_store %arg12[%swap3A_93], %swap3A_96 {strides = array<i32>} : memref<128xi32, #tpu.memory_space<vmem>>, vector<16xi32>,
    %dma_start3A_97 = arith.constant 0 : i32
    %dma_start3A_98 = arith.constant 0 : i32
    %dma_start3A_99 = tpu.memref_slice %arg4[%dma_start3A_97, %dma_start3A_98] : memref<10000x128xf32, #tpu.memory_space<hbm>> -> memref<10000x128xf32, #tpu.memory_space<hbm>>
    tpu.enqueue_indirect_dma source(%dma_start3A_99 : memref<10000x128xf32, #tpu.memory_space<hbm>>) target(%arg13 : memref<128x128xf32, #tpu.memory_space<vmem>>) offsets(%arg12 : memref<128xi32, #tpu.memory_space<vmem>>) semaphore(%arg14 : memref<!tpu.dma_semaphore, #tpu.memory_space<semaphore_mem>>)
    %dma_wait3A_100 = arith.constant 0 : i32
    %dma_wait3A_101 = arith.constant 0 : i32
    %dma_wait3A_102 = tpu.memref_slice %arg4[%dma_wait3A_100, %dma_wait3A_101] : memref<10000x128xf32, #tpu.memory_space<hbm>> -> memref<10000x128xf32, #tpu.memory_space<hbm>>
    tpu.wait_indirect_dma semaphore(%arg14 : memref<!tpu.dma_semaphore, #tpu.memory_space<semaphore_mem>>) src(%dma_wait3A_102 : memref<10000x128xf32, #tpu.memory_space<hbm>>) dst(%arg13 : memref<128x128xf32, #tpu.memory_space<vmem>>)
    "tpu.region"() ({
      %run_scoped3A = tpu.sem_alloc : memref<!tpu.dma_semaphore, #tpu.memory_space<semaphore_mem>>
      %dma_start3A_103 = arith.constant 0 : i32
      %dma_start3A_104 = tpu.memref_slice %arg10[%mul3A_2, %dma_start3A_103] : memref<4096x128xf32, #tpu.memory_space<hbm>> -> memref<128x128xf32, #tpu.memory_space<hbm>>
      %dma_start3A_105 = arith.constant 0 : i32
      %dma_start3A_106 = tpu.memref_slice %arg10[%mul3A_2, %dma_start3A_105] : memref<4096x128xf32, #tpu.memory_space<hbm>> -> memref<128x128xf32, #tpu.memory_space<hbm>>
      tpu.enqueue_dma source(%arg13 : memref<128x128xf32, #tpu.memory_space<vmem>>) target(%dma_start3A_106 : memref<128x128xf32, #tpu.memory_space<hbm>>) target_semaphore(%run_scoped3A : memref<!tpu.dma_semaphore, #tpu.memory_space<semaphore_mem>>)
      %dma_wait3A_107 = arith.constant 0 : i32
      %dma_wait3A_108 = tpu.memref_slice %arg10[%mul3A_2, %dma_wait3A_107] : memref<4096x128xf32, #tpu.memory_space<hbm>> -> memref<128x128xf32, #tpu.memory_space<hbm>>
      %dma_wait3A_109 = arith.constant 0 : i32
      %dma_wait3A_110 = tpu.memref_slice %arg10[%mul3A_2, %dma_wait3A_109] : memref<4096x128xf32, #tpu.memory_space<hbm>> -> memref<128x128xf32, #tpu.memory_space<hbm>>
      tpu.wait_dma2 semaphore(%run_scoped3A : memref<!tpu.dma_semaphore, #tpu.memory_space<semaphore_mem>>) src(%arg13 : memref<128x128xf32, #tpu.memory_space<vmem>>) dst(%dma_wait3A_110 : memref<128x128xf32, #tpu.memory_space<hbm>>)
      tpu.yield
    }) : () -> ()
    return
  }
}

#map = affine_map<(d0, d1) -> (0, 0)>
#map1 = affine_map<(d0, d1) -> (0)>
#map2 = affine_map<(d0, d1) -> (0, 0, 0)>
module attributes {stable_mosaic.version = 14 : i64} {
  func.func @_layer(%arg0: i32, %arg1: i32, %arg2: memref<10000x128xf32, #tpu.memory_space<hbm>>, %arg3: memref<323584xi32, #tpu.memory_space<hbm>>, %arg4: memref<323584xi32, #tpu.memory_space<hbm>>, %arg5: memref<323584xf32, #tpu.memory_space<hbm>>, %arg6: memref<2x10000x128xf32, #tpu.memory_space<hbm>>, %arg7: memref<128xi32, #tpu.memory_space<vmem>>, %arg8: memref<128xi32, #tpu.memory_space<vmem>>, %arg9: memref<128xf32, #tpu.memory_space<vmem>>, %arg10: memref<128x128xf32, #tpu.memory_space<vmem>>, %arg11: memref<10000x128xf32, #tpu.memory_space<vmem_shared>>, %arg12: memref<!tpu.dma_semaphore, #tpu.memory_space<semaphore_mem>>) attributes {dimension_semantics = [#tpu.dimension_semantics<core_parallel>, #tpu.dimension_semantics<subcore_parallel>], iteration_bounds = array<i64: 2, 16>, scalar_prefetch = 0 : i64, scratch_operands = 6 : i64, tpu.core_type = #tpu.core_type<sc_vector_subcore>, window_params = [{transform_indices = #map}, {transform_indices = #map1}, {transform_indices = #map1}, {transform_indices = #map1}, {transform_indices = #map2}]} {
    %mul3A = arith.constant 2 : i32
    %mul3A_0 = arith.muli %arg1, %mul3A : i32
    %add3A = arith.addi %mul3A_0, %arg0 : i32
    %scan3A = arith.constant 0 : i32
    %scan3A_1 = arith.constant 0 : i32
    %scan3A_2 = arith.constant 128 : i32
    %scan3A_3 = arith.addi %scan3A_1, %scan3A_2 : i32
    %scan3A_4 = arith.constant 1 : i32
    %scan3A_5 = scf.for %scan3A_47 = %scan3A_1 to %scan3A_3 step %scan3A_4 iter_args(%scan3A_48 = %scan3A) -> (i32)  : i32 {
      %broadcast_in_dim3A = arith.constant 0.000000e+00 : f32
      %broadcast_in_dim3A_49 = vector.broadcast %broadcast_in_dim3A : f32 to vector<16xf32>
      %swap3A = arith.index_cast %scan3A_47 : i32 to index
      %swap3A_50 = arith.constant 0 : index
      %swap3A_51 = tpu.vector_load %arg10[%swap3A, %swap3A_50] {strides = array<i32>} : memref<128x128xf32, #tpu.memory_space<vmem>>, vector<1x16xf32>,
      %swap3A_52 = vector.shape_cast %swap3A_51 : vector<1x16xf32> to vector<16xf32>
      %swap3A_53 = vector.shape_cast %broadcast_in_dim3A_49 : vector<16xf32> to vector<1x16xf32>
      tpu.vector_store %arg10[%swap3A, %swap3A_50], %swap3A_53 {strides = array<i32>} : memref<128x128xf32, #tpu.memory_space<vmem>>, vector<1x16xf32>,
      %broadcast_in_dim3A_54 = arith.constant 0.000000e+00 : f32
      %broadcast_in_dim3A_55 = vector.broadcast %broadcast_in_dim3A_54 : f32 to vector<16xf32>
      %swap3A_56 = arith.index_cast %scan3A_47 : i32 to index
      %swap3A_57 = arith.constant 16 : index
      %swap3A_58 = tpu.vector_load %arg10[%swap3A_56, %swap3A_57] {strides = array<i32>} : memref<128x128xf32, #tpu.memory_space<vmem>>, vector<1x16xf32>,
      %swap3A_59 = vector.shape_cast %swap3A_58 : vector<1x16xf32> to vector<16xf32>
      %swap3A_60 = vector.shape_cast %broadcast_in_dim3A_55 : vector<16xf32> to vector<1x16xf32>
      tpu.vector_store %arg10[%swap3A_56, %swap3A_57], %swap3A_60 {strides = array<i32>} : memref<128x128xf32, #tpu.memory_space<vmem>>, vector<1x16xf32>,
      %broadcast_in_dim3A_61 = arith.constant 0.000000e+00 : f32
      %broadcast_in_dim3A_62 = vector.broadcast %broadcast_in_dim3A_61 : f32 to vector<16xf32>
      %swap3A_63 = arith.index_cast %scan3A_47 : i32 to index
      %swap3A_64 = arith.constant 32 : index
      %swap3A_65 = tpu.vector_load %arg10[%swap3A_63, %swap3A_64] {strides = array<i32>} : memref<128x128xf32, #tpu.memory_space<vmem>>, vector<1x16xf32>,
      %swap3A_66 = vector.shape_cast %swap3A_65 : vector<1x16xf32> to vector<16xf32>
      %swap3A_67 = vector.shape_cast %broadcast_in_dim3A_62 : vector<16xf32> to vector<1x16xf32>
      tpu.vector_store %arg10[%swap3A_63, %swap3A_64], %swap3A_67 {strides = array<i32>} : memref<128x128xf32, #tpu.memory_space<vmem>>, vector<1x16xf32>,
      %broadcast_in_dim3A_68 = arith.constant 0.000000e+00 : f32
      %broadcast_in_dim3A_69 = vector.broadcast %broadcast_in_dim3A_68 : f32 to vector<16xf32>
      %swap3A_70 = arith.index_cast %scan3A_47 : i32 to index
      %swap3A_71 = arith.constant 48 : index
      %swap3A_72 = tpu.vector_load %arg10[%swap3A_70, %swap3A_71] {strides = array<i32>} : memref<128x128xf32, #tpu.memory_space<vmem>>, vector<1x16xf32>,
      %swap3A_73 = vector.shape_cast %swap3A_72 : vector<1x16xf32> to vector<16xf32>
      %swap3A_74 = vector.shape_cast %broadcast_in_dim3A_69 : vector<16xf32> to vector<1x16xf32>
      tpu.vector_store %arg10[%swap3A_70, %swap3A_71], %swap3A_74 {strides = array<i32>} : memref<128x128xf32, #tpu.memory_space<vmem>>, vector<1x16xf32>,
      %broadcast_in_dim3A_75 = arith.constant 0.000000e+00 : f32
      %broadcast_in_dim3A_76 = vector.broadcast %broadcast_in_dim3A_75 : f32 to vector<16xf32>
      %swap3A_77 = arith.index_cast %scan3A_47 : i32 to index
      %swap3A_78 = arith.constant 64 : index
      %swap3A_79 = tpu.vector_load %arg10[%swap3A_77, %swap3A_78] {strides = array<i32>} : memref<128x128xf32, #tpu.memory_space<vmem>>, vector<1x16xf32>,
      %swap3A_80 = vector.shape_cast %swap3A_79 : vector<1x16xf32> to vector<16xf32>
      %swap3A_81 = vector.shape_cast %broadcast_in_dim3A_76 : vector<16xf32> to vector<1x16xf32>
      tpu.vector_store %arg10[%swap3A_77, %swap3A_78], %swap3A_81 {strides = array<i32>} : memref<128x128xf32, #tpu.memory_space<vmem>>, vector<1x16xf32>,
      %broadcast_in_dim3A_82 = arith.constant 0.000000e+00 : f32
      %broadcast_in_dim3A_83 = vector.broadcast %broadcast_in_dim3A_82 : f32 to vector<16xf32>
      %swap3A_84 = arith.index_cast %scan3A_47 : i32 to index
      %swap3A_85 = arith.constant 80 : index
      %swap3A_86 = tpu.vector_load %arg10[%swap3A_84, %swap3A_85] {strides = array<i32>} : memref<128x128xf32, #tpu.memory_space<vmem>>, vector<1x16xf32>,
      %swap3A_87 = vector.shape_cast %swap3A_86 : vector<1x16xf32> to vector<16xf32>
      %swap3A_88 = vector.shape_cast %broadcast_in_dim3A_83 : vector<16xf32> to vector<1x16xf32>
      tpu.vector_store %arg10[%swap3A_84, %swap3A_85], %swap3A_88 {strides = array<i32>} : memref<128x128xf32, #tpu.memory_space<vmem>>, vector<1x16xf32>,
      %broadcast_in_dim3A_89 = arith.constant 0.000000e+00 : f32
      %broadcast_in_dim3A_90 = vector.broadcast %broadcast_in_dim3A_89 : f32 to vector<16xf32>
      %swap3A_91 = arith.index_cast %scan3A_47 : i32 to index
      %swap3A_92 = arith.constant 96 : index
      %swap3A_93 = tpu.vector_load %arg10[%swap3A_91, %swap3A_92] {strides = array<i32>} : memref<128x128xf32, #tpu.memory_space<vmem>>, vector<1x16xf32>,
      %swap3A_94 = vector.shape_cast %swap3A_93 : vector<1x16xf32> to vector<16xf32>
      %swap3A_95 = vector.shape_cast %broadcast_in_dim3A_90 : vector<16xf32> to vector<1x16xf32>
      tpu.vector_store %arg10[%swap3A_91, %swap3A_92], %swap3A_95 {strides = array<i32>} : memref<128x128xf32, #tpu.memory_space<vmem>>, vector<1x16xf32>,
      %broadcast_in_dim3A_96 = arith.constant 0.000000e+00 : f32
      %broadcast_in_dim3A_97 = vector.broadcast %broadcast_in_dim3A_96 : f32 to vector<16xf32>
      %swap3A_98 = arith.index_cast %scan3A_47 : i32 to index
      %swap3A_99 = arith.constant 112 : index
      %swap3A_100 = tpu.vector_load %arg10[%swap3A_98, %swap3A_99] {strides = array<i32>} : memref<128x128xf32, #tpu.memory_space<vmem>>, vector<1x16xf32>,
      %swap3A_101 = vector.shape_cast %swap3A_100 : vector<1x16xf32> to vector<16xf32>
      %swap3A_102 = vector.shape_cast %broadcast_in_dim3A_97 : vector<16xf32> to vector<1x16xf32>
      tpu.vector_store %arg10[%swap3A_98, %swap3A_99], %swap3A_102 {strides = array<i32>} : memref<128x128xf32, #tpu.memory_space<vmem>>, vector<1x16xf32>,
      %scan3A_103 = arith.constant 0 : i32
      scf.yield %scan3A_103 : i32
    }
    %scan3A_6 = arith.constant 128 : i32
    %mul3A_7 = arith.constant 632 : i32
    %mul3A_8 = arith.muli %arg1, %mul3A_7 : i32
    %add3A_9 = arith.constant 0 : i32
    %add3A_10 = arith.addi %mul3A_8, %add3A_9 : i32
    "tpu.region"() ({
      %run_scoped3A = tpu.sem_alloc : memref<!tpu.dma_semaphore, #tpu.memory_space<semaphore_mem>>
      %dma_start3A = arith.constant 0 : i32
      %dma_start3A_47 = arith.constant 0 : i32
      %dma_start3A_48 = tpu.memref_slice %arg10[%dma_start3A, %dma_start3A_47] : memref<128x128xf32, #tpu.memory_space<vmem>> -> memref<128x128xf32, #tpu.memory_space<vmem>>
      %dma_start3A_49 = arith.constant 0 : i32
      %dma_start3A_50 = tpu.memref_slice %arg11[%add3A_10, %dma_start3A_49] : memref<10000x128xf32, #tpu.memory_space<vmem_shared>> -> memref<128x128xf32, #tpu.memory_space<vmem_shared>>
      %dma_start3A_51 = arith.constant 0 : i32
      %dma_start3A_52 = tpu.memref_slice %arg11[%add3A_10, %dma_start3A_51] : memref<10000x128xf32, #tpu.memory_space<vmem_shared>> -> memref<128x128xf32, #tpu.memory_space<vmem_shared>>
      %dma_start3A_53 = arith.constant 0 : i32
      %dma_start3A_54 = arith.constant 0 : i32
      %dma_start3A_55 = tpu.memref_slice %arg10[%dma_start3A_53, %dma_start3A_54] : memref<128x128xf32, #tpu.memory_space<vmem>> -> memref<128x128xf32, #tpu.memory_space<vmem>>
      tpu.enqueue_dma source(%dma_start3A_55 : memref<128x128xf32, #tpu.memory_space<vmem>>) target(%dma_start3A_52 : memref<128x128xf32, #tpu.memory_space<vmem_shared>>) target_semaphore(%run_scoped3A : memref<!tpu.dma_semaphore, #tpu.memory_space<semaphore_mem>>)
      %dma_wait3A = arith.constant 0 : i32
      %dma_wait3A_56 = arith.constant 0 : i32
      %dma_wait3A_57 = tpu.memref_slice %arg10[%dma_wait3A, %dma_wait3A_56] : memref<128x128xf32, #tpu.memory_space<vmem>> -> memref<128x128xf32, #tpu.memory_space<vmem>>
      %dma_wait3A_58 = arith.constant 0 : i32
      %dma_wait3A_59 = tpu.memref_slice %arg11[%add3A_10, %dma_wait3A_58] : memref<10000x128xf32, #tpu.memory_space<vmem_shared>> -> memref<128x128xf32, #tpu.memory_space<vmem_shared>>
      %dma_wait3A_60 = arith.constant 0 : i32
      %dma_wait3A_61 = tpu.memref_slice %arg11[%add3A_10, %dma_wait3A_60] : memref<10000x128xf32, #tpu.memory_space<vmem_shared>> -> memref<128x128xf32, #tpu.memory_space<vmem_shared>>
      %dma_wait3A_62 = arith.constant 0 : i32
      %dma_wait3A_63 = arith.constant 0 : i32
      %dma_wait3A_64 = tpu.memref_slice %arg10[%dma_wait3A_62, %dma_wait3A_63] : memref<128x128xf32, #tpu.memory_space<vmem>> -> memref<128x128xf32, #tpu.memory_space<vmem>>
      tpu.wait_dma2 semaphore(%run_scoped3A : memref<!tpu.dma_semaphore, #tpu.memory_space<semaphore_mem>>) src(%dma_wait3A_64 : memref<128x128xf32, #tpu.memory_space<vmem>>) dst(%dma_wait3A_61 : memref<128x128xf32, #tpu.memory_space<vmem_shared>>)
      tpu.yield
    }) : () -> ()
    %mul3A_11 = arith.constant 632 : i32
    %mul3A_12 = arith.muli %arg1, %mul3A_11 : i32
    %add3A_13 = arith.constant 128 : i32
    %add3A_14 = arith.addi %mul3A_12, %add3A_13 : i32
    "tpu.region"() ({
      %run_scoped3A = tpu.sem_alloc : memref<!tpu.dma_semaphore, #tpu.memory_space<semaphore_mem>>
      %dma_start3A = arith.constant 0 : i32
      %dma_start3A_47 = arith.constant 0 : i32
      %dma_start3A_48 = tpu.memref_slice %arg10[%dma_start3A, %dma_start3A_47] : memref<128x128xf32, #tpu.memory_space<vmem>> -> memref<128x128xf32, #tpu.memory_space<vmem>>
      %dma_start3A_49 = arith.constant 0 : i32
      %dma_start3A_50 = tpu.memref_slice %arg11[%add3A_14, %dma_start3A_49] : memref<10000x128xf32, #tpu.memory_space<vmem_shared>> -> memref<128x128xf32, #tpu.memory_space<vmem_shared>>
      %dma_start3A_51 = arith.constant 0 : i32
      %dma_start3A_52 = tpu.memref_slice %arg11[%add3A_14, %dma_start3A_51] : memref<10000x128xf32, #tpu.memory_space<vmem_shared>> -> memref<128x128xf32, #tpu.memory_space<vmem_shared>>
      %dma_start3A_53 = arith.constant 0 : i32
      %dma_start3A_54 = arith.constant 0 : i32
      %dma_start3A_55 = tpu.memref_slice %arg10[%dma_start3A_53, %dma_start3A_54] : memref<128x128xf32, #tpu.memory_space<vmem>> -> memref<128x128xf32, #tpu.memory_space<vmem>>
      tpu.enqueue_dma source(%dma_start3A_55 : memref<128x128xf32, #tpu.memory_space<vmem>>) target(%dma_start3A_52 : memref<128x128xf32, #tpu.memory_space<vmem_shared>>) target_semaphore(%run_scoped3A : memref<!tpu.dma_semaphore, #tpu.memory_space<semaphore_mem>>)
      %dma_wait3A = arith.constant 0 : i32
      %dma_wait3A_56 = arith.constant 0 : i32
      %dma_wait3A_57 = tpu.memref_slice %arg10[%dma_wait3A, %dma_wait3A_56] : memref<128x128xf32, #tpu.memory_space<vmem>> -> memref<128x128xf32, #tpu.memory_space<vmem>>
      %dma_wait3A_58 = arith.constant 0 : i32
      %dma_wait3A_59 = tpu.memref_slice %arg11[%add3A_14, %dma_wait3A_58] : memref<10000x128xf32, #tpu.memory_space<vmem_shared>> -> memref<128x128xf32, #tpu.memory_space<vmem_shared>>
      %dma_wait3A_60 = arith.constant 0 : i32
      %dma_wait3A_61 = tpu.memref_slice %arg11[%add3A_14, %dma_wait3A_60] : memref<10000x128xf32, #tpu.memory_space<vmem_shared>> -> memref<128x128xf32, #tpu.memory_space<vmem_shared>>
      %dma_wait3A_62 = arith.constant 0 : i32
      %dma_wait3A_63 = arith.constant 0 : i32
      %dma_wait3A_64 = tpu.memref_slice %arg10[%dma_wait3A_62, %dma_wait3A_63] : memref<128x128xf32, #tpu.memory_space<vmem>> -> memref<128x128xf32, #tpu.memory_space<vmem>>
      tpu.wait_dma2 semaphore(%run_scoped3A : memref<!tpu.dma_semaphore, #tpu.memory_space<semaphore_mem>>) src(%dma_wait3A_64 : memref<128x128xf32, #tpu.memory_space<vmem>>) dst(%dma_wait3A_61 : memref<128x128xf32, #tpu.memory_space<vmem_shared>>)
      tpu.yield
    }) : () -> ()
    %mul3A_15 = arith.constant 632 : i32
    %mul3A_16 = arith.muli %arg1, %mul3A_15 : i32
    %add3A_17 = arith.constant 256 : i32
    %add3A_18 = arith.addi %mul3A_16, %add3A_17 : i32
    "tpu.region"() ({
      %run_scoped3A = tpu.sem_alloc : memref<!tpu.dma_semaphore, #tpu.memory_space<semaphore_mem>>
      %dma_start3A = arith.constant 0 : i32
      %dma_start3A_47 = arith.constant 0 : i32
      %dma_start3A_48 = tpu.memref_slice %arg10[%dma_start3A, %dma_start3A_47] : memref<128x128xf32, #tpu.memory_space<vmem>> -> memref<128x128xf32, #tpu.memory_space<vmem>>
      %dma_start3A_49 = arith.constant 0 : i32
      %dma_start3A_50 = tpu.memref_slice %arg11[%add3A_18, %dma_start3A_49] : memref<10000x128xf32, #tpu.memory_space<vmem_shared>> -> memref<128x128xf32, #tpu.memory_space<vmem_shared>>
      %dma_start3A_51 = arith.constant 0 : i32
      %dma_start3A_52 = tpu.memref_slice %arg11[%add3A_18, %dma_start3A_51] : memref<10000x128xf32, #tpu.memory_space<vmem_shared>> -> memref<128x128xf32, #tpu.memory_space<vmem_shared>>
      %dma_start3A_53 = arith.constant 0 : i32
      %dma_start3A_54 = arith.constant 0 : i32
      %dma_start3A_55 = tpu.memref_slice %arg10[%dma_start3A_53, %dma_start3A_54] : memref<128x128xf32, #tpu.memory_space<vmem>> -> memref<128x128xf32, #tpu.memory_space<vmem>>
      tpu.enqueue_dma source(%dma_start3A_55 : memref<128x128xf32, #tpu.memory_space<vmem>>) target(%dma_start3A_52 : memref<128x128xf32, #tpu.memory_space<vmem_shared>>) target_semaphore(%run_scoped3A : memref<!tpu.dma_semaphore, #tpu.memory_space<semaphore_mem>>)
      %dma_wait3A = arith.constant 0 : i32
      %dma_wait3A_56 = arith.constant 0 : i32
      %dma_wait3A_57 = tpu.memref_slice %arg10[%dma_wait3A, %dma_wait3A_56] : memref<128x128xf32, #tpu.memory_space<vmem>> -> memref<128x128xf32, #tpu.memory_space<vmem>>
      %dma_wait3A_58 = arith.constant 0 : i32
      %dma_wait3A_59 = tpu.memref_slice %arg11[%add3A_18, %dma_wait3A_58] : memref<10000x128xf32, #tpu.memory_space<vmem_shared>> -> memref<128x128xf32, #tpu.memory_space<vmem_shared>>
      %dma_wait3A_60 = arith.constant 0 : i32
      %dma_wait3A_61 = tpu.memref_slice %arg11[%add3A_18, %dma_wait3A_60] : memref<10000x128xf32, #tpu.memory_space<vmem_shared>> -> memref<128x128xf32, #tpu.memory_space<vmem_shared>>
      %dma_wait3A_62 = arith.constant 0 : i32
      %dma_wait3A_63 = arith.constant 0 : i32
      %dma_wait3A_64 = tpu.memref_slice %arg10[%dma_wait3A_62, %dma_wait3A_63] : memref<128x128xf32, #tpu.memory_space<vmem>> -> memref<128x128xf32, #tpu.memory_space<vmem>>
      tpu.wait_dma2 semaphore(%run_scoped3A : memref<!tpu.dma_semaphore, #tpu.memory_space<semaphore_mem>>) src(%dma_wait3A_64 : memref<128x128xf32, #tpu.memory_space<vmem>>) dst(%dma_wait3A_61 : memref<128x128xf32, #tpu.memory_space<vmem_shared>>)
      tpu.yield
    }) : () -> ()
    %mul3A_19 = arith.constant 632 : i32
    %mul3A_20 = arith.muli %arg1, %mul3A_19 : i32
    %add3A_21 = arith.constant 384 : i32
    %add3A_22 = arith.addi %mul3A_20, %add3A_21 : i32
    "tpu.region"() ({
      %run_scoped3A = tpu.sem_alloc : memref<!tpu.dma_semaphore, #tpu.memory_space<semaphore_mem>>
      %dma_start3A = arith.constant 0 : i32
      %dma_start3A_47 = arith.constant 0 : i32
      %dma_start3A_48 = tpu.memref_slice %arg10[%dma_start3A, %dma_start3A_47] : memref<128x128xf32, #tpu.memory_space<vmem>> -> memref<128x128xf32, #tpu.memory_space<vmem>>
      %dma_start3A_49 = arith.constant 0 : i32
      %dma_start3A_50 = tpu.memref_slice %arg11[%add3A_22, %dma_start3A_49] : memref<10000x128xf32, #tpu.memory_space<vmem_shared>> -> memref<128x128xf32, #tpu.memory_space<vmem_shared>>
      %dma_start3A_51 = arith.constant 0 : i32
      %dma_start3A_52 = tpu.memref_slice %arg11[%add3A_22, %dma_start3A_51] : memref<10000x128xf32, #tpu.memory_space<vmem_shared>> -> memref<128x128xf32, #tpu.memory_space<vmem_shared>>
      %dma_start3A_53 = arith.constant 0 : i32
      %dma_start3A_54 = arith.constant 0 : i32
      %dma_start3A_55 = tpu.memref_slice %arg10[%dma_start3A_53, %dma_start3A_54] : memref<128x128xf32, #tpu.memory_space<vmem>> -> memref<128x128xf32, #tpu.memory_space<vmem>>
      tpu.enqueue_dma source(%dma_start3A_55 : memref<128x128xf32, #tpu.memory_space<vmem>>) target(%dma_start3A_52 : memref<128x128xf32, #tpu.memory_space<vmem_shared>>) target_semaphore(%run_scoped3A : memref<!tpu.dma_semaphore, #tpu.memory_space<semaphore_mem>>)
      %dma_wait3A = arith.constant 0 : i32
      %dma_wait3A_56 = arith.constant 0 : i32
      %dma_wait3A_57 = tpu.memref_slice %arg10[%dma_wait3A, %dma_wait3A_56] : memref<128x128xf32, #tpu.memory_space<vmem>> -> memref<128x128xf32, #tpu.memory_space<vmem>>
      %dma_wait3A_58 = arith.constant 0 : i32
      %dma_wait3A_59 = tpu.memref_slice %arg11[%add3A_22, %dma_wait3A_58] : memref<10000x128xf32, #tpu.memory_space<vmem_shared>> -> memref<128x128xf32, #tpu.memory_space<vmem_shared>>
      %dma_wait3A_60 = arith.constant 0 : i32
      %dma_wait3A_61 = tpu.memref_slice %arg11[%add3A_22, %dma_wait3A_60] : memref<10000x128xf32, #tpu.memory_space<vmem_shared>> -> memref<128x128xf32, #tpu.memory_space<vmem_shared>>
      %dma_wait3A_62 = arith.constant 0 : i32
      %dma_wait3A_63 = arith.constant 0 : i32
      %dma_wait3A_64 = tpu.memref_slice %arg10[%dma_wait3A_62, %dma_wait3A_63] : memref<128x128xf32, #tpu.memory_space<vmem>> -> memref<128x128xf32, #tpu.memory_space<vmem>>
      tpu.wait_dma2 semaphore(%run_scoped3A : memref<!tpu.dma_semaphore, #tpu.memory_space<semaphore_mem>>) src(%dma_wait3A_64 : memref<128x128xf32, #tpu.memory_space<vmem>>) dst(%dma_wait3A_61 : memref<128x128xf32, #tpu.memory_space<vmem_shared>>)
      tpu.yield
    }) : () -> ()
    %lt3A = arith.constant 15 : i32
    %lt3A_23 = arith.cmpi slt, %arg1, %lt3A : i32
    %convert_element_type3A = arith.extui %lt3A_23 : i1 to i32
    %cond3A = arith.constant 0 : i32
    %cond3A_24 = arith.cmpi ne, %convert_element_type3A, %cond3A : i32
    scf.if %cond3A_24 {
      %mul3A_47 = arith.constant 632 : i32
      %mul3A_48 = arith.muli %arg1, %mul3A_47 : i32
      %add3A_49 = arith.constant 512 : i32
      %add3A_50 = arith.addi %mul3A_48, %add3A_49 : i32
      "tpu.region"() ({
        %run_scoped3A = tpu.sem_alloc : memref<!tpu.dma_semaphore, #tpu.memory_space<semaphore_mem>>
        %dma_start3A = arith.constant 0 : i32
        %dma_start3A_51 = arith.constant 0 : i32
        %dma_start3A_52 = tpu.memref_slice %arg10[%dma_start3A, %dma_start3A_51] : memref<128x128xf32, #tpu.memory_space<vmem>> -> memref<120x128xf32, #tpu.memory_space<vmem>>
        %dma_start3A_53 = arith.constant 0 : i32
        %dma_start3A_54 = tpu.memref_slice %arg11[%add3A_50, %dma_start3A_53] : memref<10000x128xf32, #tpu.memory_space<vmem_shared>> -> memref<120x128xf32, #tpu.memory_space<vmem_shared>>
        %dma_start3A_55 = arith.constant 0 : i32
        %dma_start3A_56 = tpu.memref_slice %arg11[%add3A_50, %dma_start3A_55] : memref<10000x128xf32, #tpu.memory_space<vmem_shared>> -> memref<120x128xf32, #tpu.memory_space<vmem_shared>>
        %dma_start3A_57 = arith.constant 0 : i32
        %dma_start3A_58 = arith.constant 0 : i32
        %dma_start3A_59 = tpu.memref_slice %arg10[%dma_start3A_57, %dma_start3A_58] : memref<128x128xf32, #tpu.memory_space<vmem>> -> memref<120x128xf32, #tpu.memory_space<vmem>>
        tpu.enqueue_dma source(%dma_start3A_59 : memref<120x128xf32, #tpu.memory_space<vmem>>) target(%dma_start3A_56 : memref<120x128xf32, #tpu.memory_space<vmem_shared>>) target_semaphore(%run_scoped3A : memref<!tpu.dma_semaphore, #tpu.memory_space<semaphore_mem>>)
        %dma_wait3A = arith.constant 0 : i32
        %dma_wait3A_60 = arith.constant 0 : i32
        %dma_wait3A_61 = tpu.memref_slice %arg10[%dma_wait3A, %dma_wait3A_60] : memref<128x128xf32, #tpu.memory_space<vmem>> -> memref<120x128xf32, #tpu.memory_space<vmem>>
        %dma_wait3A_62 = arith.constant 0 : i32
        %dma_wait3A_63 = tpu.memref_slice %arg11[%add3A_50, %dma_wait3A_62] : memref<10000x128xf32, #tpu.memory_space<vmem_shared>> -> memref<120x128xf32, #tpu.memory_space<vmem_shared>>
        %dma_wait3A_64 = arith.constant 0 : i32
        %dma_wait3A_65 = tpu.memref_slice %arg11[%add3A_50, %dma_wait3A_64] : memref<10000x128xf32, #tpu.memory_space<vmem_shared>> -> memref<120x128xf32, #tpu.memory_space<vmem_shared>>
        %dma_wait3A_66 = arith.constant 0 : i32
        %dma_wait3A_67 = arith.constant 0 : i32
        %dma_wait3A_68 = tpu.memref_slice %arg10[%dma_wait3A_66, %dma_wait3A_67] : memref<128x128xf32, #tpu.memory_space<vmem>> -> memref<120x128xf32, #tpu.memory_space<vmem>>
        tpu.wait_dma2 semaphore(%run_scoped3A : memref<!tpu.dma_semaphore, #tpu.memory_space<semaphore_mem>>) src(%dma_wait3A_68 : memref<120x128xf32, #tpu.memory_space<vmem>>) dst(%dma_wait3A_65 : memref<120x128xf32, #tpu.memory_space<vmem_shared>>)
        tpu.yield
      }) : () -> ()
    } else {
    }
    %eq3A = arith.constant 15 : i32
    %eq3A_25 = arith.cmpi eq, %arg1, %eq3A : i32
    %convert_element_type3A_26 = arith.extui %eq3A_25 : i1 to i32
    %cond3A_27 = arith.constant 0 : i32
    %cond3A_28 = arith.cmpi ne, %convert_element_type3A_26, %cond3A_27 : i32
    scf.if %cond3A_28 {
      %mul3A_47 = arith.constant 632 : i32
      %mul3A_48 = arith.muli %arg1, %mul3A_47 : i32
      %add3A_49 = arith.constant 512 : i32
      %add3A_50 = arith.addi %mul3A_48, %add3A_49 : i32
      "tpu.region"() ({
        %run_scoped3A = tpu.sem_alloc : memref<!tpu.dma_semaphore, #tpu.memory_space<semaphore_mem>>
        %dma_start3A = arith.constant 0 : i32
        %dma_start3A_51 = arith.constant 0 : i32
        %dma_start3A_52 = tpu.memref_slice %arg10[%dma_start3A, %dma_start3A_51] : memref<128x128xf32, #tpu.memory_space<vmem>> -> memref<8x128xf32, #tpu.memory_space<vmem>>
        %dma_start3A_53 = arith.constant 0 : i32
        %dma_start3A_54 = tpu.memref_slice %arg11[%add3A_50, %dma_start3A_53] : memref<10000x128xf32, #tpu.memory_space<vmem_shared>> -> memref<8x128xf32, #tpu.memory_space<vmem_shared>>
        %dma_start3A_55 = arith.constant 0 : i32
        %dma_start3A_56 = tpu.memref_slice %arg11[%add3A_50, %dma_start3A_55] : memref<10000x128xf32, #tpu.memory_space<vmem_shared>> -> memref<8x128xf32, #tpu.memory_space<vmem_shared>>
        %dma_start3A_57 = arith.constant 0 : i32
        %dma_start3A_58 = arith.constant 0 : i32
        %dma_start3A_59 = tpu.memref_slice %arg10[%dma_start3A_57, %dma_start3A_58] : memref<128x128xf32, #tpu.memory_space<vmem>> -> memref<8x128xf32, #tpu.memory_space<vmem>>
        tpu.enqueue_dma source(%dma_start3A_59 : memref<8x128xf32, #tpu.memory_space<vmem>>) target(%dma_start3A_56 : memref<8x128xf32, #tpu.memory_space<vmem_shared>>) target_semaphore(%run_scoped3A : memref<!tpu.dma_semaphore, #tpu.memory_space<semaphore_mem>>)
        %dma_wait3A = arith.constant 0 : i32
        %dma_wait3A_60 = arith.constant 0 : i32
        %dma_wait3A_61 = tpu.memref_slice %arg10[%dma_wait3A, %dma_wait3A_60] : memref<128x128xf32, #tpu.memory_space<vmem>> -> memref<8x128xf32, #tpu.memory_space<vmem>>
        %dma_wait3A_62 = arith.constant 0 : i32
        %dma_wait3A_63 = tpu.memref_slice %arg11[%add3A_50, %dma_wait3A_62] : memref<10000x128xf32, #tpu.memory_space<vmem_shared>> -> memref<8x128xf32, #tpu.memory_space<vmem_shared>>
        %dma_wait3A_64 = arith.constant 0 : i32
        %dma_wait3A_65 = tpu.memref_slice %arg11[%add3A_50, %dma_wait3A_64] : memref<10000x128xf32, #tpu.memory_space<vmem_shared>> -> memref<8x128xf32, #tpu.memory_space<vmem_shared>>
        %dma_wait3A_66 = arith.constant 0 : i32
        %dma_wait3A_67 = arith.constant 0 : i32
        %dma_wait3A_68 = tpu.memref_slice %arg10[%dma_wait3A_66, %dma_wait3A_67] : memref<128x128xf32, #tpu.memory_space<vmem>> -> memref<8x128xf32, #tpu.memory_space<vmem>>
        tpu.wait_dma2 semaphore(%run_scoped3A : memref<!tpu.dma_semaphore, #tpu.memory_space<semaphore_mem>>) src(%dma_wait3A_68 : memref<8x128xf32, #tpu.memory_space<vmem>>) dst(%dma_wait3A_65 : memref<8x128xf32, #tpu.memory_space<vmem_shared>>)
        tpu.yield
      }) : () -> ()
    } else {
    }
    %barrier3A = arith.constant 0 : index
    tpu.barrier barrier_id(%barrier3A)
    %scan3A_29 = arith.constant 0 : i32
    %scan3A_30 = arith.constant 0 : i32
    %scan3A_31 = arith.constant 79 : i32
    %scan3A_32 = arith.addi %scan3A_30, %scan3A_31 : i32
    %scan3A_33 = arith.constant 1 : i32
    %scan3A_34 = scf.for %scan3A_47 = %scan3A_30 to %scan3A_32 step %scan3A_33 iter_args(%scan3A_48 = %scan3A_29) -> (i32)  : i32 {
      %mul3A_49 = arith.constant 10112 : i32
      %mul3A_50 = arith.muli %add3A, %mul3A_49 : i32
      %mul3A_51 = arith.constant 128 : i32
      %mul3A_52 = arith.muli %scan3A_47, %mul3A_51 : i32
      %add3A_53 = arith.addi %mul3A_50, %mul3A_52 : i32
      "tpu.region"() ({
        %run_scoped3A = tpu.sem_alloc : memref<!tpu.dma_semaphore, #tpu.memory_space<semaphore_mem>>
        %dma_start3A_66 = tpu.memref_slice %arg3[%add3A_53] : memref<323584xi32, #tpu.memory_space<hbm>> -> memref<128xi32, #tpu.memory_space<hbm>>
        %dma_start3A_67 = tpu.memref_slice %arg3[%add3A_53] : memref<323584xi32, #tpu.memory_space<hbm>> -> memref<128xi32, #tpu.memory_space<hbm>>
        tpu.enqueue_dma source(%dma_start3A_67 : memref<128xi32, #tpu.memory_space<hbm>>) target(%arg7 : memref<128xi32, #tpu.memory_space<vmem>>) target_semaphore(%run_scoped3A : memref<!tpu.dma_semaphore, #tpu.memory_space<semaphore_mem>>)
        %dma_wait3A_68 = tpu.memref_slice %arg3[%add3A_53] : memref<323584xi32, #tpu.memory_space<hbm>> -> memref<128xi32, #tpu.memory_space<hbm>>
        %dma_wait3A_69 = tpu.memref_slice %arg3[%add3A_53] : memref<323584xi32, #tpu.memory_space<hbm>> -> memref<128xi32, #tpu.memory_space<hbm>>
        tpu.wait_dma2 semaphore(%run_scoped3A : memref<!tpu.dma_semaphore, #tpu.memory_space<semaphore_mem>>) src(%dma_wait3A_69 : memref<128xi32, #tpu.memory_space<hbm>>) dst(%arg7 : memref<128xi32, #tpu.memory_space<vmem>>)
        tpu.yield
      }) : () -> ()
      "tpu.region"() ({
        %run_scoped3A = tpu.sem_alloc : memref<!tpu.dma_semaphore, #tpu.memory_space<semaphore_mem>>
        %dma_start3A_66 = tpu.memref_slice %arg4[%add3A_53] : memref<323584xi32, #tpu.memory_space<hbm>> -> memref<128xi32, #tpu.memory_space<hbm>>
        %dma_start3A_67 = tpu.memref_slice %arg4[%add3A_53] : memref<323584xi32, #tpu.memory_space<hbm>> -> memref<128xi32, #tpu.memory_space<hbm>>
        tpu.enqueue_dma source(%dma_start3A_67 : memref<128xi32, #tpu.memory_space<hbm>>) target(%arg8 : memref<128xi32, #tpu.memory_space<vmem>>) target_semaphore(%run_scoped3A : memref<!tpu.dma_semaphore, #tpu.memory_space<semaphore_mem>>)
        %dma_wait3A_68 = tpu.memref_slice %arg4[%add3A_53] : memref<323584xi32, #tpu.memory_space<hbm>> -> memref<128xi32, #tpu.memory_space<hbm>>
        %dma_wait3A_69 = tpu.memref_slice %arg4[%add3A_53] : memref<323584xi32, #tpu.memory_space<hbm>> -> memref<128xi32, #tpu.memory_space<hbm>>
        tpu.wait_dma2 semaphore(%run_scoped3A : memref<!tpu.dma_semaphore, #tpu.memory_space<semaphore_mem>>) src(%dma_wait3A_69 : memref<128xi32, #tpu.memory_space<hbm>>) dst(%arg8 : memref<128xi32, #tpu.memory_space<vmem>>)
        tpu.yield
      }) : () -> ()
      "tpu.region"() ({
        %run_scoped3A = tpu.sem_alloc : memref<!tpu.dma_semaphore, #tpu.memory_space<semaphore_mem>>
        %dma_start3A_66 = tpu.memref_slice %arg5[%add3A_53] : memref<323584xf32, #tpu.memory_space<hbm>> -> memref<128xf32, #tpu.memory_space<hbm>>
        %dma_start3A_67 = tpu.memref_slice %arg5[%add3A_53] : memref<323584xf32, #tpu.memory_space<hbm>> -> memref<128xf32, #tpu.memory_space<hbm>>
        tpu.enqueue_dma source(%dma_start3A_67 : memref<128xf32, #tpu.memory_space<hbm>>) target(%arg9 : memref<128xf32, #tpu.memory_space<vmem>>) target_semaphore(%run_scoped3A : memref<!tpu.dma_semaphore, #tpu.memory_space<semaphore_mem>>)
        %dma_wait3A_68 = tpu.memref_slice %arg5[%add3A_53] : memref<323584xf32, #tpu.memory_space<hbm>> -> memref<128xf32, #tpu.memory_space<hbm>>
        %dma_wait3A_69 = tpu.memref_slice %arg5[%add3A_53] : memref<323584xf32, #tpu.memory_space<hbm>> -> memref<128xf32, #tpu.memory_space<hbm>>
        tpu.wait_dma2 semaphore(%run_scoped3A : memref<!tpu.dma_semaphore, #tpu.memory_space<semaphore_mem>>) src(%dma_wait3A_69 : memref<128xf32, #tpu.memory_space<hbm>>) dst(%arg9 : memref<128xf32, #tpu.memory_space<vmem>>)
        tpu.yield
      }) : () -> ()
      %dma_start3A = arith.constant 0 : i32
      %dma_start3A_54 = arith.constant 0 : i32
      %dma_start3A_55 = tpu.memref_slice %arg2[%dma_start3A, %dma_start3A_54] : memref<10000x128xf32, #tpu.memory_space<hbm>> -> memref<10000x128xf32, #tpu.memory_space<hbm>>
      tpu.enqueue_indirect_dma source(%dma_start3A_55 : memref<10000x128xf32, #tpu.memory_space<hbm>>) target(%arg10 : memref<128x128xf32, #tpu.memory_space<vmem>>) offsets(%arg7 : memref<128xi32, #tpu.memory_space<vmem>>) semaphore(%arg12 : memref<!tpu.dma_semaphore, #tpu.memory_space<semaphore_mem>>)
      %dma_wait3A = arith.constant 0 : i32
      %dma_wait3A_56 = arith.constant 0 : i32
      %dma_wait3A_57 = tpu.memref_slice %arg2[%dma_wait3A, %dma_wait3A_56] : memref<10000x128xf32, #tpu.memory_space<hbm>> -> memref<10000x128xf32, #tpu.memory_space<hbm>>
      tpu.wait_indirect_dma semaphore(%arg12 : memref<!tpu.dma_semaphore, #tpu.memory_space<semaphore_mem>>) src(%dma_wait3A_57 : memref<10000x128xf32, #tpu.memory_space<hbm>>) dst(%arg10 : memref<128x128xf32, #tpu.memory_space<vmem>>)
      %scan3A_58 = arith.constant 0 : i32
      %scan3A_59 = arith.constant 0 : i32
      %scan3A_60 = arith.constant 128 : i32
      %scan3A_61 = arith.addi %scan3A_59, %scan3A_60 : i32
      %scan3A_62 = arith.constant 1 : i32
      %scan3A_63 = scf.for %scan3A_66 = %scan3A_59 to %scan3A_61 step %scan3A_62 iter_args(%scan3A_67 = %scan3A_58) -> (i32)  : i32 {
        %jit3A = arith.constant 16 : i32
        %div3A = arith.divsi %scan3A_66, %jit3A : i32
        %sign3A = arith.constant 0 : i32
        %sign3A_68 = arith.cmpi sgt, %scan3A_66, %sign3A : i32
        %sign3A_69 = arith.extui %sign3A_68 : i1 to i32
        %sign3A_70 = arith.constant 0 : i32
        %sign3A_71 = arith.cmpi slt, %scan3A_66, %sign3A_70 : i32
        %sign3A_72 = arith.extui %sign3A_71 : i1 to i32
        %sign3A_73 = arith.subi %sign3A_69, %sign3A_72 : i32
        %sign3A_74 = arith.constant 0 : i32
        %sign3A_75 = arith.cmpi sgt, %jit3A, %sign3A_74 : i32
        %sign3A_76 = arith.extui %sign3A_75 : i1 to i32
        %sign3A_77 = arith.constant 0 : i32
        %sign3A_78 = arith.cmpi slt, %jit3A, %sign3A_77 : i32
        %sign3A_79 = arith.extui %sign3A_78 : i1 to i32
        %sign3A_80 = arith.subi %sign3A_76, %sign3A_79 : i32
        %ne3A = arith.cmpi ne, %sign3A_73, %sign3A_80 : i32
        %rem3A = arith.remsi %scan3A_66, %jit3A : i32
        %ne3A_81 = arith.constant 0 : i32
        %ne3A_82 = arith.cmpi ne, %rem3A, %ne3A_81 : i32
        %and3A = arith.andi %ne3A, %ne3A_82 : i1
        %sub3A = arith.constant 1 : i32
        %sub3A_83 = arith.subi %div3A, %sub3A : i32
        %select_n3A = arith.select %and3A, %sub3A_83, %div3A : i32
        %mul3A_84 = arith.constant 16 : i32
        %mul3A_85 = arith.muli %select_n3A, %mul3A_84 : i32
        %get3A = arith.index_cast %mul3A_85 : i32 to index
        %get3A_86 = tpu.vector_load %arg9[%get3A] {strides = array<i32>} : memref<128xf32, #tpu.memory_space<vmem>>, vector<16xf32>,
        %get3A_87 = vector.shape_cast %get3A_86 : vector<16xf32> to vector<16xf32>
        %jit3A_88 = arith.constant 16 : i32
        %eq3A_89 = arith.constant 0 : i32
        %eq3A_90 = arith.cmpi eq, %jit3A_88, %eq3A_89 : i32
        %jit3A_91 = arith.constant 1 : i32
        %select_n3A_92 = arith.select %eq3A_90, %jit3A_91, %jit3A_88 : i32
        %rem3A_93 = arith.remsi %scan3A_66, %select_n3A_92 : i32
        %ne3A_94 = arith.constant 0 : i32
        %ne3A_95 = arith.cmpi ne, %rem3A_93, %ne3A_94 : i32
        %lt3A_96 = arith.constant 0 : i32
        %lt3A_97 = arith.cmpi slt, %rem3A_93, %lt3A_96 : i32
        %lt3A_98 = arith.constant 0 : i32
        %lt3A_99 = arith.cmpi slt, %select_n3A_92, %lt3A_98 : i32
        %ne3A_100 = arith.xori %lt3A_97, %lt3A_99 : i1
        %and3A_101 = arith.andi %ne3A_100, %ne3A_95 : i1
        %add3A_102 = arith.addi %rem3A_93, %select_n3A_92 : i32
        %select_n3A_103 = arith.select %and3A_101, %add3A_102, %rem3A_93 : i32
        %broadcast_in_dim3A = vector.broadcast %select_n3A_103 : i32 to vector<16xi32>
        %broadcast_in_dim3A_104 = vector.shape_cast %broadcast_in_dim3A : vector<16xi32> to vector<16x1xi32>
        %gather3A = vector.shape_cast %broadcast_in_dim3A_104 : vector<16x1xi32> to vector<16xi32>
        %gather3A_105 = tpu.dynamic_gather %get3A_87[%gather3A] in [0] : vector<16xf32>, vector<16xi32> -> vector<16xf32>
        %get3A_106 = arith.index_cast %scan3A_66 : i32 to index
        %get3A_107 = arith.constant 0 : index
        %get3A_108 = tpu.vector_load %arg10[%get3A_106, %get3A_107] {strides = array<i32>} : memref<128x128xf32, #tpu.memory_space<vmem>>, vector<1x16xf32>,
        %get3A_109 = vector.shape_cast %get3A_108 : vector<1x16xf32> to vector<16xf32>
        %mul3A_110 = arith.mulf %get3A_109, %gather3A_105 : vector<16xf32>
        %swap3A = arith.index_cast %scan3A_66 : i32 to index
        %swap3A_111 = arith.constant 0 : index
        %swap3A_112 = tpu.vector_load %arg10[%swap3A, %swap3A_111] {strides = array<i32>} : memref<128x128xf32, #tpu.memory_space<vmem>>, vector<1x16xf32>,
        %swap3A_113 = vector.shape_cast %swap3A_112 : vector<1x16xf32> to vector<16xf32>
        %swap3A_114 = vector.shape_cast %mul3A_110 : vector<16xf32> to vector<1x16xf32>
        tpu.vector_store %arg10[%swap3A, %swap3A_111], %swap3A_114 {strides = array<i32>} : memref<128x128xf32, #tpu.memory_space<vmem>>, vector<1x16xf32>,
        %get3A_115 = arith.index_cast %scan3A_66 : i32 to index
        %get3A_116 = arith.constant 16 : index
        %get3A_117 = tpu.vector_load %arg10[%get3A_115, %get3A_116] {strides = array<i32>} : memref<128x128xf32, #tpu.memory_space<vmem>>, vector<1x16xf32>,
        %get3A_118 = vector.shape_cast %get3A_117 : vector<1x16xf32> to vector<16xf32>
        %mul3A_119 = arith.mulf %get3A_118, %gather3A_105 : vector<16xf32>
        %swap3A_120 = arith.index_cast %scan3A_66 : i32 to index
        %swap3A_121 = arith.constant 16 : index
        %swap3A_122 = tpu.vector_load %arg10[%swap3A_120, %swap3A_121] {strides = array<i32>} : memref<128x128xf32, #tpu.memory_space<vmem>>, vector<1x16xf32>,
        %swap3A_123 = vector.shape_cast %swap3A_122 : vector<1x16xf32> to vector<16xf32>
        %swap3A_124 = vector.shape_cast %mul3A_119 : vector<16xf32> to vector<1x16xf32>
        tpu.vector_store %arg10[%swap3A_120, %swap3A_121], %swap3A_124 {strides = array<i32>} : memref<128x128xf32, #tpu.memory_space<vmem>>, vector<1x16xf32>,
        %get3A_125 = arith.index_cast %scan3A_66 : i32 to index
        %get3A_126 = arith.constant 32 : index
        %get3A_127 = tpu.vector_load %arg10[%get3A_125, %get3A_126] {strides = array<i32>} : memref<128x128xf32, #tpu.memory_space<vmem>>, vector<1x16xf32>,
        %get3A_128 = vector.shape_cast %get3A_127 : vector<1x16xf32> to vector<16xf32>
        %mul3A_129 = arith.mulf %get3A_128, %gather3A_105 : vector<16xf32>
        %swap3A_130 = arith.index_cast %scan3A_66 : i32 to index
        %swap3A_131 = arith.constant 32 : index
        %swap3A_132 = tpu.vector_load %arg10[%swap3A_130, %swap3A_131] {strides = array<i32>} : memref<128x128xf32, #tpu.memory_space<vmem>>, vector<1x16xf32>,
        %swap3A_133 = vector.shape_cast %swap3A_132 : vector<1x16xf32> to vector<16xf32>
        %swap3A_134 = vector.shape_cast %mul3A_129 : vector<16xf32> to vector<1x16xf32>
        tpu.vector_store %arg10[%swap3A_130, %swap3A_131], %swap3A_134 {strides = array<i32>} : memref<128x128xf32, #tpu.memory_space<vmem>>, vector<1x16xf32>,
        %get3A_135 = arith.index_cast %scan3A_66 : i32 to index
        %get3A_136 = arith.constant 48 : index
        %get3A_137 = tpu.vector_load %arg10[%get3A_135, %get3A_136] {strides = array<i32>} : memref<128x128xf32, #tpu.memory_space<vmem>>, vector<1x16xf32>,
        %get3A_138 = vector.shape_cast %get3A_137 : vector<1x16xf32> to vector<16xf32>
        %mul3A_139 = arith.mulf %get3A_138, %gather3A_105 : vector<16xf32>
        %swap3A_140 = arith.index_cast %scan3A_66 : i32 to index
        %swap3A_141 = arith.constant 48 : index
        %swap3A_142 = tpu.vector_load %arg10[%swap3A_140, %swap3A_141] {strides = array<i32>} : memref<128x128xf32, #tpu.memory_space<vmem>>, vector<1x16xf32>,
        %swap3A_143 = vector.shape_cast %swap3A_142 : vector<1x16xf32> to vector<16xf32>
        %swap3A_144 = vector.shape_cast %mul3A_139 : vector<16xf32> to vector<1x16xf32>
        tpu.vector_store %arg10[%swap3A_140, %swap3A_141], %swap3A_144 {strides = array<i32>} : memref<128x128xf32, #tpu.memory_space<vmem>>, vector<1x16xf32>,
        %get3A_145 = arith.index_cast %scan3A_66 : i32 to index
        %get3A_146 = arith.constant 64 : index
        %get3A_147 = tpu.vector_load %arg10[%get3A_145, %get3A_146] {strides = array<i32>} : memref<128x128xf32, #tpu.memory_space<vmem>>, vector<1x16xf32>,
        %get3A_148 = vector.shape_cast %get3A_147 : vector<1x16xf32> to vector<16xf32>
        %mul3A_149 = arith.mulf %get3A_148, %gather3A_105 : vector<16xf32>
        %swap3A_150 = arith.index_cast %scan3A_66 : i32 to index
        %swap3A_151 = arith.constant 64 : index
        %swap3A_152 = tpu.vector_load %arg10[%swap3A_150, %swap3A_151] {strides = array<i32>} : memref<128x128xf32, #tpu.memory_space<vmem>>, vector<1x16xf32>,
        %swap3A_153 = vector.shape_cast %swap3A_152 : vector<1x16xf32> to vector<16xf32>
        %swap3A_154 = vector.shape_cast %mul3A_149 : vector<16xf32> to vector<1x16xf32>
        tpu.vector_store %arg10[%swap3A_150, %swap3A_151], %swap3A_154 {strides = array<i32>} : memref<128x128xf32, #tpu.memory_space<vmem>>, vector<1x16xf32>,
        %get3A_155 = arith.index_cast %scan3A_66 : i32 to index
        %get3A_156 = arith.constant 80 : index
        %get3A_157 = tpu.vector_load %arg10[%get3A_155, %get3A_156] {strides = array<i32>} : memref<128x128xf32, #tpu.memory_space<vmem>>, vector<1x16xf32>,
        %get3A_158 = vector.shape_cast %get3A_157 : vector<1x16xf32> to vector<16xf32>
        %mul3A_159 = arith.mulf %get3A_158, %gather3A_105 : vector<16xf32>
        %swap3A_160 = arith.index_cast %scan3A_66 : i32 to index
        %swap3A_161 = arith.constant 80 : index
        %swap3A_162 = tpu.vector_load %arg10[%swap3A_160, %swap3A_161] {strides = array<i32>} : memref<128x128xf32, #tpu.memory_space<vmem>>, vector<1x16xf32>,
        %swap3A_163 = vector.shape_cast %swap3A_162 : vector<1x16xf32> to vector<16xf32>
        %swap3A_164 = vector.shape_cast %mul3A_159 : vector<16xf32> to vector<1x16xf32>
        tpu.vector_store %arg10[%swap3A_160, %swap3A_161], %swap3A_164 {strides = array<i32>} : memref<128x128xf32, #tpu.memory_space<vmem>>, vector<1x16xf32>,
        %get3A_165 = arith.index_cast %scan3A_66 : i32 to index
        %get3A_166 = arith.constant 96 : index
        %get3A_167 = tpu.vector_load %arg10[%get3A_165, %get3A_166] {strides = array<i32>} : memref<128x128xf32, #tpu.memory_space<vmem>>, vector<1x16xf32>,
        %get3A_168 = vector.shape_cast %get3A_167 : vector<1x16xf32> to vector<16xf32>
        %mul3A_169 = arith.mulf %get3A_168, %gather3A_105 : vector<16xf32>
        %swap3A_170 = arith.index_cast %scan3A_66 : i32 to index
        %swap3A_171 = arith.constant 96 : index
        %swap3A_172 = tpu.vector_load %arg10[%swap3A_170, %swap3A_171] {strides = array<i32>} : memref<128x128xf32, #tpu.memory_space<vmem>>, vector<1x16xf32>,
        %swap3A_173 = vector.shape_cast %swap3A_172 : vector<1x16xf32> to vector<16xf32>
        %swap3A_174 = vector.shape_cast %mul3A_169 : vector<16xf32> to vector<1x16xf32>
        tpu.vector_store %arg10[%swap3A_170, %swap3A_171], %swap3A_174 {strides = array<i32>} : memref<128x128xf32, #tpu.memory_space<vmem>>, vector<1x16xf32>,
        %get3A_175 = arith.index_cast %scan3A_66 : i32 to index
        %get3A_176 = arith.constant 112 : index
        %get3A_177 = tpu.vector_load %arg10[%get3A_175, %get3A_176] {strides = array<i32>} : memref<128x128xf32, #tpu.memory_space<vmem>>, vector<1x16xf32>,
        %get3A_178 = vector.shape_cast %get3A_177 : vector<1x16xf32> to vector<16xf32>
        %mul3A_179 = arith.mulf %get3A_178, %gather3A_105 : vector<16xf32>
        %swap3A_180 = arith.index_cast %scan3A_66 : i32 to index
        %swap3A_181 = arith.constant 112 : index
        %swap3A_182 = tpu.vector_load %arg10[%swap3A_180, %swap3A_181] {strides = array<i32>} : memref<128x128xf32, #tpu.memory_space<vmem>>, vector<1x16xf32>,
        %swap3A_183 = vector.shape_cast %swap3A_182 : vector<1x16xf32> to vector<16xf32>
        %swap3A_184 = vector.shape_cast %mul3A_179 : vector<16xf32> to vector<1x16xf32>
        tpu.vector_store %arg10[%swap3A_180, %swap3A_181], %swap3A_184 {strides = array<i32>} : memref<128x128xf32, #tpu.memory_space<vmem>>, vector<1x16xf32>,
        %scan3A_185 = arith.constant 0 : i32
        scf.yield %scan3A_185 : i32
      }
      %scan3A_64 = arith.constant 128 : i32
      "tpu.region"() ({
        %run_scoped3A = tpu.sem_alloc : memref<!tpu.dma_semaphore, #tpu.memory_space<semaphore_mem>>
        %dma_start3A_66 = arith.constant 0 : i32
        %dma_start3A_67 = arith.constant 0 : i32
        %dma_start3A_68 = tpu.memref_slice %arg11[%dma_start3A_66, %dma_start3A_67] : memref<10000x128xf32, #tpu.memory_space<vmem_shared>> -> memref<10000x128xf32, #tpu.memory_space<vmem_shared>>
        tpu.enqueue_indirect_dma source(%arg10 : memref<128x128xf32, #tpu.memory_space<vmem>>) target(%dma_start3A_68 : memref<10000x128xf32, #tpu.memory_space<vmem_shared>>) offsets(%arg8 : memref<128xi32, #tpu.memory_space<vmem>>) semaphore(%run_scoped3A : memref<!tpu.dma_semaphore, #tpu.memory_space<semaphore_mem>>) {add = true}
        %dma_wait3A_69 = arith.constant 0 : i32
        %dma_wait3A_70 = arith.constant 0 : i32
        %dma_wait3A_71 = tpu.memref_slice %arg11[%dma_wait3A_69, %dma_wait3A_70] : memref<10000x128xf32, #tpu.memory_space<vmem_shared>> -> memref<10000x128xf32, #tpu.memory_space<vmem_shared>>
        tpu.wait_indirect_dma semaphore(%run_scoped3A : memref<!tpu.dma_semaphore, #tpu.memory_space<semaphore_mem>>) src(%arg10 : memref<128x128xf32, #tpu.memory_space<vmem>>) dst(%dma_wait3A_71 : memref<10000x128xf32, #tpu.memory_space<vmem_shared>>)
        tpu.yield
      }) : () -> ()
      %scan3A_65 = arith.constant 0 : i32
      scf.yield %scan3A_65 : i32
    }
    %scan3A_35 = arith.constant 79 : i32
    %barrier3A_36 = arith.constant 0 : index
    tpu.barrier barrier_id(%barrier3A_36)
    %lt3A_37 = arith.constant 15 : i32
    %lt3A_38 = arith.cmpi slt, %arg1, %lt3A_37 : i32
    %convert_element_type3A_39 = arith.extui %lt3A_38 : i1 to i32
    %cond3A_40 = arith.constant 0 : i32
    %cond3A_41 = arith.cmpi ne, %convert_element_type3A_39, %cond3A_40 : i32
    scf.if %cond3A_41 {
      %mul3A_47 = arith.constant 632 : i32
      %mul3A_48 = arith.muli %arg1, %mul3A_47 : i32
      %mul3A_49 = arith.constant 632 : i32
      %mul3A_50 = arith.muli %arg1, %mul3A_49 : i32
      "tpu.region"() ({
        %run_scoped3A = tpu.sem_alloc : memref<!tpu.dma_semaphore, #tpu.memory_space<semaphore_mem>>
        %dma_start3A = arith.constant 0 : i32
        %dma_start3A_51 = tpu.memref_slice %arg6[%arg0, %mul3A_50, %dma_start3A] : memref<2x10000x128xf32, #tpu.memory_space<hbm>> -> memref<1x632x128xf32, #tpu.memory_space<hbm>>
        %dma_start3A_52 = tpu.memref_squeeze %dma_start3A_51 : memref<1x632x128xf32, #tpu.memory_space<hbm>> -> memref<632x128xf32, #tpu.memory_space<hbm>>
        %dma_start3A_53 = arith.constant 0 : i32
        %dma_start3A_54 = tpu.memref_slice %arg11[%mul3A_48, %dma_start3A_53] : memref<10000x128xf32, #tpu.memory_space<vmem_shared>> -> memref<632x128xf32, #tpu.memory_space<vmem_shared>>
        tpu.enqueue_dma source(%dma_start3A_54 : memref<632x128xf32, #tpu.memory_space<vmem_shared>>) target(%dma_start3A_52 : memref<632x128xf32, #tpu.memory_space<hbm>>) target_semaphore(%run_scoped3A : memref<!tpu.dma_semaphore, #tpu.memory_space<semaphore_mem>>)
        %dma_wait3A = arith.constant 0 : i32
        %dma_wait3A_55 = tpu.memref_slice %arg6[%arg0, %mul3A_50, %dma_wait3A] : memref<2x10000x128xf32, #tpu.memory_space<hbm>> -> memref<1x632x128xf32, #tpu.memory_space<hbm>>
        %dma_wait3A_56 = tpu.memref_squeeze %dma_wait3A_55 : memref<1x632x128xf32, #tpu.memory_space<hbm>> -> memref<632x128xf32, #tpu.memory_space<hbm>>
        %dma_wait3A_57 = arith.constant 0 : i32
        %dma_wait3A_58 = tpu.memref_slice %arg11[%mul3A_48, %dma_wait3A_57] : memref<10000x128xf32, #tpu.memory_space<vmem_shared>> -> memref<632x128xf32, #tpu.memory_space<vmem_shared>>
        tpu.wait_dma2 semaphore(%run_scoped3A : memref<!tpu.dma_semaphore, #tpu.memory_space<semaphore_mem>>) src(%dma_wait3A_58 : memref<632x128xf32, #tpu.memory_space<vmem_shared>>) dst(%dma_wait3A_56 : memref<632x128xf32, #tpu.memory_space<hbm>>)
        tpu.yield
      }) : () -> ()
    } else {
    }
    %eq3A_42 = arith.constant 15 : i32
    %eq3A_43 = arith.cmpi eq, %arg1, %eq3A_42 : i32
    %convert_element_type3A_44 = arith.extui %eq3A_43 : i1 to i32
    %cond3A_45 = arith.constant 0 : i32
    %cond3A_46 = arith.cmpi ne, %convert_element_type3A_44, %cond3A_45 : i32
    scf.if %cond3A_46 {
      %mul3A_47 = arith.constant 632 : i32
      %mul3A_48 = arith.muli %arg1, %mul3A_47 : i32
      %mul3A_49 = arith.constant 632 : i32
      %mul3A_50 = arith.muli %arg1, %mul3A_49 : i32
      "tpu.region"() ({
        %run_scoped3A = tpu.sem_alloc : memref<!tpu.dma_semaphore, #tpu.memory_space<semaphore_mem>>
        %dma_start3A = arith.constant 0 : i32
        %dma_start3A_51 = tpu.memref_slice %arg6[%arg0, %mul3A_50, %dma_start3A] : memref<2x10000x128xf32, #tpu.memory_space<hbm>> -> memref<1x520x128xf32, #tpu.memory_space<hbm>>
        %dma_start3A_52 = tpu.memref_squeeze %dma_start3A_51 : memref<1x520x128xf32, #tpu.memory_space<hbm>> -> memref<520x128xf32, #tpu.memory_space<hbm>>
        %dma_start3A_53 = arith.constant 0 : i32
        %dma_start3A_54 = tpu.memref_slice %arg11[%mul3A_48, %dma_start3A_53] : memref<10000x128xf32, #tpu.memory_space<vmem_shared>> -> memref<520x128xf32, #tpu.memory_space<vmem_shared>>
        tpu.enqueue_dma source(%dma_start3A_54 : memref<520x128xf32, #tpu.memory_space<vmem_shared>>) target(%dma_start3A_52 : memref<520x128xf32, #tpu.memory_space<hbm>>) target_semaphore(%run_scoped3A : memref<!tpu.dma_semaphore, #tpu.memory_space<semaphore_mem>>)
        %dma_wait3A = arith.constant 0 : i32
        %dma_wait3A_55 = tpu.memref_slice %arg6[%arg0, %mul3A_50, %dma_wait3A] : memref<2x10000x128xf32, #tpu.memory_space<hbm>> -> memref<1x520x128xf32, #tpu.memory_space<hbm>>
        %dma_wait3A_56 = tpu.memref_squeeze %dma_wait3A_55 : memref<1x520x128xf32, #tpu.memory_space<hbm>> -> memref<520x128xf32, #tpu.memory_space<hbm>>
        %dma_wait3A_57 = arith.constant 0 : i32
        %dma_wait3A_58 = tpu.memref_slice %arg11[%mul3A_48, %dma_wait3A_57] : memref<10000x128xf32, #tpu.memory_space<vmem_shared>> -> memref<520x128xf32, #tpu.memory_space<vmem_shared>>
        tpu.wait_dma2 semaphore(%run_scoped3A : memref<!tpu.dma_semaphore, #tpu.memory_space<semaphore_mem>>) src(%dma_wait3A_58 : memref<520x128xf32, #tpu.memory_space<vmem_shared>>) dst(%dma_wait3A_56 : memref<520x128xf32, #tpu.memory_space<hbm>>)
        tpu.yield
      }) : () -> ()
    } else {
    }
    return
  }
}

module attributes {stable_mosaic.version = 14 : i64} {
  func.func @_combine_body(%arg0: i32, %arg1: memref<1000x128xf32, #tpu.memory_space<vmem>>, %arg2: memref<1000x128xf32, #tpu.memory_space<vmem>>, %arg3: memref<1000x128xf32, #tpu.memory_space<vmem>>, %arg4: memref<1000x128xf32, #tpu.memory_space<vmem>>, %arg5: memref<1000x128xf32, #tpu.memory_space<vmem>>) attributes {dimension_semantics = [#tpu.dimension_semantics<arbitrary>], iteration_bounds = array<i64: 10>, scalar_prefetch = 0 : i64, scratch_operands = 0 : i64, tpu.core_type = #tpu.core_type<tc>, window_params = [{transform_indices = @transform_0, window_bounds = array<i64: 1000, 128>}, {transform_indices = @transform_1, window_bounds = array<i64: 1000, 128>}, {transform_indices = @transform_2, window_bounds = array<i64: 1000, 128>}, {transform_indices = @transform_3, window_bounds = array<i64: 1000, 128>}, {transform_indices = @transform_4, window_bounds = array<i64: 1000, 128>}]} {
    %get3A = arith.constant 0 : index
    %get3A_0 = arith.constant 0 : index
    %get3A_1 = vector.load %arg1[%get3A, %get3A_0] : memref<1000x128xf32, #tpu.memory_space<vmem>>, vector<1000x128xf32>
    %get3A_2 = arith.constant 0 : index
    %get3A_3 = arith.constant 0 : index
    %get3A_4 = vector.load %arg2[%get3A_2, %get3A_3] : memref<1000x128xf32, #tpu.memory_space<vmem>>, vector<1000x128xf32>
    %add3A = arith.addf %get3A_1, %get3A_4 : vector<1000x128xf32>
    %swap3A = arith.constant 0 : index
    %swap3A_5 = arith.constant 0 : index
    %swap3A_6 = vector.load %arg4[%swap3A, %swap3A_5] : memref<1000x128xf32, #tpu.memory_space<vmem>>, vector<1000x128xf32>
    tpu.vector_store %arg4[%swap3A, %swap3A_5], %add3A {strides = array<i32>} : memref<1000x128xf32, #tpu.memory_space<vmem>>, vector<1000x128xf32>,
    %get3A_7 = arith.constant 0 : index
    %get3A_8 = arith.constant 0 : index
    %get3A_9 = vector.load %arg3[%get3A_7, %get3A_8] : memref<1000x128xf32, #tpu.memory_space<vmem>>, vector<1000x128xf32>
    %add3A_10 = arith.addf %get3A_9, %add3A : vector<1000x128xf32>
    %swap3A_11 = arith.constant 0 : index
    %swap3A_12 = arith.constant 0 : index
    %swap3A_13 = vector.load %arg5[%swap3A_11, %swap3A_12] : memref<1000x128xf32, #tpu.memory_space<vmem>>, vector<1000x128xf32>
    tpu.vector_store %arg5[%swap3A_11, %swap3A_12], %add3A_10 {strides = array<i32>} : memref<1000x128xf32, #tpu.memory_space<vmem>>, vector<1000x128xf32>,
    return
  }
  func.func @transform_0(%arg0: i32) -> (i32, i32) {
    %c0_i32 = arith.constant 0 : i32
    %c0_i32_0 = arith.constant 0 : i32
    return %arg0, %c0_i32 : i32, i32
  }
  func.func @transform_1(%arg0: i32) -> (i32, i32) {
    %c0_i32 = arith.constant 0 : i32
    %c0_i32_0 = arith.constant 0 : i32
    return %arg0, %c0_i32 : i32, i32
  }
  func.func @transform_2(%arg0: i32) -> (i32, i32) {
    %c0_i32 = arith.constant 0 : i32
    %c0_i32_0 = arith.constant 0 : i32
    return %arg0, %c0_i32 : i32, i32
  }
  func.func @transform_3(%arg0: i32) -> (i32, i32) {
    %c0_i32 = arith.constant 0 : i32
    %c0_i32_0 = arith.constant 0 : i32
    return %arg0, %c0_i32 : i32, i32
  }
  func.func @transform_4(%arg0: i32) -> (i32, i32) {
    %c0_i32 = arith.constant 0 : i32
    %c0_i32_0 = arith.constant 0 : i32
    return %arg0, %c0_i32 : i32, i32
  }
}

module attributes {stable_mosaic.version = 14 : i64} {
  func.func @_light_body(%arg0: i32, %arg1: memref<1000x128xf32, #tpu.memory_space<vmem>>, %arg2: memref<1000x128xf32, #tpu.memory_space<vmem>>, %arg3: memref<1000x128xf32, #tpu.memory_space<vmem>>, %arg4: memref<1000x128xf32, #tpu.memory_space<vmem>>) attributes {dimension_semantics = [#tpu.dimension_semantics<arbitrary>], iteration_bounds = array<i64: 10>, scalar_prefetch = 0 : i64, scratch_operands = 0 : i64, tpu.core_type = #tpu.core_type<tc>, window_params = [{transform_indices = @transform_0, window_bounds = array<i64: 1000, 128>}, {transform_indices = @transform_1, window_bounds = array<i64: 1000, 128>}, {transform_indices = @transform_2, window_bounds = array<i64: 1000, 128>}, {transform_indices = @transform_3, window_bounds = array<i64: 1000, 128>}]} {
    %get3A = arith.constant 0 : index
    %get3A_0 = arith.constant 0 : index
    %get3A_1 = vector.load %arg3[%get3A, %get3A_0] : memref<1000x128xf32, #tpu.memory_space<vmem>>, vector<1000x128xf32>
    %get3A_2 = arith.constant 0 : index
    %get3A_3 = arith.constant 0 : index
    %get3A_4 = vector.load %arg1[%get3A_2, %get3A_3] : memref<1000x128xf32, #tpu.memory_space<vmem>>, vector<1000x128xf32>
    %add3A = arith.addf %get3A_1, %get3A_4 : vector<1000x128xf32>
    %get3A_5 = arith.constant 0 : index
    %get3A_6 = arith.constant 0 : index
    %get3A_7 = vector.load %arg2[%get3A_5, %get3A_6] : memref<1000x128xf32, #tpu.memory_space<vmem>>, vector<1000x128xf32>
    %add3A_8 = arith.addf %add3A, %get3A_7 : vector<1000x128xf32>
    %mul3A = arith.constant 2.500000e-01 : f32
    %mul3A_9 = vector.broadcast %mul3A : f32 to vector<1000x128xf32>
    %mul3A_10 = arith.mulf %add3A_8, %mul3A_9 : vector<1000x128xf32>
    %swap3A = arith.constant 0 : index
    %swap3A_11 = arith.constant 0 : index
    %swap3A_12 = vector.load %arg4[%swap3A, %swap3A_11] : memref<1000x128xf32, #tpu.memory_space<vmem>>, vector<1000x128xf32>
    tpu.vector_store %arg4[%swap3A, %swap3A_11], %mul3A_10 {strides = array<i32>} : memref<1000x128xf32, #tpu.memory_space<vmem>>, vector<1000x128xf32>,
    return
  }
  func.func @transform_0(%arg0: i32) -> (i32, i32) {
    %c0_i32 = arith.constant 0 : i32
    %c0_i32_0 = arith.constant 0 : i32
    return %arg0, %c0_i32 : i32, i32
  }
  func.func @transform_1(%arg0: i32) -> (i32, i32) {
    %c0_i32 = arith.constant 0 : i32
    %c0_i32_0 = arith.constant 0 : i32
    return %arg0, %c0_i32 : i32, i32
  }
  func.func @transform_2(%arg0: i32) -> (i32, i32) {
    %c0_i32 = arith.constant 0 : i32
    %c0_i32_0 = arith.constant 0 : i32
    return %arg0, %c0_i32 : i32, i32
  }
  func.func @transform_3(%arg0: i32) -> (i32, i32) {
    %c0_i32 = arith.constant 0 : i32
    %c0_i32_0 = arith.constant 0 : i32
    return %arg0, %c0_i32 : i32, i32
  }
}

module attributes {stable_mosaic.version = 14 : i64} {
  func.func @_gamma_body(%arg0: i32, %arg1: memref<512x128xf32, #tpu.memory_space<vmem>>, %arg2: memref<512x128xf32, #tpu.memory_space<vmem>>, %arg3: memref<512x128xf32, #tpu.memory_space<vmem>>, %arg4: memref<512x128xf32, #tpu.memory_space<vmem>>, %arg5: memref<2x256xf32, #tpu.memory_space<vmem>>, %arg6: memref<2x256xf32, #tpu.memory_space<vmem>>, %arg7: memref<512xf32, #tpu.memory_space<vmem>>) attributes {dimension_semantics = [#tpu.dimension_semantics<arbitrary>], iteration_bounds = array<i64: 8>, scalar_prefetch = 0 : i64, scratch_operands = 0 : i64, tpu.core_type = #tpu.core_type<tc>, window_params = [{transform_indices = @transform_0, window_bounds = array<i64: 512, 128>}, {transform_indices = @transform_1, window_bounds = array<i64: 512, 128>}, {transform_indices = @transform_2, window_bounds = array<i64: 512, 128>}, {transform_indices = @transform_3, window_bounds = array<i64: 512, 128>}, {pipeline_mode = #tpu.pipeline_mode<synchronous>, transform_indices = @transform_4, window_bounds = array<i64: 2, 256>}, {pipeline_mode = #tpu.pipeline_mode<synchronous>, transform_indices = @transform_5, window_bounds = array<i64: 2, 256>}, {transform_indices = @transform_6, window_bounds = array<i64: 512>}]} {
    %get3A = arith.constant 0 : index
    %get3A_0 = arith.constant 0 : index
    %get3A_1 = vector.load %arg1[%get3A, %get3A_0] : memref<512x128xf32, #tpu.memory_space<vmem>>, vector<512x128xf32>
    %get3A_2 = arith.constant 0 : index
    %get3A_3 = arith.constant 0 : index
    %get3A_4 = vector.load %arg2[%get3A_2, %get3A_3] : memref<512x128xf32, #tpu.memory_space<vmem>>, vector<512x128xf32>
    %get3A_5 = arith.constant 0 : index
    %get3A_6 = arith.constant 0 : index
    %get3A_7 = vector.load %arg3[%get3A_5, %get3A_6] : memref<512x128xf32, #tpu.memory_space<vmem>>, vector<512x128xf32>
    %get3A_8 = arith.constant 0 : index
    %get3A_9 = arith.constant 0 : index
    %get3A_10 = vector.load %arg4[%get3A_8, %get3A_9] : memref<512x128xf32, #tpu.memory_space<vmem>>, vector<512x128xf32>
    %get3A_11 = arith.constant 0 : index
    %get3A_12 = arith.constant 0 : index
    %get3A_13 = vector.load %arg5[%get3A_11, %get3A_12] : memref<2x256xf32, #tpu.memory_space<vmem>>, vector<2x256xf32>
    %get3A_14 = arith.constant 0 : index
    %get3A_15 = arith.constant 0 : index
    %get3A_16 = vector.load %arg6[%get3A_14, %get3A_15] : memref<2x256xf32, #tpu.memory_space<vmem>>, vector<2x256xf32>
    %slice3A = vector.extract_strided_slice %get3A_13 {offsets = [0, 0], sizes = [1, 128], strides = [1, 1]} : vector<2x256xf32> to vector<1x128xf32>
    %squeeze3A = vector.shape_cast %slice3A : vector<1x128xf32> to vector<128xf32>
    %broadcast_in_dim3A = vector.shape_cast %squeeze3A : vector<128xf32> to vector<1x128xf32>
    %mul3A = vector.broadcast %broadcast_in_dim3A : vector<1x128xf32> to vector<512x128xf32>
    %mul3A_17 = arith.mulf %get3A_1, %mul3A : vector<512x128xf32>
    %slice3A_18 = vector.extract_strided_slice %get3A_13 {offsets = [0, 128], sizes = [1, 128], strides = [1, 1]} : vector<2x256xf32> to vector<1x128xf32>
    %squeeze3A_19 = vector.shape_cast %slice3A_18 : vector<1x128xf32> to vector<128xf32>
    %broadcast_in_dim3A_20 = vector.shape_cast %squeeze3A_19 : vector<128xf32> to vector<1x128xf32>
    %mul3A_21 = vector.broadcast %broadcast_in_dim3A_20 : vector<1x128xf32> to vector<512x128xf32>
    %mul3A_22 = arith.mulf %get3A_4, %mul3A_21 : vector<512x128xf32>
    %add3A = arith.addf %mul3A_17, %mul3A_22 : vector<512x128xf32>
    %reduce_sum3A = arith.constant dense<0.000000e+00> : vector<512xf32>
    %reduce_sum3A_23 = vector.multi_reduction <add>, %add3A, %reduce_sum3A [1] : vector<512x128xf32> to vector<512xf32>
    %broadcast_in_dim3A_24 = vector.shape_cast %reduce_sum3A_23 : vector<512xf32> to vector<512x1xf32>
    %slice3A_25 = vector.extract_strided_slice %get3A_13 {offsets = [1, 0], sizes = [1, 128], strides = [1, 1]} : vector<2x256xf32> to vector<1x128xf32>
    %squeeze3A_26 = vector.shape_cast %slice3A_25 : vector<1x128xf32> to vector<128xf32>
    %broadcast_in_dim3A_27 = vector.shape_cast %squeeze3A_26 : vector<128xf32> to vector<1x128xf32>
    %mul3A_28 = vector.broadcast %broadcast_in_dim3A_27 : vector<1x128xf32> to vector<512x128xf32>
    %mul3A_29 = arith.mulf %get3A_1, %mul3A_28 : vector<512x128xf32>
    %slice3A_30 = vector.extract_strided_slice %get3A_13 {offsets = [1, 128], sizes = [1, 128], strides = [1, 1]} : vector<2x256xf32> to vector<1x128xf32>
    %squeeze3A_31 = vector.shape_cast %slice3A_30 : vector<1x128xf32> to vector<128xf32>
    %broadcast_in_dim3A_32 = vector.shape_cast %squeeze3A_31 : vector<128xf32> to vector<1x128xf32>
    %mul3A_33 = vector.broadcast %broadcast_in_dim3A_32 : vector<1x128xf32> to vector<512x128xf32>
    %mul3A_34 = arith.mulf %get3A_4, %mul3A_33 : vector<512x128xf32>
    %add3A_35 = arith.addf %mul3A_29, %mul3A_34 : vector<512x128xf32>
    %reduce_sum3A_36 = arith.constant dense<0.000000e+00> : vector<512xf32>
    %reduce_sum3A_37 = vector.multi_reduction <add>, %add3A_35, %reduce_sum3A_36 [1] : vector<512x128xf32> to vector<512xf32>
    %broadcast_in_dim3A_38 = vector.shape_cast %reduce_sum3A_37 : vector<512xf32> to vector<512x1xf32>
    %sub3A = arith.subf %broadcast_in_dim3A_38, %broadcast_in_dim3A_24 : vector<512x1xf32>
    %exp3A = math.exp %sub3A : vector<512x1xf32>
    %add3A_39 = arith.constant 1.000000e+00 : f32
    %add3A_40 = vector.broadcast %add3A_39 : f32 to vector<512x1xf32>
    %add3A_41 = arith.addf %add3A_40, %exp3A : vector<512x1xf32>
    %div3A = arith.constant 1.000000e+00 : f32
    %div3A_42 = vector.broadcast %div3A : f32 to vector<512x1xf32>
    %div3A_43 = arith.divf %div3A_42, %add3A_41 : vector<512x1xf32>
    %mul3A_44 = vector.broadcast %div3A_43 : vector<512x1xf32> to vector<512x128xf32>
    %mul3A_45 = arith.mulf %get3A_1, %mul3A_44 : vector<512x128xf32>
    %sub3A_46 = arith.constant 1.000000e+00 : f32
    %sub3A_47 = vector.broadcast %sub3A_46 : f32 to vector<512x1xf32>
    %sub3A_48 = arith.subf %sub3A_47, %div3A_43 : vector<512x1xf32>
    %mul3A_49 = vector.broadcast %sub3A_48 : vector<512x1xf32> to vector<512x128xf32>
    %mul3A_50 = arith.mulf %get3A_4, %mul3A_49 : vector<512x128xf32>
    %add3A_51 = arith.addf %mul3A_45, %mul3A_50 : vector<512x128xf32>
    %slice3A_52 = vector.extract_strided_slice %get3A_16 {offsets = [0, 0], sizes = [1, 128], strides = [1, 1]} : vector<2x256xf32> to vector<1x128xf32>
    %squeeze3A_53 = vector.shape_cast %slice3A_52 : vector<1x128xf32> to vector<128xf32>
    %broadcast_in_dim3A_54 = vector.shape_cast %squeeze3A_53 : vector<128xf32> to vector<1x128xf32>
    %mul3A_55 = vector.broadcast %broadcast_in_dim3A_54 : vector<1x128xf32> to vector<512x128xf32>
    %mul3A_56 = arith.mulf %get3A_7, %mul3A_55 : vector<512x128xf32>
    %slice3A_57 = vector.extract_strided_slice %get3A_16 {offsets = [0, 128], sizes = [1, 128], strides = [1, 1]} : vector<2x256xf32> to vector<1x128xf32>
    %squeeze3A_58 = vector.shape_cast %slice3A_57 : vector<1x128xf32> to vector<128xf32>
    %broadcast_in_dim3A_59 = vector.shape_cast %squeeze3A_58 : vector<128xf32> to vector<1x128xf32>
    %mul3A_60 = vector.broadcast %broadcast_in_dim3A_59 : vector<1x128xf32> to vector<512x128xf32>
    %mul3A_61 = arith.mulf %get3A_10, %mul3A_60 : vector<512x128xf32>
    %add3A_62 = arith.addf %mul3A_56, %mul3A_61 : vector<512x128xf32>
    %reduce_sum3A_63 = arith.constant dense<0.000000e+00> : vector<512xf32>
    %reduce_sum3A_64 = vector.multi_reduction <add>, %add3A_62, %reduce_sum3A_63 [1] : vector<512x128xf32> to vector<512xf32>
    %broadcast_in_dim3A_65 = vector.shape_cast %reduce_sum3A_64 : vector<512xf32> to vector<512x1xf32>
    %slice3A_66 = vector.extract_strided_slice %get3A_16 {offsets = [1, 0], sizes = [1, 128], strides = [1, 1]} : vector<2x256xf32> to vector<1x128xf32>
    %squeeze3A_67 = vector.shape_cast %slice3A_66 : vector<1x128xf32> to vector<128xf32>
    %broadcast_in_dim3A_68 = vector.shape_cast %squeeze3A_67 : vector<128xf32> to vector<1x128xf32>
    %mul3A_69 = vector.broadcast %broadcast_in_dim3A_68 : vector<1x128xf32> to vector<512x128xf32>
    %mul3A_70 = arith.mulf %get3A_7, %mul3A_69 : vector<512x128xf32>
    %slice3A_71 = vector.extract_strided_slice %get3A_16 {offsets = [1, 128], sizes = [1, 128], strides = [1, 1]} : vector<2x256xf32> to vector<1x128xf32>
    %squeeze3A_72 = vector.shape_cast %slice3A_71 : vector<1x128xf32> to vector<128xf32>
    %broadcast_in_dim3A_73 = vector.shape_cast %squeeze3A_72 : vector<128xf32> to vector<1x128xf32>
    %mul3A_74 = vector.broadcast %broadcast_in_dim3A_73 : vector<1x128xf32> to vector<512x128xf32>
    %mul3A_75 = arith.mulf %get3A_10, %mul3A_74 : vector<512x128xf32>
    %add3A_76 = arith.addf %mul3A_70, %mul3A_75 : vector<512x128xf32>
    %reduce_sum3A_77 = arith.constant dense<0.000000e+00> : vector<512xf32>
    %reduce_sum3A_78 = vector.multi_reduction <add>, %add3A_76, %reduce_sum3A_77 [1] : vector<512x128xf32> to vector<512xf32>
    %broadcast_in_dim3A_79 = vector.shape_cast %reduce_sum3A_78 : vector<512xf32> to vector<512x1xf32>
    %sub3A_80 = arith.subf %broadcast_in_dim3A_79, %broadcast_in_dim3A_65 : vector<512x1xf32>
    %exp3A_81 = math.exp %sub3A_80 : vector<512x1xf32>
    %add3A_82 = arith.constant 1.000000e+00 : f32
    %add3A_83 = vector.broadcast %add3A_82 : f32 to vector<512x1xf32>
    %add3A_84 = arith.addf %add3A_83, %exp3A_81 : vector<512x1xf32>
    %div3A_85 = arith.constant 1.000000e+00 : f32
    %div3A_86 = vector.broadcast %div3A_85 : f32 to vector<512x1xf32>
    %div3A_87 = arith.divf %div3A_86, %add3A_84 : vector<512x1xf32>
    %mul3A_88 = vector.broadcast %div3A_87 : vector<512x1xf32> to vector<512x128xf32>
    %mul3A_89 = arith.mulf %get3A_7, %mul3A_88 : vector<512x128xf32>
    %sub3A_90 = arith.constant 1.000000e+00 : f32
    %sub3A_91 = vector.broadcast %sub3A_90 : f32 to vector<512x1xf32>
    %sub3A_92 = arith.subf %sub3A_91, %div3A_87 : vector<512x1xf32>
    %mul3A_93 = vector.broadcast %sub3A_92 : vector<512x1xf32> to vector<512x128xf32>
    %mul3A_94 = arith.mulf %get3A_10, %mul3A_93 : vector<512x128xf32>
    %add3A_95 = arith.addf %mul3A_89, %mul3A_94 : vector<512x128xf32>
    %mul3A_96 = arith.mulf %add3A_51, %add3A_95 : vector<512x128xf32>
    %reduce_sum3A_97 = arith.constant dense<0.000000e+00> : vector<512xf32>
    %reduce_sum3A_98 = vector.multi_reduction <add>, %mul3A_96, %reduce_sum3A_97 [1] : vector<512x128xf32> to vector<512xf32>
    %swap3A = arith.constant 0 : index
    %swap3A_99 = vector.load %arg7[%swap3A] : memref<512xf32, #tpu.memory_space<vmem>>, vector<512xf32>
    tpu.vector_store %arg7[%swap3A], %reduce_sum3A_98 {strides = array<i32>} : memref<512xf32, #tpu.memory_space<vmem>>, vector<512xf32>,
    return
  }
  func.func @transform_0(%arg0: i32) -> (i32, i32) {
    %c0_i32 = arith.constant 0 : i32
    %c0_i32_0 = arith.constant 0 : i32
    return %arg0, %c0_i32 : i32, i32
  }
  func.func @transform_1(%arg0: i32) -> (i32, i32) {
    %c0_i32 = arith.constant 0 : i32
    %c0_i32_0 = arith.constant 0 : i32
    return %arg0, %c0_i32 : i32, i32
  }
  func.func @transform_2(%arg0: i32) -> (i32, i32) {
    %c0_i32 = arith.constant 0 : i32
    %c0_i32_0 = arith.constant 0 : i32
    return %arg0, %c0_i32 : i32, i32
  }
  func.func @transform_3(%arg0: i32) -> (i32, i32) {
    %c0_i32 = arith.constant 0 : i32
    %c0_i32_0 = arith.constant 0 : i32
    return %arg0, %c0_i32 : i32, i32
  }
  func.func @transform_4(%arg0: i32) -> (i32, i32) {
    %c0_i32 = arith.constant 0 : i32
    %c0_i32_0 = arith.constant 0 : i32
    %c0_i32_1 = arith.constant 0 : i32
    return %c0_i32, %c0_i32_0 : i32, i32
  }
  func.func @transform_5(%arg0: i32) -> (i32, i32) {
    %c0_i32 = arith.constant 0 : i32
    %c0_i32_0 = arith.constant 0 : i32
    %c0_i32_1 = arith.constant 0 : i32
    return %c0_i32, %c0_i32_0 : i32, i32
  }
  func.func @transform_6(%arg0: i32) -> i32 {
    %c0_i32 = arith.constant 0 : i32
    return %arg0 : i32
  }
}

</mosaic_0001>

<sc_bundles>
// kernel: kernel.10.cloned.1.call-start
scs
__scs_entry_jumppad:
0x0: {  	(pc) =	sbr.rel $0x88, $3  }
0x1: {  	(tag) =	ssettag $0x0;
	lr =	simm.s32 $0x1  }
0x2: {  	[smem:$0x3F99] =	sst lr;
	_ =	strace $0xD0000000  }
0x3: {  	_ = 	snop  }
0x4: {  	_ = 	snop  }
0x5: {  	_ = 	snop  }
0x6: {  	_ = 	snop  }
0x7: {  	_ = 	snop  }
__scs_overlays_trampoline_lowered:
0x8: {  	[smem:$0x3FA8] =	sst s0  }
0x9: {  	[smem:$0x3FA9] =	sst s1  }
0xa: {  	[smem:$0x3FAA] =	sst s2  }
0xb: {  	[smem:$0x3FAB] =	sst s3  }
0xc: {  	[smem:$0x3FAC] =	sst s4  }
0xd: {  	[smem:$0x3FAD] =	sst s5  }
0xe: {  	[smem:$0x3FAE] =	sst s6  }
0xf: {  	[smem:$0x3FAF] =	sst s7  }
0x10: {  	[smem:$0x3FB0] =	sst s8  }
0x11: {  	[smem:$0x3FB1] =	sst s9;
	s0 =	simm.s32 @!p0 $0x0  }
0x12: {  	s1 =	sld [smem:$0x3F97];
	s0 =	simm.s32 @p0 $0x1  }
0x13: {  	[smem:$0x3FB2] =	sst s0;
	s0 =	simm.s32 @!p1 $0x0  }
0x14: {  	s2 =	sld [smem:$0x3F96];
	s0 =	simm.s32 @p1 $0x1  }
0x15: {  	[smem:$0x3FB3] =	sst s0;
	s0 =	simm.s32 @!p2 $0x0  }
0x16: {  	s3 =	sld [smem:$0x3FDB];
	s0 =	simm.s32 @p2 $0x1  }
0x17: {  	s4 =	simm.s32 $0x1BF5;
	[smem:$0x3FB5] =	sst s0  }
0x18: {  	s0 =	sld [smem:$0x3F98];
	_ =	swait.ge [sflag:s4], $0x0  }
0x19: {  	s7 =	sld [smem:$0x3F99]  }
0x1a: {  	s8 =	sadd.s32 $0xFFFFE003, lr  }
0x1b: {  	s9 =	sadd.s32 $0xFFFFFEF7, lr;
	s5 =	simm.s32 $0xFFFFFFFF;
	p2 =	slt.u32 s8, $0xFFFFF086  }
0x1c: {  	p1 =	slt.u32 s9, $0xF7A;
	s5 =	simm.s32 @!p2 $0x0  }
0x1d: {  	s5 =	simm.s32 @p1 $0x1;
	p0 =	seq.s32 s7, s2  }
0x1e: {  	s7 =	smul.u32 @!p0 $0xF7A, s2;
	p2 =	seq.s32 @!p0 s5, $0x0  }
0x1f: {  	s9 =	smul.u32 $0xF7A, s1;
	s8 =	simm.s32 @!p0 $0x1BF5;
	p2 =	por !p2, p0  }
0x20: {  	[sflag:s8] =	ssyncset.s32 @!p0 $0xFFFFF086;
	s6 =	sadd.s32 @!p0 s3, s7;
	s7 =	simm.s32 @!p0 $0x108  }
0x21: {  	s3 =	sadd.s32 s3, s9;
	s6 =	sadd.s32 @!p0 $0x88, s6;
	s7 =	simm.s32 @p2 $0x1082  }
0x22: {  	[simem:s7], [sflag:s8] =	dma.local @!p0 [hbm:s6], $0xF7A  }
0x23: {  	s9 =	sor.u32 $0xD0000000, s2;
	s6 =	simm.s32 $0x108;
	_ =	swait.ge @!p0 [sflag:s8], $0x0  }
0x24: {  	s3 =	sadd.s32 $0x88, s3;
	s6 =	simm.s32 @!p1 $0x1082;
	[sflag:s4] =	ssyncset.s32 $0xFFFFF086  }
0x25: {  	[simem:s6], [sflag:s4] =	dma.local [hbm:s3], $0xF7A  }
0x26: {  	[smem:$0x3F99] =	sst s1;
	(tag) =	ssettag s2;
	_ =	strace s9  }
0x27: {  	s1 =	sld [smem:$0x3FA9]  }
0x28: {  	s2 =	sld [smem:$0x3FAA]  }
0x29: {  	s4 =	sld [smem:$0x3FAC]  }
0x2a: {  	p0 =	seq.s32 s5, $0x0;
	s5 =	sld [smem:$0x3FAD]  }
0x2b: {  	s6 =	sld [smem:$0x3FAE]  }
0x2c: {  	s7 =	sld [smem:$0x3FAF]  }
0x2d: {  	s3 =	simm.s32 $0x108;
	s8 =	sld [smem:$0x3FB0]  }
0x2e: {  	s3 =	simm.s32 @!p0 $0x1082;
	s9 =	sld [smem:$0x3FB1]  }
0x2f: {  	lr =	sadd.s32 s0, s3;
	s0 =	sld [smem:$0x3FA8]  }
0x30: {  	s3 =	sld [smem:$0x3FAB]  }
0x31: {  	[smem:$0x3FB4] =	sst s10  }
0x32: {  	s10 =	sld [smem:$0x3FB2];
	_ =	sdelay $0x3  }
0x33: {  	p0 =	seq.s32 s10, $0x1;
	s10 =	sld [smem:$0x3FB4];
	_ =	sdelay $0x3  }
0x34: {  	[smem:$0x3FB4] =	sst s10  }
0x35: {  	s10 =	sld [smem:$0x3FB3];
	_ =	sdelay $0x3  }
0x36: {  	p1 =	seq.s32 s10, $0x1;
	s10 =	sld [smem:$0x3FB4];
	_ =	sdelay $0x3  }
0x37: {  	[smem:$0x3FB4] =	sst s10  }
0x38: {  	s10 =	sld [smem:$0x3FB5]  }
0x39: {  	_ = 	snop;
	(pc) =	sbr.ind lr, $3  }
0x3a: {  	_ = 	snop  }
0x3b: {  	_ = 	snop  }
0x3c: {  	p2 =	seq.s32 s10, $0x1;
	s10 =	sld [smem:$0x3FB4]  }
0x3d: {  	_ =	shalt  }
0x3e: {  	_ =	shalt  }
0x3f: {  	_ =	shalt  }
0x40: {  	_ =	shalt  }
0x41: {  	_ =	shalt  }
0x42: {  	_ =	shalt  }
0x43: {  	_ =	shalt  }
0x44: {  	_ =	shalt  }
0x45: {  	_ =	shalt  }
0x46: {  	_ =	shalt  }
0x47: {  	_ =	shalt  }
0x48: {  	_ =	shalt  }
0x49: {  	_ =	shalt  }
0x4a: {  	_ =	shalt  }
0x4b: {  	_ =	shalt  }
0x4c: {  	_ =	shalt  }
0x4d: {  	_ =	shalt  }
0x4e: {  	_ =	shalt  }
0x4f: {  	_ =	shalt  }
0x50: {  	_ =	shalt  }
0x51: {  	_ =	shalt  }
0x52: {  	_ =	shalt  }
0x53: {  	_ =	shalt  }
0x54: {  	_ =	shalt  }
0x55: {  	_ =	shalt  }
0x56: {  	_ =	shalt  }
0x57: {  	_ =	shalt  }
0x58: {  	_ =	shalt  }
0x59: {  	_ =	shalt  }
0x5a: {  	_ =	shalt  }
0x5b: {  	_ =	shalt  }
0x5c: {  	_ =	shalt  }
0x5d: {  	_ =	shalt  }
0x5e: {  	_ =	shalt  }
0x5f: {  	_ =	shalt  }
0x60: {  	_ =	shalt  }
0x61: {  	_ =	shalt  }
0x62: {  	_ =	shalt  }
0x63: {  	_ =	shalt  }
0x64: {  	_ =	shalt  }
0x65: {  	_ =	shalt  }
0x66: {  	_ =	shalt  }
0x67: {  	_ =	shalt  }
0x68: {  	_ =	shalt  }
0x69: {  	_ =	shalt  }
0x6a: {  	_ =	shalt  }
0x6b: {  	_ =	shalt  }
0x6c: {  	_ =	shalt  }
0x6d: {  	_ =	shalt  }
0x6e: {  	_ =	shalt  }
0x6f: {  	_ =	shalt  }
0x70: {  	_ =	shalt  }
0x71: {  	_ =	shalt  }
0x72: {  	_ =	shalt  }
0x73: {  	_ =	shalt  }
0x74: {  	_ =	shalt  }
0x75: {  	_ =	shalt  }
0x76: {  	_ =	shalt  }
0x77: {  	_ =	shalt  }
0x78: {  	_ =	shalt  }
0x79: {  	_ =	shalt  }
0x7a: {  	_ =	shalt  }
0x7b: {  	_ =	shalt  }
0x7c: {  	_ =	shalt  }
0x7d: {  	_ =	shalt  }
0x7e: {  	_ =	shalt  }
0x7f: {  	_ =	shalt  }
0x80: {  	_ =	shalt  }
0x81: {  	_ =	shalt  }
0x82: {  	_ =	shalt  }
0x83: {  	_ =	shalt  }
0x84: {  	_ =	shalt  }
0x85: {  	_ =	shalt  }
0x86: {  	_ =	shalt  }
0x87: {  	_ =	shalt  }
.Lfunc_end0:
.L_simem_size_0:
called_computation_lowered:
.L_overlay_start_0:
0x88: {  	s2 =	sld [smem:$0x3FD9]  }
0x89: {  	s3 =	sld [smem:$0x3FFE];
	_ =	sdelay $0x1  }
0x8a: {  	s1 =	srdreg.scid  }
0x8b: {  	s0 =	sand.u32 $0x1, s1  }
0x8c: {  	s16 =	sshll.u32 s0, $0xA;
	s2 =	sadd.s32 s3, s2  }
0x8d: {  	s2 =	sadd.s32 s2, s16  }
0x8e: {  	[smem:$0x3FC0] =	sst s2  }
0x8f: {  	_ = 	snop  }
0x90: {  	(tm) =	ssettm $0x1  }
0x91: {  	s17 =	sld [smem:$0x3FFB];
	_ =	sdelay $0x3  }
0x92: {  	_ =	strace s17  }
0x93: {  	s2 =	sld [smem:$0x3FFC];
	_ =	sdelay $0x3  }
0x94: {  	_ =	strace s2  }
0x95: {  	s2 =	sld [smem:$0x3FFD];
	_ =	sdelay $0x3  }
0x96: {  	_ =	strace s2  }
0x97: {  	_ =	strace $0x8FFFFFFF  }
0x98: {  	s18 =	sld [smem:$0x3FDB];
	_ =	sdelay $0x1  }
0x99: {  	s19 =	simm.s32 $_scs_section_size  }
0x9a: {  	s4 =	simm.s32 $_size__tile_overlayer_lowered;
	s5 =	simm.s32 $_tile_overlayer_lowered  }
0x9b: {  	s22 =	simm.s32 $0x1BFF;
	s21 =	sshll.u32 s5, $0x1;
	s2 =	sadd.s32 s19, s18  }
0x9c: {  	s6 =	simm.s32 $0x0;
	s20 =	sshll.u32 s4, $0x1;
	s4 =	sadd.s32 s21, s2  }
0x9d: {  	[timem:s6], [sflag:s22] =	dma.local [hbm:s4], s20  }
0x9e: {  	_ =	swait.ge [sflag:s22], s20  }
0x9f: {  	s3 =	ssub.s32 $0x0, s20;
	[sflag:s22] =	ssyncset.done $0x0  }
0xa0: {  	[sflag:s22] =	ssyncadd.s32 s3;
	_ =	sdelay $0x1  }
0xa1: {  	s23 =	simm.s32 $0x1B8B  }
0xa2: {  	_ =	swait.ge [sflag:s23], $0x1  }
0xa3: {  	[sflag:s23] =	ssyncset.done $0x0  }
0xa4: {  	s25 =	simm.s32 $0x1B8E;
	s24 =	sld [smem:$0x3FFE];
	[sflag:s23] =	ssyncadd.s32 $0xFFFFFFFF  }
0xa5: {  	s26 =	simm.s32 $execute0_lowered;
	[smem:$0x3FD2] =	sst s25  }
0xa6: {  	s4 =	sshll.u32 s26, $0x1;
	_ =	strace $0x80000046;
	[dreg:$0x1] =	wrdreg $0xFFFFFFFF  }
0xa7: {  	s28 =	simm.s32 $_size_execute0_lowered;
	s2 =	sadd.s32 s2, s4;
	[dreg:$0x0] =	wrdreg $0x0  }
0xa8: {  	s4 =	sshll.u32 s28, $0x1;
	[dreg:$0x2] =	wrdreg s2  }
0xa9: {  	[dreg:$0x3] =	wrdreg s4  }
0xaa: {  	[dreg:$0x4] =	wrdreg $0xC0  }
0xab: {  	_ =	task [dreg:s6], $0x5FFFF  }
0xac: {  	[dreg:$0x1] =	wrdreg $0xFFFFFFFF  }
0xad: {  	[dreg:$0x0] =	wrdreg $0x60  }
0xae: {  	[dreg:$0x2] =	wrdreg s24  }
0xaf: {  	[dreg:$0x3] =	wrdreg $0x41800  }
0xb0: {  	[dreg:$0x4] =	wrdreg $0x9  }
0xb1: {  	_ =	task.clear_ibuf [dreg:s6], $0x5FFFF;
	_ =	strace $0x90000046  }
0xb2: {  	s29 =	simm.s32 $0x9;
	_ =	strace $0x80000048  }
0xb3: {  	_ =	swait.ge [sflag:s29], $0x1  }
0xb4: {  	[sflag:s29] =	ssyncadd.s32 $0xFFFFFFFF  }
0xb5: {  	_ =	strace $0x90000048  }
0xb6: {  	_ =	sfence  }
0xb7: {  	s30 =	sld [smem:$0x0];
	_ =	sdelay $0x2  }
0xb8: {  	s31 =	sshll.u32 s1, $0xD;
	s1 =	sshrl.u32 s1, $0x2  }
0xb9: {  	s3 =	sand.u32 $0x4000, s31;
	s1 =	sadd.s32 s1, s30  }
0xba: {  	s0 =	sor.u32 s3, s0;
	s1 =	sshll.u32 s1, $0x11  }
0xbb: {  	s0 =	sor.u32 s1, s0  }
0xbc: {  	s0 =	sadd.s32 $0x8F2B, s0  }
0xbd: {  	[sflag:s0] =	ssyncadd.remote.s32 $0x1  }
0xbe: {  	_ =	sfence.sel $0xFFFF  }
0xbf: {  	[dreg:$0x0] =	wrdreg $0xFFFFFFFF;
	(pc) =	sbr.abs _section_cstart, $3  }
0xc0: {  	[dreg:$0x1] =	wrdreg $0xFFFFFFFF  }
0xc1: {  	_ =	task.clear_ibuf [dreg:s6], $0x2FFFF;
	_ =	strace $0x9FFFFFFF  }
0xc2: {  	(tm) =	ssettm $0x7FFFFFFF  }
0xc3: {  	_ =	shalt  }
tec
execute0_lowered:
.L_overlay_start_1:
0x0: {  	(tag) =	ssettag $0x1  }
0x1: {  	s8 =	rddreg [dreg:$0x0]  }
0x2: {  	s1 =	rddreg [dreg:$0x1]  }
0x3: {  	s0 =	rddreg [dreg:$0x2];
	s2 =	simm.s32 $0x0  }
0x4: {  	s5 =	srdreg.scid;
	s3 =	stileid.u32;
	s20 =	simm.s32 $0x80  }
0x5: {  	s21 =	simm.s32 $0x100;
	s22 =	simm.s32 $0x1;
	[smem:$0x7FF] =	sst s2  }
0x6: {  	s4 =	sadd.s32 $0x20C00, s8;
	s9 =	sand.u32 $0x1, s5;
	s5 =	sadd.s32 $0xD000, s8  }
0x7: {  	s11 =	smul.u32 $0x4F000, s3;
	s6 =	sadd.s32 $0x3200, s8;
	s7 =	sadd.s32 $0x16E00, s8  }
0x8: {  	s15 =	sadd.s32 $0x47E00, s8;
	s29 =	sshll.u32 s3, $0x1;
	s18 =	smul.u32 $0x13C00, s3  }
0x9: {  	s13 =	sadd.s32 $0x138400, s1;
	p0 =	seq.s32 s3, $0xF;
	s10 =	ssub.s32 $0x2, s9  }
0xa: {  	_ =	strace $0x80000047;
	s14 =	smul.u32 $0x138800, s9;
	s12 =	sshrl.u32 s10, $0x1  }
0xb: {  	s16 =	sor.u32 s9, s29;
	s28 =	sshrl.u32 s11, $0x2;
	s17 =	ssub.s32 s10, s12  }
0xc: {  	s8 =	sadd.s32 s28, s1;
	s18 =	sadd.s32 s18, s14;
	s19 =	sshrl.u32 s14, $0x3  }
0xd: {  	s14 =	smul.u32 $0x4F, s16;
	s9 =	sadd.s32 $0x4000, s8;
	s10 =	sadd.s32 $0x8000, s8  }
0xe: {  	s11 =	sadd.s32 $0xC000, s8;
	s12 =	sadd.s32 $0x10000, s8;
	s30 =	sshrl.u32 s18, $0x3  }
0xf: {  	s31 =	sadd.s32 s15, s19;
	s17 =	smax.u32 s17, $0x1;
	s18 =	simm.s32 $0x180  }
0x10: {  	v0 =	vimm.f32 $0.0e+00;
	s19 =	simm.s32 $0x2;
	s15 =	sadd.s32 s15, s30;
	s16 =	sadd.s32 $0x25080, s31  }
.LBB2_1:
0x11: {  	s23 =	simm.s32 $0x0;
	s24 =	simm.s32 $0x200  }
.LBB2_2:
0x12: {  	p1 =	sne.s32 s24, $0xFE00;
	[tilespmem:s23+$0x1F0] =	vst v0  }
0x13: {  	[tilespmem:s23+$0x180] =	vst v0  }
0x14: {  	[tilespmem:s23+$0x190] =	vst v0  }
.Ltmp0:
0x15: {  	[tilespmem:s23+$0x1A0] =	vst v0;
	(pc) =	sbr.rel @p1 .LBB2_2-.Ltmp0, $4  }
0x16: {  	[tilespmem:s23+$0x1B0] =	vst v0  }
0x17: {  	[tilespmem:s23+$0x1C0] =	vst v0  }
0x18: {  	[tilespmem:s23+$0x1D0] =	vst v0  }
0x19: {  	[tilespmem:s23+$0x1E0] =	vst v0;
	s23 =	sshra.s32 s24, $0x2;
	s24 =	sadd.s32 $0x200, s24  }
0x1a: {  	[tilespmem:s23+$0x1F0] =	vst v0  }
0x1b: {  	[tilespmem:s23+$0x180] =	vst v0  }
0x1c: {  	[tilespmem:s23+$0x190] =	vst v0  }
0x1d: {  	[tilespmem:s23+$0x1A0] =	vst v0  }
0x1e: {  	[tilespmem:s23+$0x1B0] =	vst v0  }
0x1f: {  	[tilespmem:s23+$0x1C0] =	vst v0  }
0x20: {  	[tilespmem:s23+$0x1D0] =	vst v0  }
0x21: {  	[tilespmem:s23+$0x1E0] =	vst v0  }
0x22: {  	[spmem:s8] =	stream.linear.scatter [tilespmem:s18], [sflag:$0x2], $0x4000, $0x38;
	[tilespmem:$0x17A00] =	vst v63  }
0x23: {  	_ =	swait.ge [sflag:s19], $0x4000  }
0x24: {  	[sflag:s19] =	ssyncset.done $0x0  }
0x25: {  	[sflag:s19] =	ssyncadd.s32 $0xFFFFC000  }
0x26: {  	[spmem:s9] =	stream.linear.scatter [tilespmem:s18], [sflag:$0x2], $0x4000, $0x38;
	[tilespmem:$0x17A00] =	vst v63  }
0x27: {  	_ =	swait.ge [sflag:s19], $0x4000  }
0x28: {  	[sflag:s19] =	ssyncset.done $0x0  }
0x29: {  	[sflag:s19] =	ssyncadd.s32 $0xFFFFC000  }
0x2a: {  	[spmem:s10] =	stream.linear.scatter [tilespmem:s18], [sflag:$0x2], $0x4000, $0x38;
	[tilespmem:$0x17A00] =	vst v63  }
0x2b: {  	_ =	swait.ge [sflag:s19], $0x4000  }
0x2c: {  	[sflag:s19] =	ssyncset.done $0x0  }
0x2d: {  	[sflag:s19] =	ssyncadd.s32 $0xFFFFC000  }
0x2e: {  	[spmem:s11] =	stream.linear.scatter [tilespmem:s18], [sflag:$0x2], $0x4000, $0x38;
	[tilespmem:$0x17A00] =	vst v63  }
0x2f: {  	_ =	swait.ge [sflag:s19], $0x4000  }
0x30: {  	[sflag:s19] =	ssyncset.done $0x0  }
0x31: {  	s23 =	simm.s32 @p0 $0x180;
	[sflag:s19] =	ssyncadd.s32 $0xFFFFC000  }
0x32: {  	[spmem:s13] =	stream.linear.scatter @p0 [tilespmem:s23], [sflag:$0x2], $0x400, $0x38;
	[tilespmem:$0x17A00] =	vst v63  }
0x33: {  	s23 =	simm.s32 @p0 $0x2  }
0x34: {  	_ =	swait.ge @p0 [sflag:s23], $0x400  }
0x35: {  	[sflag:s23] =	ssyncset.done @p0 $0x0  }
0x36: {  	[sflag:s23] =	ssyncadd.s32 @p0 $0xFFFFFC00;
	s23 =	simm.s32 @!p0 $0x180  }
0x37: {  	[spmem:s12] =	stream.linear.scatter @!p0 [tilespmem:s23], [sflag:$0x2], $0x3C00, $0x38;
	[tilespmem:$0x17A00] =	vst v63  }
0x38: {  	s23 =	simm.s32 @!p0 $0x2  }
0x39: {  	_ =	swait.ge @!p0 [sflag:s23], $0x3C00  }
0x3a: {  	[sflag:s23] =	ssyncset.done @!p0 $0x0  }
0x3b: {  	[sflag:s23] =	ssyncadd.s32 @!p0 $0xFFFFC400  }
0x3c: {  	s24 =	simm.s32 $0x0;
	s23 =	simm.s32 $0x0;
	[bflag:$0x0] =	sbarrier.arrive $0xFFFF  }
.LBB2_4:
0x3d: {  	s25 =	sadd.s32 s14, s24  }
0x3e: {  	s25 =	sshll.u32 s25, $0x4  }
0x3f: {  	s26 =	sadd.s32 s5, s25  }
0x40: {  	[tilespmem:s23], [sflag:$0x2] =	stream.linear.gather [hbm4b:s26+s23], $0x80, $0x38;
	[tilespmem:$0x17A00] =	vst v63  }
0x41: {  	_ =	swait.ge [sflag:s19], $0x80  }
0x42: {  	[sflag:s19] =	ssyncset.done $0x0  }
0x43: {  	s30 =	sadd.s32 s6, s25;
	[sflag:s19] =	ssyncadd.s32 $0xFFFFFF80  }
0x44: {  	[tilespmem:s20], [sflag:$0x2] =	stream.linear.gather [hbm4b:s30+s23], $0x80, $0x38;
	[tilespmem:$0x17A00] =	vst v63  }
0x45: {  	_ =	swait.ge [sflag:s19], $0x80  }
0x46: {  	[sflag:s19] =	ssyncset.done $0x0  }
0x47: {  	s25 =	sadd.s32 s7, s25;
	[sflag:s19] =	ssyncadd.s32 $0xFFFFFF80  }
0x48: {  	[tilespmem:s21], [sflag:$0x2] =	stream.linear.gather [hbm4b:s25+s23], $0x80, $0x38;
	[tilespmem:$0x17A00] =	vst v63  }
0x49: {  	_ =	swait.ge [sflag:s19], $0x80  }
0x4a: {  	[sflag:s19] =	ssyncset.done $0x0  }
0x4b: {  	[sflag:s19] =	ssyncadd.s32 $0xFFFFFF80  }
0x4c: {  	[tilespmem:s18], [sflag:$0x1] =	stream.indirect.gather [hbm4b:s4+s20], $0x80, s23, s20, $0xb8;
	[tilespmem:$0x17A00] =	vst v63  }
0x4d: {  	_ =	swait.ge [sflag:s22], $0x4000  }
0x4e: {  	[sflag:s22] =	ssyncset.done $0x0  }
0x4f: {  	s31 =	sand.u32 $0x1C0, s23;
	s25 =	simm.s32 $0x1C0;
	[sflag:s22] =	ssyncadd.s32 $0xFFFFC000  }
0x50: {  	s26 =	sshrl.u32 s31, $0x2;
	v5 =	vld [tilespmem:s25+$0x30]  }
0x51: {  	v2 =	vld [tilespmem:s26+$0x100]  }
0x52: {  	v8 =	vld [tilespmem:s25+$0x10]  }
0x53: {  	v6 =	vld [tilespmem:s25+$0xFFFFFFC0]  }
0x54: {  	v10 =	vld [tilespmem:s25+$0xFFFFFFE0]  }
0x55: {  	v3 =	vmov s23;
	v1 =	vld [tilespmem:s25+$0xFFFFFFF0]  }
0x56: {  	v4 =	vld [tilespmem:s25+$0xFFFFFFD0];
	v2 =	vperm.xlane v2, v3  }
0x57: {  	v3 =	vld [tilespmem:s25+$0x20]  }
0x58: {  	v9 =	vmul.f32 v5, v2;
	v5 =	vld [tilespmem:s25+$0x0];
	_ =	sdelay $0x1  }
0x59: {  	v7 =	vmul.f32 v6, v2  }
0x5a: {  	s28 =	simm.s32 $0x0;
	s29 =	simm.s32 $0x1C0;
	s26 =	simm.s32 $0x1;
	v6 =	vmul.f32 v10, v2;
	v8 =	vmul.f32 v8, v2  }
.LBB2_5:
0x5b: {  	p1 =	sne.s32 s26, $0x7F;
	v4 =	vmul.f32 v4, v2;
	v3 =	vmul.f32 v3, v2;
	[tilespmem:s25+$0x30] =	vst v9;
	s28 =	sadd.s32 $0x4, s28;
	s29 =	sadd.s32 $0x80, s29  }
0x5c: {  	v1 =	vmul.f32 v1, v2;
	s30 =	smov.u32 s26;
	s26 =	sadd.s32 $0x1, s26;
	[tilespmem:s25+$0xFFFFFFC0] =	vst v7;
	v2 =	vmul.f32 v5, v2  }
0x5d: {  	[tilespmem:s25+$0x10] =	vst v8  }
0x5e: {  	[tilespmem:s25+$0xFFFFFFE0] =	vst v6  }
0x5f: {  	[tilespmem:s25+$0xFFFFFFF0] =	vst v1  }
0x60: {  	v1 =	vld [tilespmem:s29+$0xFFFFFFF0];
	[tilespmem:s25+$0x0] =	vst v2  }
0x61: {  	s31 =	sand.u32 $0x1C0, s28;
	v6 =	vld [tilespmem:s29+$0x30];
	[tilespmem:s25+$0x20] =	vst v3  }
0x62: {  	s31 =	sshrl.u32 s31, $0x2;
	v8 =	vld [tilespmem:s29+$0x10];
	[tilespmem:s25+$0xFFFFFFD0] =	vst v4;
	s25 =	smov.u32 s29  }
0x63: {  	v2 =	vld [tilespmem:s31+$0x100]  }
0x64: {  	v7 =	vld [tilespmem:s29+$0xFFFFFFC0]  }
0x65: {  	v10 =	vld [tilespmem:s29+$0xFFFFFFE0]  }
0x66: {  	v3 =	vld [tilespmem:s29+$0x20]  }
.Ltmp1:
0x67: {  	v5 =	vmov s30;
	v4 =	vld [tilespmem:s29+$0xFFFFFFD0];
	(pc) =	sbr.rel @p1 .LBB2_5-.Ltmp1, $3  }
0x68: {  	v2 =	vperm.xlane v2, v5;
	v5 =	vld [tilespmem:s29+$0x0];
	_ =	sdelay $0x1  }
0x69: {  	v7 =	vmul.f32 v7, v2;
	v9 =	vmul.f32 v6, v2  }
0x6a: {  	v6 =	vmul.f32 v10, v2;
	v8 =	vmul.f32 v8, v2  }
0x6b: {  	[tilespmem:s25+$0x30] =	vst v9  }
0x6c: {  	[tilespmem:s25+$0xFFFFFFC0] =	vst v7  }
0x6d: {  	v1 =	vmul.f32 v1, v2;
	[tilespmem:s25+$0x10] =	vst v8  }
0x6e: {  	v3 =	vmul.f32 v3, v2;
	[tilespmem:s25+$0xFFFFFFE0] =	vst v6  }
0x6f: {  	v5 =	vmul.f32 v5, v2;
	[tilespmem:s25+$0xFFFFFFF0] =	vst v1  }
0x70: {  	s24 =	sadd.s32 $0x1, s24;
	v1 =	vmul.f32 v4, v2;
	[tilespmem:s25+$0x20] =	vst v3  }
0x71: {  	p1 =	sne.s32 s24, $0x4F;
	[tilespmem:s25+$0x0] =	vst v5  }
.Ltmp2:
0x72: {  	[tilespmem:s25+$0xFFFFFFD0] =	vst v1;
	(pc) =	sbr.rel @p1 .LBB2_4-.Ltmp2, $4  }
0x73: {  	[spmem:s1] =	stream.indirect.scatter.add.f32 [tilespmem:s18], [sflag:$0x2], $0x80, s20, s20, $0xb8;
	[tilespmem:$0x17A00] =	vst v63  }
0x74: {  	_ =	swait.ge [sflag:s19], $0x4000  }
0x75: {  	[sflag:s19] =	ssyncset.done $0x0  }
0x76: {  	[sflag:s19] =	ssyncadd.s32 $0xFFFFC000  }
0x77: {  	[bflag:$0x0] =	sbarrier.arrive $0xFFFF;
	s23 =	sshrl.u32 @p0 s8, $0x3;
	s24 =	simm.s32 @p0 $0x1FC2  }
0x78: {  	[hbm:s16], [sflag:s24] =	dma.local @p0 [spmem:s23], $0x2080  }
0x79: {  	s23 =	simm.s32 @p0 $0x2  }
0x7a: {  	s2 =	sadd.s32 $0x1, s2;
	_ =	swait.ge @p0 [sflag:s23], $0x2080  }
0x7b: {  	s24 =	sshll.u32 @!p0 s3, $0x6;
	p1 =	sne.s32 s2, s17;
	[sflag:s23] =	ssyncset.done @p0 $0x0  }
0x7c: {  	[sflag:s23] =	ssyncadd.s32 @p0 $0xFFFFDF80;
	s23 =	sor.u32 @!p0 $0x1C02, s24;
	s24 =	sshrl.u32 @!p0 s8, $0x3  }
0x7d: {  	[hbm:s15], [sflag:s23] =	dma.local @!p0 [spmem:s24], $0x2780  }
.Ltmp3:
0x7e: {  	_ = 	snop;
	(pc) =	sbr.rel @p1 .LBB2_1-.Ltmp3, $4  }
0x7f: {  	s23 =	simm.s32 @!p0 $0x2  }
0x80: {  	_ =	swait.ge @!p0 [sflag:s23], $0x2780  }
0x81: {  	[sflag:s23] =	ssyncset.done @!p0 $0x0  }
0x82: {  	[sflag:s23] =	ssyncadd.s32 @!p0 $0xFFFFD880  }
0x83: {  	_ =	sfence.sel $0x180000  }
0x84: {  	[bflag:$0x0] =	sbarrier.arrive $0xFFFF  }
0x85: {  	p0 =	sne.s32 s3, $0x0;
	_ =	strace $0x90000047  }
0x86: {  	s0 =	sadd.s32 @!p0 $0x100000, s0;
	[bflag:$0x2] =	sbarrier.arrive $0xFFFF  }
0x87: {  	[sflag:s0] =	ssyncadd.tile.s32 @!p0 $0x1;
	_ =	shalt  }
.Lfunc_end2:
_tile_overlayer_lowered:
.L_overlay_start_2:
0x88: {  	(tag) =	ssettag $0x2  }
0x89: {  	s0 =	rddreg [dreg:$0x0];
	s2 =	stileid.u32  }
0x8a: {  	s1 =	rddreg [dreg:$0x1];
	p0 =	sne.s32 s2, $0x0  }
0x8b: {  	s3 =	rddreg [dreg:$0x2];
	[bflag:$0x3] =	sbarrier.arrive $0xFFFF;
	s2 =	simm.s32 @!p0 $0x1C02  }
0x8c: {  	[timem:s3], [sflag:s2] =	dma.local @!p0 [hbm:s0], s1  }
0x8d: {  	s0 =	simm.s32 @!p0 $0x2  }
0x8e: {  	_ =	swait.ge @!p0 [sflag:s0], s1  }
0x8f: {  	s1 =	ssub.s32 @!p0 $0x0, s1;
	[sflag:s0] =	ssyncset.done @!p0 $0x0  }
0x90: {  	[sflag:s0] =	ssyncadd.s32 @!p0 s1  }
0x91: {  	[bflag:$0x3] =	sbarrier.arrive $0xFFFF  }
0x92: {  	_ =	shalt  }

// kernel: kernel.13.cloned.1.call-start
scs
__scs_entry_jumppad:
0x0: {  	(pc) =	sbr.rel $0x88, $3  }
0x1: {  	(tag) =	ssettag $0x0;
	lr =	simm.s32 $0x1  }
0x2: {  	[smem:$0x3F99] =	sst lr;
	_ =	strace $0xD0000000  }
0x3: {  	_ = 	snop  }
0x4: {  	_ = 	snop  }
0x5: {  	_ = 	snop  }
0x6: {  	_ = 	snop  }
0x7: {  	_ = 	snop  }
__scs_overlays_trampoline_lowered:
0x8: {  	[smem:$0x3FA8] =	sst s0  }
0x9: {  	[smem:$0x3FA9] =	sst s1  }
0xa: {  	[smem:$0x3FAA] =	sst s2  }
0xb: {  	[smem:$0x3FAB] =	sst s3  }
0xc: {  	[smem:$0x3FAC] =	sst s4  }
0xd: {  	[smem:$0x3FAD] =	sst s5  }
0xe: {  	[smem:$0x3FAE] =	sst s6  }
0xf: {  	[smem:$0x3FAF] =	sst s7  }
0x10: {  	[smem:$0x3FB0] =	sst s8  }
0x11: {  	[smem:$0x3FB1] =	sst s9;
	s0 =	simm.s32 @!p0 $0x0  }
0x12: {  	s1 =	sld [smem:$0x3F97];
	s0 =	simm.s32 @p0 $0x1  }
0x13: {  	[smem:$0x3FB2] =	sst s0;
	s0 =	simm.s32 @!p1 $0x0  }
0x14: {  	s2 =	sld [smem:$0x3F96];
	s0 =	simm.s32 @p1 $0x1  }
0x15: {  	[smem:$0x3FB3] =	sst s0;
	s0 =	simm.s32 @!p2 $0x0  }
0x16: {  	s3 =	sld [smem:$0x3FDB];
	s0 =	simm.s32 @p2 $0x1  }
0x17: {  	s4 =	simm.s32 $0x1BF5;
	[smem:$0x3FB5] =	sst s0  }
0x18: {  	s0 =	sld [smem:$0x3F98];
	_ =	swait.ge [sflag:s4], $0x0  }
0x19: {  	s7 =	sld [smem:$0x3F99]  }
0x1a: {  	s8 =	sadd.s32 $0xFFFFE003, lr  }
0x1b: {  	s9 =	sadd.s32 $0xFFFFFEF7, lr;
	s5 =	simm.s32 $0xFFFFFFFF;
	p2 =	slt.u32 s8, $0xFFFFF086  }
0x1c: {  	p1 =	slt.u32 s9, $0xF7A;
	s5 =	simm.s32 @!p2 $0x0  }
0x1d: {  	s5 =	simm.s32 @p1 $0x1;
	p0 =	seq.s32 s7, s2  }
0x1e: {  	s7 =	smul.u32 @!p0 $0xF7A, s2;
	p2 =	seq.s32 @!p0 s5, $0x0  }
0x1f: {  	s9 =	smul.u32 $0xF7A, s1;
	s8 =	simm.s32 @!p0 $0x1BF5;
	p2 =	por !p2, p0  }
0x20: {  	[sflag:s8] =	ssyncset.s32 @!p0 $0xFFFFF086;
	s6 =	sadd.s32 @!p0 s3, s7;
	s7 =	simm.s32 @!p0 $0x108  }
0x21: {  	s3 =	sadd.s32 s3, s9;
	s6 =	sadd.s32 @!p0 $0x88, s6;
	s7 =	simm.s32 @p2 $0x1082  }
0x22: {  	[simem:s7], [sflag:s8] =	dma.local @!p0 [hbm:s6], $0xF7A  }
0x23: {  	s9 =	sor.u32 $0xD0000000, s2;
	s6 =	simm.s32 $0x108;
	_ =	swait.ge @!p0 [sflag:s8], $0x0  }
0x24: {  	s3 =	sadd.s32 $0x88, s3;
	s6 =	simm.s32 @!p1 $0x1082;
	[sflag:s4] =	ssyncset.s32 $0xFFFFF086  }
0x25: {  	[simem:s6], [sflag:s4] =	dma.local [hbm:s3], $0xF7A  }
0x26: {  	[smem:$0x3F99] =	sst s1;
	(tag) =	ssettag s2;
	_ =	strace s9  }
0x27: {  	s1 =	sld [smem:$0x3FA9]  }
0x28: {  	s2 =	sld [smem:$0x3FAA]  }
0x29: {  	s4 =	sld [smem:$0x3FAC]  }
0x2a: {  	p0 =	seq.s32 s5, $0x0;
	s5 =	sld [smem:$0x3FAD]  }
0x2b: {  	s6 =	sld [smem:$0x3FAE]  }
0x2c: {  	s7 =	sld [smem:$0x3FAF]  }
0x2d: {  	s3 =	simm.s32 $0x108;
	s8 =	sld [smem:$0x3FB0]  }
0x2e: {  	s3 =	simm.s32 @!p0 $0x1082;
	s9 =	sld [smem:$0x3FB1]  }
0x2f: {  	lr =	sadd.s32 s0, s3;
	s0 =	sld [smem:$0x3FA8]  }
0x30: {  	s3 =	sld [smem:$0x3FAB]  }
0x31: {  	[smem:$0x3FB4] =	sst s10  }
0x32: {  	s10 =	sld [smem:$0x3FB2];
	_ =	sdelay $0x3  }
0x33: {  	p0 =	seq.s32 s10, $0x1;
	s10 =	sld [smem:$0x3FB4];
	_ =	sdelay $0x3  }
0x34: {  	[smem:$0x3FB4] =	sst s10  }
0x35: {  	s10 =	sld [smem:$0x3FB3];
	_ =	sdelay $0x3  }
0x36: {  	p1 =	seq.s32 s10, $0x1;
	s10 =	sld [smem:$0x3FB4];
	_ =	sdelay $0x3  }
0x37: {  	[smem:$0x3FB4] =	sst s10  }
0x38: {  	s10 =	sld [smem:$0x3FB5]  }
0x39: {  	_ = 	snop;
	(pc) =	sbr.ind lr, $3  }
0x3a: {  	_ = 	snop  }
0x3b: {  	_ = 	snop  }
0x3c: {  	p2 =	seq.s32 s10, $0x1;
	s10 =	sld [smem:$0x3FB4]  }
0x3d: {  	_ =	shalt  }
0x3e: {  	_ =	shalt  }
0x3f: {  	_ =	shalt  }
0x40: {  	_ =	shalt  }
0x41: {  	_ =	shalt  }
0x42: {  	_ =	shalt  }
0x43: {  	_ =	shalt  }
0x44: {  	_ =	shalt  }
0x45: {  	_ =	shalt  }
0x46: {  	_ =	shalt  }
0x47: {  	_ =	shalt  }
0x48: {  	_ =	shalt  }
0x49: {  	_ =	shalt  }
0x4a: {  	_ =	shalt  }
0x4b: {  	_ =	shalt  }
0x4c: {  	_ =	shalt  }
0x4d: {  	_ =	shalt  }
0x4e: {  	_ =	shalt  }
0x4f: {  	_ =	shalt  }
0x50: {  	_ =	shalt  }
0x51: {  	_ =	shalt  }
0x52: {  	_ =	shalt  }
0x53: {  	_ =	shalt  }
0x54: {  	_ =	shalt  }
0x55: {  	_ =	shalt  }
0x56: {  	_ =	shalt  }
0x57: {  	_ =	shalt  }
0x58: {  	_ =	shalt  }
0x59: {  	_ =	shalt  }
0x5a: {  	_ =	shalt  }
0x5b: {  	_ =	shalt  }
0x5c: {  	_ =	shalt  }
0x5d: {  	_ =	shalt  }
0x5e: {  	_ =	shalt  }
0x5f: {  	_ =	shalt  }
0x60: {  	_ =	shalt  }
0x61: {  	_ =	shalt  }
0x62: {  	_ =	shalt  }
0x63: {  	_ =	shalt  }
0x64: {  	_ =	shalt  }
0x65: {  	_ =	shalt  }
0x66: {  	_ =	shalt  }
0x67: {  	_ =	shalt  }
0x68: {  	_ =	shalt  }
0x69: {  	_ =	shalt  }
0x6a: {  	_ =	shalt  }
0x6b: {  	_ =	shalt  }
0x6c: {  	_ =	shalt  }
0x6d: {  	_ =	shalt  }
0x6e: {  	_ =	shalt  }
0x6f: {  	_ =	shalt  }
0x70: {  	_ =	shalt  }
0x71: {  	_ =	shalt  }
0x72: {  	_ =	shalt  }
0x73: {  	_ =	shalt  }
0x74: {  	_ =	shalt  }
0x75: {  	_ =	shalt  }
0x76: {  	_ =	shalt  }
0x77: {  	_ =	shalt  }
0x78: {  	_ =	shalt  }
0x79: {  	_ =	shalt  }
0x7a: {  	_ =	shalt  }
0x7b: {  	_ =	shalt  }
0x7c: {  	_ =	shalt  }
0x7d: {  	_ =	shalt  }
0x7e: {  	_ =	shalt  }
0x7f: {  	_ =	shalt  }
0x80: {  	_ =	shalt  }
0x81: {  	_ =	shalt  }
0x82: {  	_ =	shalt  }
0x83: {  	_ =	shalt  }
0x84: {  	_ =	shalt  }
0x85: {  	_ =	shalt  }
0x86: {  	_ =	shalt  }
0x87: {  	_ =	shalt  }
.Lfunc_end0:
.L_simem_size_0:
called_computation.1_lowered:
.L_overlay_start_0:
0x88: {  	s2 =	sld [smem:$0x3FD9]  }
0x89: {  	s3 =	sld [smem:$0x3FFE];
	_ =	sdelay $0x1  }
0x8a: {  	s1 =	srdreg.scid  }
0x8b: {  	s0 =	sand.u32 $0x1, s1  }
0x8c: {  	s16 =	sshll.u32 s0, $0xA;
	s2 =	sadd.s32 s3, s2  }
0x8d: {  	s2 =	sadd.s32 s2, s16  }
0x8e: {  	[smem:$0x3FC0] =	sst s2  }
0x8f: {  	_ = 	snop  }
0x90: {  	(tm) =	ssettm $0x1  }
0x91: {  	s17 =	sld [smem:$0x3FFB];
	_ =	sdelay $0x3  }
0x92: {  	_ =	strace s17  }
0x93: {  	s2 =	sld [smem:$0x3FFC];
	_ =	sdelay $0x3  }
0x94: {  	_ =	strace s2  }
0x95: {  	s2 =	sld [smem:$0x3FFD];
	_ =	sdelay $0x3  }
0x96: {  	_ =	strace s2  }
0x97: {  	_ =	strace $0x8FFFFFFF  }
0x98: {  	s18 =	sld [smem:$0x3FDB];
	_ =	sdelay $0x1  }
0x99: {  	s19 =	simm.s32 $_scs_section_size  }
0x9a: {  	s4 =	simm.s32 $_size__tile_overlayer_lowered;
	s5 =	simm.s32 $_tile_overlayer_lowered  }
0x9b: {  	s22 =	simm.s32 $0x1BFF;
	s21 =	sshll.u32 s5, $0x1;
	s2 =	sadd.s32 s19, s18  }
0x9c: {  	s6 =	simm.s32 $0x0;
	s20 =	sshll.u32 s4, $0x1;
	s4 =	sadd.s32 s21, s2  }
0x9d: {  	[timem:s6], [sflag:s22] =	dma.local [hbm:s4], s20  }
0x9e: {  	_ =	swait.ge [sflag:s22], s20  }
0x9f: {  	s3 =	ssub.s32 $0x0, s20;
	[sflag:s22] =	ssyncset.done $0x0  }
0xa0: {  	[sflag:s22] =	ssyncadd.s32 s3;
	_ =	sdelay $0x1  }
0xa1: {  	s23 =	simm.s32 $0x1B8B  }
0xa2: {  	_ =	swait.ge [sflag:s23], $0x1  }
0xa3: {  	[sflag:s23] =	ssyncset.done $0x0  }
0xa4: {  	s25 =	simm.s32 $0x1B8E;
	s24 =	sld [smem:$0x3FFE];
	[sflag:s23] =	ssyncadd.s32 $0xFFFFFFFF  }
0xa5: {  	s26 =	simm.s32 $execute0_lowered;
	[smem:$0x3FD2] =	sst s25  }
0xa6: {  	s4 =	sshll.u32 s26, $0x1;
	_ =	strace $0x80000049;
	[dreg:$0x1] =	wrdreg $0xFFFFFFFF  }
0xa7: {  	s28 =	simm.s32 $_size_execute0_lowered;
	s2 =	sadd.s32 s2, s4;
	[dreg:$0x0] =	wrdreg $0x0  }
0xa8: {  	s4 =	sshll.u32 s28, $0x1;
	[dreg:$0x2] =	wrdreg s2  }
0xa9: {  	[dreg:$0x3] =	wrdreg s4  }
0xaa: {  	[dreg:$0x4] =	wrdreg $0xC0  }
0xab: {  	_ =	task [dreg:s6], $0x5FFFF  }
0xac: {  	[dreg:$0x1] =	wrdreg $0xFFFFFFFF  }
0xad: {  	[dreg:$0x0] =	wrdreg $0x60  }
0xae: {  	[dreg:$0x2] =	wrdreg s24  }
0xaf: {  	[dreg:$0x3] =	wrdreg $0x41800  }
0xb0: {  	[dreg:$0x4] =	wrdreg $0x9  }
0xb1: {  	_ =	task.clear_ibuf [dreg:s6], $0x5FFFF;
	_ =	strace $0x90000049  }
0xb2: {  	s29 =	simm.s32 $0x9;
	_ =	strace $0x8000004B  }
0xb3: {  	_ =	swait.ge [sflag:s29], $0x1  }
0xb4: {  	[sflag:s29] =	ssyncadd.s32 $0xFFFFFFFF  }
0xb5: {  	_ =	strace $0x9000004B  }
0xb6: {  	_ =	sfence  }
0xb7: {  	s30 =	sld [smem:$0x0];
	_ =	sdelay $0x2  }
0xb8: {  	s31 =	sshll.u32 s1, $0xD;
	s1 =	sshrl.u32 s1, $0x2  }
0xb9: {  	s3 =	sand.u32 $0x4000, s31;
	s1 =	sadd.s32 s1, s30  }
0xba: {  	s0 =	sor.u32 s3, s0;
	s1 =	sshll.u32 s1, $0x11  }
0xbb: {  	s0 =	sor.u32 s1, s0  }
0xbc: {  	s0 =	sadd.s32 $0x8F2B, s0  }
0xbd: {  	[sflag:s0] =	ssyncadd.remote.s32 $0x1  }
0xbe: {  	_ =	sfence.sel $0xFFFF  }
0xbf: {  	[dreg:$0x0] =	wrdreg $0xFFFFFFFF;
	(pc) =	sbr.abs _section_cstart, $3  }
0xc0: {  	[dreg:$0x1] =	wrdreg $0xFFFFFFFF  }
0xc1: {  	_ =	task.clear_ibuf [dreg:s6], $0x2FFFF;
	_ =	strace $0x9FFFFFFF  }
0xc2: {  	(tm) =	ssettm $0x7FFFFFFF  }
0xc3: {  	_ =	shalt  }
tec
execute0_lowered:
.L_overlay_start_1:
0x0: {  	(tag) =	ssettag $0x1  }
0x1: {  	s8 =	rddreg [dreg:$0x0]  }
0x2: {  	s1 =	rddreg [dreg:$0x1]  }
0x3: {  	s0 =	rddreg [dreg:$0x2];
	s2 =	simm.s32 $0x0  }
0x4: {  	s5 =	srdreg.scid;
	s3 =	stileid.u32;
	s20 =	simm.s32 $0x80  }
0x5: {  	s21 =	simm.s32 $0x100;
	s22 =	simm.s32 $0x1;
	[smem:$0x7FF] =	sst s2  }
0x6: {  	s4 =	sadd.s32 $0x20C00, s8;
	s9 =	sand.u32 $0x1, s5;
	s5 =	sadd.s32 $0xD000, s8  }
0x7: {  	s11 =	smul.u32 $0x4F000, s3;
	s6 =	sadd.s32 $0x3200, s8;
	s7 =	sadd.s32 $0x16E00, s8  }
0x8: {  	s15 =	sadd.s32 $0x6F000, s8;
	s29 =	sshll.u32 s3, $0x1;
	s18 =	smul.u32 $0x13C00, s3  }
0x9: {  	s13 =	sadd.s32 $0x138400, s1;
	p0 =	seq.s32 s3, $0xF;
	s10 =	ssub.s32 $0x2, s9  }
0xa: {  	_ =	strace $0x8000004A;
	s14 =	smul.u32 $0x138800, s9;
	s12 =	sshrl.u32 s10, $0x1  }
0xb: {  	s16 =	sor.u32 s9, s29;
	s28 =	sshrl.u32 s11, $0x2;
	s17 =	ssub.s32 s10, s12  }
0xc: {  	s8 =	sadd.s32 s28, s1;
	s18 =	sadd.s32 s18, s14;
	s19 =	sshrl.u32 s14, $0x3  }
0xd: {  	s14 =	smul.u32 $0x4F, s16;
	s9 =	sadd.s32 $0x4000, s8;
	s10 =	sadd.s32 $0x8000, s8  }
0xe: {  	s11 =	sadd.s32 $0xC000, s8;
	s12 =	sadd.s32 $0x10000, s8;
	s30 =	sshrl.u32 s18, $0x3  }
0xf: {  	s31 =	sadd.s32 s15, s19;
	s17 =	smax.u32 s17, $0x1;
	s18 =	simm.s32 $0x180  }
0x10: {  	v0 =	vimm.f32 $0.0e+00;
	s19 =	simm.s32 $0x2;
	s15 =	sadd.s32 s15, s30;
	s16 =	sadd.s32 $0x25080, s31  }
.LBB2_1:
0x11: {  	s23 =	simm.s32 $0x0;
	s24 =	simm.s32 $0x200  }
.LBB2_2:
0x12: {  	p1 =	sne.s32 s24, $0xFE00;
	[tilespmem:s23+$0x1F0] =	vst v0  }
0x13: {  	[tilespmem:s23+$0x180] =	vst v0  }
0x14: {  	[tilespmem:s23+$0x190] =	vst v0  }
.Ltmp0:
0x15: {  	[tilespmem:s23+$0x1A0] =	vst v0;
	(pc) =	sbr.rel @p1 .LBB2_2-.Ltmp0, $4  }
0x16: {  	[tilespmem:s23+$0x1B0] =	vst v0  }
0x17: {  	[tilespmem:s23+$0x1C0] =	vst v0  }
0x18: {  	[tilespmem:s23+$0x1D0] =	vst v0  }
0x19: {  	[tilespmem:s23+$0x1E0] =	vst v0;
	s23 =	sshra.s32 s24, $0x2;
	s24 =	sadd.s32 $0x200, s24  }
0x1a: {  	[tilespmem:s23+$0x1F0] =	vst v0  }
0x1b: {  	[tilespmem:s23+$0x180] =	vst v0  }
0x1c: {  	[tilespmem:s23+$0x190] =	vst v0  }
0x1d: {  	[tilespmem:s23+$0x1A0] =	vst v0  }
0x1e: {  	[tilespmem:s23+$0x1B0] =	vst v0  }
0x1f: {  	[tilespmem:s23+$0x1C0] =	vst v0  }
0x20: {  	[tilespmem:s23+$0x1D0] =	vst v0  }
0x21: {  	[tilespmem:s23+$0x1E0] =	vst v0  }
0x22: {  	[spmem:s8] =	stream.linear.scatter [tilespmem:s18], [sflag:$0x2], $0x4000, $0x38;
	[tilespmem:$0x17A00] =	vst v63  }
0x23: {  	_ =	swait.ge [sflag:s19], $0x4000  }
0x24: {  	[sflag:s19] =	ssyncset.done $0x0  }
0x25: {  	[sflag:s19] =	ssyncadd.s32 $0xFFFFC000  }
0x26: {  	[spmem:s9] =	stream.linear.scatter [tilespmem:s18], [sflag:$0x2], $0x4000, $0x38;
	[tilespmem:$0x17A00] =	vst v63  }
0x27: {  	_ =	swait.ge [sflag:s19], $0x4000  }
0x28: {  	[sflag:s19] =	ssyncset.done $0x0  }
0x29: {  	[sflag:s19] =	ssyncadd.s32 $0xFFFFC000  }
0x2a: {  	[spmem:s10] =	stream.linear.scatter [tilespmem:s18], [sflag:$0x2], $0x4000, $0x38;
	[tilespmem:$0x17A00] =	vst v63  }
0x2b: {  	_ =	swait.ge [sflag:s19], $0x4000  }
0x2c: {  	[sflag:s19] =	ssyncset.done $0x0  }
0x2d: {  	[sflag:s19] =	ssyncadd.s32 $0xFFFFC000  }
0x2e: {  	[spmem:s11] =	stream.linear.scatter [tilespmem:s18], [sflag:$0x2], $0x4000, $0x38;
	[tilespmem:$0x17A00] =	vst v63  }
0x2f: {  	_ =	swait.ge [sflag:s19], $0x4000  }
0x30: {  	[sflag:s19] =	ssyncset.done $0x0  }
0x31: {  	s23 =	simm.s32 @p0 $0x180;
	[sflag:s19] =	ssyncadd.s32 $0xFFFFC000  }
0x32: {  	[spmem:s13] =	stream.linear.scatter @p0 [tilespmem:s23], [sflag:$0x2], $0x400, $0x38;
	[tilespmem:$0x17A00] =	vst v63  }
0x33: {  	s23 =	simm.s32 @p0 $0x2  }
0x34: {  	_ =	swait.ge @p0 [sflag:s23], $0x400  }
0x35: {  	[sflag:s23] =	ssyncset.done @p0 $0x0  }
0x36: {  	[sflag:s23] =	ssyncadd.s32 @p0 $0xFFFFFC00;
	s23 =	simm.s32 @!p0 $0x180  }
0x37: {  	[spmem:s12] =	stream.linear.scatter @!p0 [tilespmem:s23], [sflag:$0x2], $0x3C00, $0x38;
	[tilespmem:$0x17A00] =	vst v63  }
0x38: {  	s23 =	simm.s32 @!p0 $0x2  }
0x39: {  	_ =	swait.ge @!p0 [sflag:s23], $0x3C00  }
0x3a: {  	[sflag:s23] =	ssyncset.done @!p0 $0x0  }
0x3b: {  	[sflag:s23] =	ssyncadd.s32 @!p0 $0xFFFFC400  }
0x3c: {  	s24 =	simm.s32 $0x0;
	s23 =	simm.s32 $0x0;
	[bflag:$0x0] =	sbarrier.arrive $0xFFFF  }
.LBB2_4:
0x3d: {  	s25 =	sadd.s32 s14, s24  }
0x3e: {  	s25 =	sshll.u32 s25, $0x4  }
0x3f: {  	s26 =	sadd.s32 s5, s25  }
0x40: {  	[tilespmem:s23], [sflag:$0x2] =	stream.linear.gather [hbm4b:s26+s23], $0x80, $0x38;
	[tilespmem:$0x17A00] =	vst v63  }
0x41: {  	_ =	swait.ge [sflag:s19], $0x80  }
0x42: {  	[sflag:s19] =	ssyncset.done $0x0  }
0x43: {  	s30 =	sadd.s32 s6, s25;
	[sflag:s19] =	ssyncadd.s32 $0xFFFFFF80  }
0x44: {  	[tilespmem:s20], [sflag:$0x2] =	stream.linear.gather [hbm4b:s30+s23], $0x80, $0x38;
	[tilespmem:$0x17A00] =	vst v63  }
0x45: {  	_ =	swait.ge [sflag:s19], $0x80  }
0x46: {  	[sflag:s19] =	ssyncset.done $0x0  }
0x47: {  	s25 =	sadd.s32 s7, s25;
	[sflag:s19] =	ssyncadd.s32 $0xFFFFFF80  }
0x48: {  	[tilespmem:s21], [sflag:$0x2] =	stream.linear.gather [hbm4b:s25+s23], $0x80, $0x38;
	[tilespmem:$0x17A00] =	vst v63  }
0x49: {  	_ =	swait.ge [sflag:s19], $0x80  }
0x4a: {  	[sflag:s19] =	ssyncset.done $0x0  }
0x4b: {  	[sflag:s19] =	ssyncadd.s32 $0xFFFFFF80  }
0x4c: {  	[tilespmem:s18], [sflag:$0x1] =	stream.indirect.gather [hbm4b:s4+s20], $0x80, s23, s20, $0xb8;
	[tilespmem:$0x17A00] =	vst v63  }
0x4d: {  	_ =	swait.ge [sflag:s22], $0x4000  }
0x4e: {  	[sflag:s22] =	ssyncset.done $0x0  }
0x4f: {  	s31 =	sand.u32 $0x1C0, s23;
	s25 =	simm.s32 $0x1C0;
	[sflag:s22] =	ssyncadd.s32 $0xFFFFC000  }
0x50: {  	s26 =	sshrl.u32 s31, $0x2;
	v5 =	vld [tilespmem:s25+$0x30]  }
0x51: {  	v2 =	vld [tilespmem:s26+$0x100]  }
0x52: {  	v8 =	vld [tilespmem:s25+$0x10]  }
0x53: {  	v6 =	vld [tilespmem:s25+$0xFFFFFFC0]  }
0x54: {  	v10 =	vld [tilespmem:s25+$0xFFFFFFE0]  }
0x55: {  	v3 =	vmov s23;
	v1 =	vld [tilespmem:s25+$0xFFFFFFF0]  }
0x56: {  	v4 =	vld [tilespmem:s25+$0xFFFFFFD0];
	v2 =	vperm.xlane v2, v3  }
0x57: {  	v3 =	vld [tilespmem:s25+$0x20]  }
0x58: {  	v9 =	vmul.f32 v5, v2;
	v5 =	vld [tilespmem:s25+$0x0];
	_ =	sdelay $0x1  }
0x59: {  	v7 =	vmul.f32 v6, v2  }
0x5a: {  	s28 =	simm.s32 $0x0;
	s29 =	simm.s32 $0x1C0;
	s26 =	simm.s32 $0x1;
	v6 =	vmul.f32 v10, v2;
	v8 =	vmul.f32 v8, v2  }
.LBB2_5:
0x5b: {  	p1 =	sne.s32 s26, $0x7F;
	v4 =	vmul.f32 v4, v2;
	v3 =	vmul.f32 v3, v2;
	[tilespmem:s25+$0x30] =	vst v9;
	s28 =	sadd.s32 $0x4, s28;
	s29 =	sadd.s32 $0x80, s29  }
0x5c: {  	v1 =	vmul.f32 v1, v2;
	s30 =	smov.u32 s26;
	s26 =	sadd.s32 $0x1, s26;
	[tilespmem:s25+$0xFFFFFFC0] =	vst v7;
	v2 =	vmul.f32 v5, v2  }
0x5d: {  	[tilespmem:s25+$0x10] =	vst v8  }
0x5e: {  	[tilespmem:s25+$0xFFFFFFE0] =	vst v6  }
0x5f: {  	[tilespmem:s25+$0xFFFFFFF0] =	vst v1  }
0x60: {  	v1 =	vld [tilespmem:s29+$0xFFFFFFF0];
	[tilespmem:s25+$0x0] =	vst v2  }
0x61: {  	s31 =	sand.u32 $0x1C0, s28;
	v6 =	vld [tilespmem:s29+$0x30];
	[tilespmem:s25+$0x20] =	vst v3  }
0x62: {  	s31 =	sshrl.u32 s31, $0x2;
	v8 =	vld [tilespmem:s29+$0x10];
	[tilespmem:s25+$0xFFFFFFD0] =	vst v4;
	s25 =	smov.u32 s29  }
0x63: {  	v2 =	vld [tilespmem:s31+$0x100]  }
0x64: {  	v7 =	vld [tilespmem:s29+$0xFFFFFFC0]  }
0x65: {  	v10 =	vld [tilespmem:s29+$0xFFFFFFE0]  }
0x66: {  	v3 =	vld [tilespmem:s29+$0x20]  }
.Ltmp1:
0x67: {  	v5 =	vmov s30;
	v4 =	vld [tilespmem:s29+$0xFFFFFFD0];
	(pc) =	sbr.rel @p1 .LBB2_5-.Ltmp1, $3  }
0x68: {  	v2 =	vperm.xlane v2, v5;
	v5 =	vld [tilespmem:s29+$0x0];
	_ =	sdelay $0x1  }
0x69: {  	v7 =	vmul.f32 v7, v2;
	v9 =	vmul.f32 v6, v2  }
0x6a: {  	v6 =	vmul.f32 v10, v2;
	v8 =	vmul.f32 v8, v2  }
0x6b: {  	[tilespmem:s25+$0x30] =	vst v9  }
0x6c: {  	[tilespmem:s25+$0xFFFFFFC0] =	vst v7  }
0x6d: {  	v1 =	vmul.f32 v1, v2;
	[tilespmem:s25+$0x10] =	vst v8  }
0x6e: {  	v3 =	vmul.f32 v3, v2;
	[tilespmem:s25+$0xFFFFFFE0] =	vst v6  }
0x6f: {  	v5 =	vmul.f32 v5, v2;
	[tilespmem:s25+$0xFFFFFFF0] =	vst v1  }
0x70: {  	s24 =	sadd.s32 $0x1, s24;
	v1 =	vmul.f32 v4, v2;
	[tilespmem:s25+$0x20] =	vst v3  }
0x71: {  	p1 =	sne.s32 s24, $0x4F;
	[tilespmem:s25+$0x0] =	vst v5  }
.Ltmp2:
0x72: {  	[tilespmem:s25+$0xFFFFFFD0] =	vst v1;
	(pc) =	sbr.rel @p1 .LBB2_4-.Ltmp2, $4  }
0x73: {  	[spmem:s1] =	stream.indirect.scatter.add.f32 [tilespmem:s18], [sflag:$0x2], $0x80, s20, s20, $0xb8;
	[tilespmem:$0x17A00] =	vst v63  }
0x74: {  	_ =	swait.ge [sflag:s19], $0x4000  }
0x75: {  	[sflag:s19] =	ssyncset.done $0x0  }
0x76: {  	[sflag:s19] =	ssyncadd.s32 $0xFFFFC000  }
0x77: {  	[bflag:$0x0] =	sbarrier.arrive $0xFFFF;
	s23 =	sshrl.u32 @p0 s8, $0x3;
	s24 =	simm.s32 @p0 $0x1FC2  }
0x78: {  	[hbm:s16], [sflag:s24] =	dma.local @p0 [spmem:s23], $0x2080  }
0x79: {  	s23 =	simm.s32 @p0 $0x2  }
0x7a: {  	s2 =	sadd.s32 $0x1, s2;
	_ =	swait.ge @p0 [sflag:s23], $0x2080  }
0x7b: {  	s24 =	sshll.u32 @!p0 s3, $0x6;
	p1 =	sne.s32 s2, s17;
	[sflag:s23] =	ssyncset.done @p0 $0x0  }
0x7c: {  	[sflag:s23] =	ssyncadd.s32 @p0 $0xFFFFDF80;
	s23 =	sor.u32 @!p0 $0x1C02, s24;
	s24 =	sshrl.u32 @!p0 s8, $0x3  }
0x7d: {  	[hbm:s15], [sflag:s23] =	dma.local @!p0 [spmem:s24], $0x2780  }
.Ltmp3:
0x7e: {  	_ = 	snop;
	(pc) =	sbr.rel @p1 .LBB2_1-.Ltmp3, $4  }
0x7f: {  	s23 =	simm.s32 @!p0 $0x2  }
0x80: {  	_ =	swait.ge @!p0 [sflag:s23], $0x2780  }
0x81: {  	[sflag:s23] =	ssyncset.done @!p0 $0x0  }
0x82: {  	[sflag:s23] =	ssyncadd.s32 @!p0 $0xFFFFD880  }
0x83: {  	_ =	sfence.sel $0x180000  }
0x84: {  	[bflag:$0x0] =	sbarrier.arrive $0xFFFF  }
0x85: {  	p0 =	sne.s32 s3, $0x0;
	_ =	strace $0x9000004A  }
0x86: {  	s0 =	sadd.s32 @!p0 $0x100000, s0;
	[bflag:$0x2] =	sbarrier.arrive $0xFFFF  }
0x87: {  	[sflag:s0] =	ssyncadd.tile.s32 @!p0 $0x1;
	_ =	shalt  }
.Lfunc_end2:
_tile_overlayer_lowered:
.L_overlay_start_2:
0x88: {  	(tag) =	ssettag $0x2  }
0x89: {  	s0 =	rddreg [dreg:$0x0];
	s2 =	stileid.u32  }
0x8a: {  	s1 =	rddreg [dreg:$0x1];
	p0 =	sne.s32 s2, $0x0  }
0x8b: {  	s3 =	rddreg [dreg:$0x2];
	[bflag:$0x3] =	sbarrier.arrive $0xFFFF;
	s2 =	simm.s32 @!p0 $0x1C02  }
0x8c: {  	[timem:s3], [sflag:s2] =	dma.local @!p0 [hbm:s0], s1  }
0x8d: {  	s0 =	simm.s32 @!p0 $0x2  }
0x8e: {  	_ =	swait.ge @!p0 [sflag:s0], s1  }
0x8f: {  	s1 =	ssub.s32 @!p0 $0x0, s1;
	[sflag:s0] =	ssyncset.done @!p0 $0x0  }
0x90: {  	[sflag:s0] =	ssyncadd.s32 @!p0 s1  }
0x91: {  	[bflag:$0x3] =	sbarrier.arrive $0xFFFF  }
0x92: {  	_ =	shalt  }

// kernel: kernel.16.cloned.1.call-start
scs
__scs_entry_jumppad:
0x0: {  	(pc) =	sbr.rel $0x88, $3  }
0x1: {  	(tag) =	ssettag $0x0;
	lr =	simm.s32 $0x1  }
0x2: {  	[smem:$0x3F99] =	sst lr;
	_ =	strace $0xD0000000  }
0x3: {  	_ = 	snop  }
0x4: {  	_ = 	snop  }
0x5: {  	_ = 	snop  }
0x6: {  	_ = 	snop  }
0x7: {  	_ = 	snop  }
__scs_overlays_trampoline_lowered:
0x8: {  	[smem:$0x3FA8] =	sst s0  }
0x9: {  	[smem:$0x3FA9] =	sst s1  }
0xa: {  	[smem:$0x3FAA] =	sst s2  }
0xb: {  	[smem:$0x3FAB] =	sst s3  }
0xc: {  	[smem:$0x3FAC] =	sst s4  }
0xd: {  	[smem:$0x3FAD] =	sst s5  }
0xe: {  	[smem:$0x3FAE] =	sst s6  }
0xf: {  	[smem:$0x3FAF] =	sst s7  }
0x10: {  	[smem:$0x3FB0] =	sst s8  }
0x11: {  	[smem:$0x3FB1] =	sst s9;
	s0 =	simm.s32 @!p0 $0x0  }
0x12: {  	s1 =	sld [smem:$0x3F97];
	s0 =	simm.s32 @p0 $0x1  }
0x13: {  	[smem:$0x3FB2] =	sst s0;
	s0 =	simm.s32 @!p1 $0x0  }
0x14: {  	s2 =	sld [smem:$0x3F96];
	s0 =	simm.s32 @p1 $0x1  }
0x15: {  	[smem:$0x3FB3] =	sst s0;
	s0 =	simm.s32 @!p2 $0x0  }
0x16: {  	s3 =	sld [smem:$0x3FDB];
	s0 =	simm.s32 @p2 $0x1  }
0x17: {  	s4 =	simm.s32 $0x1BF5;
	[smem:$0x3FB5] =	sst s0  }
0x18: {  	s0 =	sld [smem:$0x3F98];
	_ =	swait.ge [sflag:s4], $0x0  }
0x19: {  	s7 =	sld [smem:$0x3F99]  }
0x1a: {  	s8 =	sadd.s32 $0xFFFFE003, lr  }
0x1b: {  	s9 =	sadd.s32 $0xFFFFFEF7, lr;
	s5 =	simm.s32 $0xFFFFFFFF;
	p2 =	slt.u32 s8, $0xFFFFF086  }
0x1c: {  	p1 =	slt.u32 s9, $0xF7A;
	s5 =	simm.s32 @!p2 $0x0  }
0x1d: {  	s5 =	simm.s32 @p1 $0x1;
	p0 =	seq.s32 s7, s2  }
0x1e: {  	s7 =	smul.u32 @!p0 $0xF7A, s2;
	p2 =	seq.s32 @!p0 s5, $0x0  }
0x1f: {  	s9 =	smul.u32 $0xF7A, s1;
	s8 =	simm.s32 @!p0 $0x1BF5;
	p2 =	por !p2, p0  }
0x20: {  	[sflag:s8] =	ssyncset.s32 @!p0 $0xFFFFF086;
	s6 =	sadd.s32 @!p0 s3, s7;
	s7 =	simm.s32 @!p0 $0x108  }
0x21: {  	s3 =	sadd.s32 s3, s9;
	s6 =	sadd.s32 @!p0 $0x88, s6;
	s7 =	simm.s32 @p2 $0x1082  }
0x22: {  	[simem:s7], [sflag:s8] =	dma.local @!p0 [hbm:s6], $0xF7A  }
0x23: {  	s9 =	sor.u32 $0xD0000000, s2;
	s6 =	simm.s32 $0x108;
	_ =	swait.ge @!p0 [sflag:s8], $0x0  }
0x24: {  	s3 =	sadd.s32 $0x88, s3;
	s6 =	simm.s32 @!p1 $0x1082;
	[sflag:s4] =	ssyncset.s32 $0xFFFFF086  }
0x25: {  	[simem:s6], [sflag:s4] =	dma.local [hbm:s3], $0xF7A  }
0x26: {  	[smem:$0x3F99] =	sst s1;
	(tag) =	ssettag s2;
	_ =	strace s9  }
0x27: {  	s1 =	sld [smem:$0x3FA9]  }
0x28: {  	s2 =	sld [smem:$0x3FAA]  }
0x29: {  	s4 =	sld [smem:$0x3FAC]  }
0x2a: {  	p0 =	seq.s32 s5, $0x0;
	s5 =	sld [smem:$0x3FAD]  }
0x2b: {  	s6 =	sld [smem:$0x3FAE]  }
0x2c: {  	s7 =	sld [smem:$0x3FAF]  }
0x2d: {  	s3 =	simm.s32 $0x108;
	s8 =	sld [smem:$0x3FB0]  }
0x2e: {  	s3 =	simm.s32 @!p0 $0x1082;
	s9 =	sld [smem:$0x3FB1]  }
0x2f: {  	lr =	sadd.s32 s0, s3;
	s0 =	sld [smem:$0x3FA8]  }
0x30: {  	s3 =	sld [smem:$0x3FAB]  }
0x31: {  	[smem:$0x3FB4] =	sst s10  }
0x32: {  	s10 =	sld [smem:$0x3FB2];
	_ =	sdelay $0x3  }
0x33: {  	p0 =	seq.s32 s10, $0x1;
	s10 =	sld [smem:$0x3FB4];
	_ =	sdelay $0x3  }
0x34: {  	[smem:$0x3FB4] =	sst s10  }
0x35: {  	s10 =	sld [smem:$0x3FB3];
	_ =	sdelay $0x3  }
0x36: {  	p1 =	seq.s32 s10, $0x1;
	s10 =	sld [smem:$0x3FB4];
	_ =	sdelay $0x3  }
0x37: {  	[smem:$0x3FB4] =	sst s10  }
0x38: {  	s10 =	sld [smem:$0x3FB5]  }
0x39: {  	_ = 	snop;
	(pc) =	sbr.ind lr, $3  }
0x3a: {  	_ = 	snop  }
0x3b: {  	_ = 	snop  }
0x3c: {  	p2 =	seq.s32 s10, $0x1;
	s10 =	sld [smem:$0x3FB4]  }
0x3d: {  	_ =	shalt  }
0x3e: {  	_ =	shalt  }
0x3f: {  	_ =	shalt  }
0x40: {  	_ =	shalt  }
0x41: {  	_ =	shalt  }
0x42: {  	_ =	shalt  }
0x43: {  	_ =	shalt  }
0x44: {  	_ =	shalt  }
0x45: {  	_ =	shalt  }
0x46: {  	_ =	shalt  }
0x47: {  	_ =	shalt  }
0x48: {  	_ =	shalt  }
0x49: {  	_ =	shalt  }
0x4a: {  	_ =	shalt  }
0x4b: {  	_ =	shalt  }
0x4c: {  	_ =	shalt  }
0x4d: {  	_ =	shalt  }
0x4e: {  	_ =	shalt  }
0x4f: {  	_ =	shalt  }
0x50: {  	_ =	shalt  }
0x51: {  	_ =	shalt  }
0x52: {  	_ =	shalt  }
0x53: {  	_ =	shalt  }
0x54: {  	_ =	shalt  }
0x55: {  	_ =	shalt  }
0x56: {  	_ =	shalt  }
0x57: {  	_ =	shalt  }
0x58: {  	_ =	shalt  }
0x59: {  	_ =	shalt  }
0x5a: {  	_ =	shalt  }
0x5b: {  	_ =	shalt  }
0x5c: {  	_ =	shalt  }
0x5d: {  	_ =	shalt  }
0x5e: {  	_ =	shalt  }
0x5f: {  	_ =	shalt  }
0x60: {  	_ =	shalt  }
0x61: {  	_ =	shalt  }
0x62: {  	_ =	shalt  }
0x63: {  	_ =	shalt  }
0x64: {  	_ =	shalt  }
0x65: {  	_ =	shalt  }
0x66: {  	_ =	shalt  }
0x67: {  	_ =	shalt  }
0x68: {  	_ =	shalt  }
0x69: {  	_ =	shalt  }
0x6a: {  	_ =	shalt  }
0x6b: {  	_ =	shalt  }
0x6c: {  	_ =	shalt  }
0x6d: {  	_ =	shalt  }
0x6e: {  	_ =	shalt  }
0x6f: {  	_ =	shalt  }
0x70: {  	_ =	shalt  }
0x71: {  	_ =	shalt  }
0x72: {  	_ =	shalt  }
0x73: {  	_ =	shalt  }
0x74: {  	_ =	shalt  }
0x75: {  	_ =	shalt  }
0x76: {  	_ =	shalt  }
0x77: {  	_ =	shalt  }
0x78: {  	_ =	shalt  }
0x79: {  	_ =	shalt  }
0x7a: {  	_ =	shalt  }
0x7b: {  	_ =	shalt  }
0x7c: {  	_ =	shalt  }
0x7d: {  	_ =	shalt  }
0x7e: {  	_ =	shalt  }
0x7f: {  	_ =	shalt  }
0x80: {  	_ =	shalt  }
0x81: {  	_ =	shalt  }
0x82: {  	_ =	shalt  }
0x83: {  	_ =	shalt  }
0x84: {  	_ =	shalt  }
0x85: {  	_ =	shalt  }
0x86: {  	_ =	shalt  }
0x87: {  	_ =	shalt  }
.Lfunc_end0:
.L_simem_size_0:
called_computation.2_lowered:
.L_overlay_start_0:
0x88: {  	s2 =	sld [smem:$0x3FD9]  }
0x89: {  	s3 =	sld [smem:$0x3FFE];
	_ =	sdelay $0x1  }
0x8a: {  	s1 =	srdreg.scid  }
0x8b: {  	s0 =	sand.u32 $0x1, s1  }
0x8c: {  	s16 =	sshll.u32 s0, $0xA;
	s2 =	sadd.s32 s3, s2  }
0x8d: {  	s2 =	sadd.s32 s2, s16  }
0x8e: {  	[smem:$0x3FC0] =	sst s2  }
0x8f: {  	_ = 	snop  }
0x90: {  	(tm) =	ssettm $0x1  }
0x91: {  	s17 =	sld [smem:$0x3FFB];
	_ =	sdelay $0x3  }
0x92: {  	_ =	strace s17  }
0x93: {  	s2 =	sld [smem:$0x3FFC];
	_ =	sdelay $0x3  }
0x94: {  	_ =	strace s2  }
0x95: {  	s2 =	sld [smem:$0x3FFD];
	_ =	sdelay $0x3  }
0x96: {  	_ =	strace s2  }
0x97: {  	_ =	strace $0x8FFFFFFF  }
0x98: {  	s18 =	sld [smem:$0x3FDB];
	_ =	sdelay $0x1  }
0x99: {  	s19 =	simm.s32 $_scs_section_size  }
0x9a: {  	s4 =	simm.s32 $_size__tile_overlayer_lowered;
	s5 =	simm.s32 $_tile_overlayer_lowered  }
0x9b: {  	s22 =	simm.s32 $0x1BFF;
	s21 =	sshll.u32 s5, $0x1;
	s2 =	sadd.s32 s19, s18  }
0x9c: {  	s6 =	simm.s32 $0x0;
	s20 =	sshll.u32 s4, $0x1;
	s4 =	sadd.s32 s21, s2  }
0x9d: {  	[timem:s6], [sflag:s22] =	dma.local [hbm:s4], s20  }
0x9e: {  	_ =	swait.ge [sflag:s22], s20  }
0x9f: {  	s3 =	ssub.s32 $0x0, s20;
	[sflag:s22] =	ssyncset.done $0x0  }
0xa0: {  	[sflag:s22] =	ssyncadd.s32 s3;
	_ =	sdelay $0x1  }
0xa1: {  	s23 =	simm.s32 $0x1B8B  }
0xa2: {  	_ =	swait.ge [sflag:s23], $0x1  }
0xa3: {  	[sflag:s23] =	ssyncset.done $0x0  }
0xa4: {  	s25 =	simm.s32 $0x1B8E;
	s24 =	sld [smem:$0x3FFE];
	[sflag:s23] =	ssyncadd.s32 $0xFFFFFFFF  }
0xa5: {  	s26 =	simm.s32 $execute0_lowered;
	[smem:$0x3FD2] =	sst s25  }
0xa6: {  	s4 =	sshll.u32 s26, $0x1;
	_ =	strace $0x8000004C;
	[dreg:$0x1] =	wrdreg $0xFFFFFFFF  }
0xa7: {  	s28 =	simm.s32 $_size_execute0_lowered;
	s2 =	sadd.s32 s2, s4;
	[dreg:$0x0] =	wrdreg $0x0  }
0xa8: {  	s4 =	sshll.u32 s28, $0x1;
	[dreg:$0x2] =	wrdreg s2  }
0xa9: {  	[dreg:$0x3] =	wrdreg s4  }
0xaa: {  	[dreg:$0x4] =	wrdreg $0xC0  }
0xab: {  	_ =	task [dreg:s6], $0x5FFFF  }
0xac: {  	[dreg:$0x1] =	wrdreg $0xFFFFFFFF  }
0xad: {  	[dreg:$0x0] =	wrdreg $0x60  }
0xae: {  	[dreg:$0x2] =	wrdreg s24  }
0xaf: {  	[dreg:$0x3] =	wrdreg $0x41800  }
0xb0: {  	[dreg:$0x4] =	wrdreg $0x9  }
0xb1: {  	_ =	task.clear_ibuf [dreg:s6], $0x5FFFF;
	_ =	strace $0x9000004C  }
0xb2: {  	s29 =	simm.s32 $0x9;
	_ =	strace $0x8000004E  }
0xb3: {  	_ =	swait.ge [sflag:s29], $0x1  }
0xb4: {  	[sflag:s29] =	ssyncadd.s32 $0xFFFFFFFF  }
0xb5: {  	_ =	strace $0x9000004E  }
0xb6: {  	_ =	sfence  }
0xb7: {  	s30 =	sld [smem:$0x0];
	_ =	sdelay $0x2  }
0xb8: {  	s31 =	sshll.u32 s1, $0xD;
	s1 =	sshrl.u32 s1, $0x2  }
0xb9: {  	s3 =	sand.u32 $0x4000, s31;
	s1 =	sadd.s32 s1, s30  }
0xba: {  	s0 =	sor.u32 s3, s0;
	s1 =	sshll.u32 s1, $0x11  }
0xbb: {  	s0 =	sor.u32 s1, s0  }
0xbc: {  	s0 =	sadd.s32 $0x8F2B, s0  }
0xbd: {  	[sflag:s0] =	ssyncadd.remote.s32 $0x1  }
0xbe: {  	_ =	sfence.sel $0xFFFF  }
0xbf: {  	[dreg:$0x0] =	wrdreg $0xFFFFFFFF;
	(pc) =	sbr.abs _section_cstart, $3  }
0xc0: {  	[dreg:$0x1] =	wrdreg $0xFFFFFFFF  }
0xc1: {  	_ =	task.clear_ibuf [dreg:s6], $0x2FFFF;
	_ =	strace $0x9FFFFFFF  }
0xc2: {  	(tm) =	ssettm $0x7FFFFFFF  }
0xc3: {  	_ =	shalt  }
tec
execute0_lowered:
.L_overlay_start_1:
0x0: {  	(tag) =	ssettag $0x1  }
0x1: {  	s8 =	rddreg [dreg:$0x0]  }
0x2: {  	s1 =	rddreg [dreg:$0x1]  }
0x3: {  	s0 =	rddreg [dreg:$0x2];
	s2 =	simm.s32 $0x0  }
0x4: {  	s5 =	srdreg.scid;
	s3 =	stileid.u32;
	s20 =	simm.s32 $0x80  }
0x5: {  	s21 =	simm.s32 $0x100;
	s22 =	simm.s32 $0x1;
	[smem:$0x7FF] =	sst s2  }
0x6: {  	s4 =	sadd.s32 $0x20C00, s8;
	s9 =	sand.u32 $0x1, s5;
	s5 =	sadd.s32 $0xD000, s8  }
0x7: {  	s11 =	smul.u32 $0x4F000, s3;
	s6 =	sadd.s32 $0x3200, s8;
	s7 =	sadd.s32 $0x16E00, s8  }
0x8: {  	s15 =	sadd.s32 $0x47E00, s8;
	s29 =	sshll.u32 s3, $0x1;
	s18 =	smul.u32 $0x13C00, s3  }
0x9: {  	s13 =	sadd.s32 $0x138400, s1;
	p0 =	seq.s32 s3, $0xF;
	s10 =	ssub.s32 $0x2, s9  }
0xa: {  	_ =	strace $0x8000004D;
	s14 =	smul.u32 $0x138800, s9;
	s12 =	sshrl.u32 s10, $0x1  }
0xb: {  	s16 =	sor.u32 s9, s29;
	s28 =	sshrl.u32 s11, $0x2;
	s17 =	ssub.s32 s10, s12  }
0xc: {  	s8 =	sadd.s32 s28, s1;
	s18 =	sadd.s32 s18, s14;
	s19 =	sshrl.u32 s14, $0x3  }
0xd: {  	s14 =	smul.u32 $0x4F, s16;
	s9 =	sadd.s32 $0x4000, s8;
	s10 =	sadd.s32 $0x8000, s8  }
0xe: {  	s11 =	sadd.s32 $0xC000, s8;
	s12 =	sadd.s32 $0x10000, s8;
	s30 =	sshrl.u32 s18, $0x3  }
0xf: {  	s31 =	sadd.s32 s15, s19;
	s17 =	smax.u32 s17, $0x1;
	s18 =	simm.s32 $0x180  }
0x10: {  	v0 =	vimm.f32 $0.0e+00;
	s19 =	simm.s32 $0x2;
	s15 =	sadd.s32 s15, s30;
	s16 =	sadd.s32 $0x25080, s31  }
.LBB2_1:
0x11: {  	s23 =	simm.s32 $0x0;
	s24 =	simm.s32 $0x200  }
.LBB2_2:
0x12: {  	p1 =	sne.s32 s24, $0xFE00;
	[tilespmem:s23+$0x1F0] =	vst v0  }
0x13: {  	[tilespmem:s23+$0x180] =	vst v0  }
0x14: {  	[tilespmem:s23+$0x190] =	vst v0  }
.Ltmp0:
0x15: {  	[tilespmem:s23+$0x1A0] =	vst v0;
	(pc) =	sbr.rel @p1 .LBB2_2-.Ltmp0, $4  }
0x16: {  	[tilespmem:s23+$0x1B0] =	vst v0  }
0x17: {  	[tilespmem:s23+$0x1C0] =	vst v0  }
0x18: {  	[tilespmem:s23+$0x1D0] =	vst v0  }
0x19: {  	[tilespmem:s23+$0x1E0] =	vst v0;
	s23 =	sshra.s32 s24, $0x2;
	s24 =	sadd.s32 $0x200, s24  }
0x1a: {  	[tilespmem:s23+$0x1F0] =	vst v0  }
0x1b: {  	[tilespmem:s23+$0x180] =	vst v0  }
0x1c: {  	[tilespmem:s23+$0x190] =	vst v0  }
0x1d: {  	[tilespmem:s23+$0x1A0] =	vst v0  }
0x1e: {  	[tilespmem:s23+$0x1B0] =	vst v0  }
0x1f: {  	[tilespmem:s23+$0x1C0] =	vst v0  }
0x20: {  	[tilespmem:s23+$0x1D0] =	vst v0  }
0x21: {  	[tilespmem:s23+$0x1E0] =	vst v0  }
0x22: {  	[spmem:s8] =	stream.linear.scatter [tilespmem:s18], [sflag:$0x2], $0x4000, $0x38;
	[tilespmem:$0x17A00] =	vst v63  }
0x23: {  	_ =	swait.ge [sflag:s19], $0x4000  }
0x24: {  	[sflag:s19] =	ssyncset.done $0x0  }
0x25: {  	[sflag:s19] =	ssyncadd.s32 $0xFFFFC000  }
0x26: {  	[spmem:s9] =	stream.linear.scatter [tilespmem:s18], [sflag:$0x2], $0x4000, $0x38;
	[tilespmem:$0x17A00] =	vst v63  }
0x27: {  	_ =	swait.ge [sflag:s19], $0x4000  }
0x28: {  	[sflag:s19] =	ssyncset.done $0x0  }
0x29: {  	[sflag:s19] =	ssyncadd.s32 $0xFFFFC000  }
0x2a: {  	[spmem:s10] =	stream.linear.scatter [tilespmem:s18], [sflag:$0x2], $0x4000, $0x38;
	[tilespmem:$0x17A00] =	vst v63  }
0x2b: {  	_ =	swait.ge [sflag:s19], $0x4000  }
0x2c: {  	[sflag:s19] =	ssyncset.done $0x0  }
0x2d: {  	[sflag:s19] =	ssyncadd.s32 $0xFFFFC000  }
0x2e: {  	[spmem:s11] =	stream.linear.scatter [tilespmem:s18], [sflag:$0x2], $0x4000, $0x38;
	[tilespmem:$0x17A00] =	vst v63  }
0x2f: {  	_ =	swait.ge [sflag:s19], $0x4000  }
0x30: {  	[sflag:s19] =	ssyncset.done $0x0  }
0x31: {  	s23 =	simm.s32 @p0 $0x180;
	[sflag:s19] =	ssyncadd.s32 $0xFFFFC000  }
0x32: {  	[spmem:s13] =	stream.linear.scatter @p0 [tilespmem:s23], [sflag:$0x2], $0x400, $0x38;
	[tilespmem:$0x17A00] =	vst v63  }
0x33: {  	s23 =	simm.s32 @p0 $0x2  }
0x34: {  	_ =	swait.ge @p0 [sflag:s23], $0x400  }
0x35: {  	[sflag:s23] =	ssyncset.done @p0 $0x0  }
0x36: {  	[sflag:s23] =	ssyncadd.s32 @p0 $0xFFFFFC00;
	s23 =	simm.s32 @!p0 $0x180  }
0x37: {  	[spmem:s12] =	stream.linear.scatter @!p0 [tilespmem:s23], [sflag:$0x2], $0x3C00, $0x38;
	[tilespmem:$0x17A00] =	vst v63  }
0x38: {  	s23 =	simm.s32 @!p0 $0x2  }
0x39: {  	_ =	swait.ge @!p0 [sflag:s23], $0x3C00  }
0x3a: {  	[sflag:s23] =	ssyncset.done @!p0 $0x0  }
0x3b: {  	[sflag:s23] =	ssyncadd.s32 @!p0 $0xFFFFC400  }
0x3c: {  	s24 =	simm.s32 $0x0;
	s23 =	simm.s32 $0x0;
	[bflag:$0x0] =	sbarrier.arrive $0xFFFF  }
.LBB2_4:
0x3d: {  	s25 =	sadd.s32 s14, s24  }
0x3e: {  	s25 =	sshll.u32 s25, $0x4  }
0x3f: {  	s26 =	sadd.s32 s5, s25  }
0x40: {  	[tilespmem:s23], [sflag:$0x2] =	stream.linear.gather [hbm4b:s26+s23], $0x80, $0x38;
	[tilespmem:$0x17A00] =	vst v63  }
0x41: {  	_ =	swait.ge [sflag:s19], $0x80  }
0x42: {  	[sflag:s19] =	ssyncset.done $0x0  }
0x43: {  	s30 =	sadd.s32 s6, s25;
	[sflag:s19] =	ssyncadd.s32 $0xFFFFFF80  }
0x44: {  	[tilespmem:s20], [sflag:$0x2] =	stream.linear.gather [hbm4b:s30+s23], $0x80, $0x38;
	[tilespmem:$0x17A00] =	vst v63  }
0x45: {  	_ =	swait.ge [sflag:s19], $0x80  }
0x46: {  	[sflag:s19] =	ssyncset.done $0x0  }
0x47: {  	s25 =	sadd.s32 s7, s25;
	[sflag:s19] =	ssyncadd.s32 $0xFFFFFF80  }
0x48: {  	[tilespmem:s21], [sflag:$0x2] =	stream.linear.gather [hbm4b:s25+s23], $0x80, $0x38;
	[tilespmem:$0x17A00] =	vst v63  }
0x49: {  	_ =	swait.ge [sflag:s19], $0x80  }
0x4a: {  	[sflag:s19] =	ssyncset.done $0x0  }
0x4b: {  	[sflag:s19] =	ssyncadd.s32 $0xFFFFFF80  }
0x4c: {  	[tilespmem:s18], [sflag:$0x1] =	stream.indirect.gather [hbm4b:s4+s20], $0x80, s23, s20, $0xb8;
	[tilespmem:$0x17A00] =	vst v63  }
0x4d: {  	_ =	swait.ge [sflag:s22], $0x4000  }
0x4e: {  	[sflag:s22] =	ssyncset.done $0x0  }
0x4f: {  	s31 =	sand.u32 $0x1C0, s23;
	s25 =	simm.s32 $0x1C0;
	[sflag:s22] =	ssyncadd.s32 $0xFFFFC000  }
0x50: {  	s26 =	sshrl.u32 s31, $0x2;
	v5 =	vld [tilespmem:s25+$0x30]  }
0x51: {  	v2 =	vld [tilespmem:s26+$0x100]  }
0x52: {  	v8 =	vld [tilespmem:s25+$0x10]  }
0x53: {  	v6 =	vld [tilespmem:s25+$0xFFFFFFC0]  }
0x54: {  	v10 =	vld [tilespmem:s25+$0xFFFFFFE0]  }
0x55: {  	v3 =	vmov s23;
	v1 =	vld [tilespmem:s25+$0xFFFFFFF0]  }
0x56: {  	v4 =	vld [tilespmem:s25+$0xFFFFFFD0];
	v2 =	vperm.xlane v2, v3  }
0x57: {  	v3 =	vld [tilespmem:s25+$0x20]  }
0x58: {  	v9 =	vmul.f32 v5, v2;
	v5 =	vld [tilespmem:s25+$0x0];
	_ =	sdelay $0x1  }
0x59: {  	v7 =	vmul.f32 v6, v2  }
0x5a: {  	s28 =	simm.s32 $0x0;
	s29 =	simm.s32 $0x1C0;
	s26 =	simm.s32 $0x1;
	v6 =	vmul.f32 v10, v2;
	v8 =	vmul.f32 v8, v2  }
.LBB2_5:
0x5b: {  	p1 =	sne.s32 s26, $0x7F;
	v4 =	vmul.f32 v4, v2;
	v3 =	vmul.f32 v3, v2;
	[tilespmem:s25+$0x30] =	vst v9;
	s28 =	sadd.s32 $0x4, s28;
	s29 =	sadd.s32 $0x80, s29  }
0x5c: {  	v1 =	vmul.f32 v1, v2;
	s30 =	smov.u32 s26;
	s26 =	sadd.s32 $0x1, s26;
	[tilespmem:s25+$0xFFFFFFC0] =	vst v7;
	v2 =	vmul.f32 v5, v2  }
0x5d: {  	[tilespmem:s25+$0x10] =	vst v8  }
0x5e: {  	[tilespmem:s25+$0xFFFFFFE0] =	vst v6  }
0x5f: {  	[tilespmem:s25+$0xFFFFFFF0] =	vst v1  }
0x60: {  	v1 =	vld [tilespmem:s29+$0xFFFFFFF0];
	[tilespmem:s25+$0x0] =	vst v2  }
0x61: {  	s31 =	sand.u32 $0x1C0, s28;
	v6 =	vld [tilespmem:s29+$0x30];
	[tilespmem:s25+$0x20] =	vst v3  }
0x62: {  	s31 =	sshrl.u32 s31, $0x2;
	v8 =	vld [tilespmem:s29+$0x10];
	[tilespmem:s25+$0xFFFFFFD0] =	vst v4;
	s25 =	smov.u32 s29  }
0x63: {  	v2 =	vld [tilespmem:s31+$0x100]  }
0x64: {  	v7 =	vld [tilespmem:s29+$0xFFFFFFC0]  }
0x65: {  	v10 =	vld [tilespmem:s29+$0xFFFFFFE0]  }
0x66: {  	v3 =	vld [tilespmem:s29+$0x20]  }
.Ltmp1:
0x67: {  	v5 =	vmov s30;
	v4 =	vld [tilespmem:s29+$0xFFFFFFD0];
	(pc) =	sbr.rel @p1 .LBB2_5-.Ltmp1, $3  }
0x68: {  	v2 =	vperm.xlane v2, v5;
	v5 =	vld [tilespmem:s29+$0x0];
	_ =	sdelay $0x1  }
0x69: {  	v7 =	vmul.f32 v7, v2;
	v9 =	vmul.f32 v6, v2  }
0x6a: {  	v6 =	vmul.f32 v10, v2;
	v8 =	vmul.f32 v8, v2  }
0x6b: {  	[tilespmem:s25+$0x30] =	vst v9  }
0x6c: {  	[tilespmem:s25+$0xFFFFFFC0] =	vst v7  }
0x6d: {  	v1 =	vmul.f32 v1, v2;
	[tilespmem:s25+$0x10] =	vst v8  }
0x6e: {  	v3 =	vmul.f32 v3, v2;
	[tilespmem:s25+$0xFFFFFFE0] =	vst v6  }
0x6f: {  	v5 =	vmul.f32 v5, v2;
	[tilespmem:s25+$0xFFFFFFF0] =	vst v1  }
0x70: {  	s24 =	sadd.s32 $0x1, s24;
	v1 =	vmul.f32 v4, v2;
	[tilespmem:s25+$0x20] =	vst v3  }
0x71: {  	p1 =	sne.s32 s24, $0x4F;
	[tilespmem:s25+$0x0] =	vst v5  }
.Ltmp2:
0x72: {  	[tilespmem:s25+$0xFFFFFFD0] =	vst v1;
	(pc) =	sbr.rel @p1 .LBB2_4-.Ltmp2, $4  }
0x73: {  	[spmem:s1] =	stream.indirect.scatter.add.f32 [tilespmem:s18], [sflag:$0x2], $0x80, s20, s20, $0xb8;
	[tilespmem:$0x17A00] =	vst v63  }
0x74: {  	_ =	swait.ge [sflag:s19], $0x4000  }
0x75: {  	[sflag:s19] =	ssyncset.done $0x0  }
0x76: {  	[sflag:s19] =	ssyncadd.s32 $0xFFFFC000  }
0x77: {  	[bflag:$0x0] =	sbarrier.arrive $0xFFFF;
	s23 =	sshrl.u32 @p0 s8, $0x3;
	s24 =	simm.s32 @p0 $0x1FC2  }
0x78: {  	[hbm:s16], [sflag:s24] =	dma.local @p0 [spmem:s23], $0x2080  }
0x79: {  	s23 =	simm.s32 @p0 $0x2  }
0x7a: {  	s2 =	sadd.s32 $0x1, s2;
	_ =	swait.ge @p0 [sflag:s23], $0x2080  }
0x7b: {  	s24 =	sshll.u32 @!p0 s3, $0x6;
	p1 =	sne.s32 s2, s17;
	[sflag:s23] =	ssyncset.done @p0 $0x0  }
0x7c: {  	[sflag:s23] =	ssyncadd.s32 @p0 $0xFFFFDF80;
	s23 =	sor.u32 @!p0 $0x1C02, s24;
	s24 =	sshrl.u32 @!p0 s8, $0x3  }
0x7d: {  	[hbm:s15], [sflag:s23] =	dma.local @!p0 [spmem:s24], $0x2780  }
.Ltmp3:
0x7e: {  	_ = 	snop;
	(pc) =	sbr.rel @p1 .LBB2_1-.Ltmp3, $4  }
0x7f: {  	s23 =	simm.s32 @!p0 $0x2  }
0x80: {  	_ =	swait.ge @!p0 [sflag:s23], $0x2780  }
0x81: {  	[sflag:s23] =	ssyncset.done @!p0 $0x0  }
0x82: {  	[sflag:s23] =	ssyncadd.s32 @!p0 $0xFFFFD880  }
0x83: {  	_ =	sfence.sel $0x180000  }
0x84: {  	[bflag:$0x0] =	sbarrier.arrive $0xFFFF  }
0x85: {  	p0 =	sne.s32 s3, $0x0;
	_ =	strace $0x9000004D  }
0x86: {  	s0 =	sadd.s32 @!p0 $0x100000, s0;
	[bflag:$0x2] =	sbarrier.arrive $0xFFFF  }
0x87: {  	[sflag:s0] =	ssyncadd.tile.s32 @!p0 $0x1;
	_ =	shalt  }
.Lfunc_end2:
_tile_overlayer_lowered:
.L_overlay_start_2:
0x88: {  	(tag) =	ssettag $0x2  }
0x89: {  	s0 =	rddreg [dreg:$0x0];
	s2 =	stileid.u32  }
0x8a: {  	s1 =	rddreg [dreg:$0x1];
	p0 =	sne.s32 s2, $0x0  }
0x8b: {  	s3 =	rddreg [dreg:$0x2];
	[bflag:$0x3] =	sbarrier.arrive $0xFFFF;
	s2 =	simm.s32 @!p0 $0x1C02  }
0x8c: {  	[timem:s3], [sflag:s2] =	dma.local @!p0 [hbm:s0], s1  }
0x8d: {  	s0 =	simm.s32 @!p0 $0x2  }
0x8e: {  	_ =	swait.ge @!p0 [sflag:s0], s1  }
0x8f: {  	s1 =	ssub.s32 @!p0 $0x0, s1;
	[sflag:s0] =	ssyncset.done @!p0 $0x0  }
0x90: {  	[sflag:s0] =	ssyncadd.s32 @!p0 s1  }
0x91: {  	[bflag:$0x3] =	sbarrier.arrive $0xFFFF  }
0x92: {  	_ =	shalt  }

// kernel: kernel.19.cloned.1.call-start
scs
__scs_entry_jumppad:
0x0: {  	(pc) =	sbr.rel $0x88, $3  }
0x1: {  	(tag) =	ssettag $0x0;
	lr =	simm.s32 $0x1  }
0x2: {  	[smem:$0x3F99] =	sst lr;
	_ =	strace $0xD0000000  }
0x3: {  	_ = 	snop  }
0x4: {  	_ = 	snop  }
0x5: {  	_ = 	snop  }
0x6: {  	_ = 	snop  }
0x7: {  	_ = 	snop  }
__scs_overlays_trampoline_lowered:
0x8: {  	[smem:$0x3FA8] =	sst s0  }
0x9: {  	[smem:$0x3FA9] =	sst s1  }
0xa: {  	[smem:$0x3FAA] =	sst s2  }
0xb: {  	[smem:$0x3FAB] =	sst s3  }
0xc: {  	[smem:$0x3FAC] =	sst s4  }
0xd: {  	[smem:$0x3FAD] =	sst s5  }
0xe: {  	[smem:$0x3FAE] =	sst s6  }
0xf: {  	[smem:$0x3FAF] =	sst s7  }
0x10: {  	[smem:$0x3FB0] =	sst s8  }
0x11: {  	[smem:$0x3FB1] =	sst s9;
	s0 =	simm.s32 @!p0 $0x0  }
0x12: {  	s1 =	sld [smem:$0x3F97];
	s0 =	simm.s32 @p0 $0x1  }
0x13: {  	[smem:$0x3FB2] =	sst s0;
	s0 =	simm.s32 @!p1 $0x0  }
0x14: {  	s2 =	sld [smem:$0x3F96];
	s0 =	simm.s32 @p1 $0x1  }
0x15: {  	[smem:$0x3FB3] =	sst s0;
	s0 =	simm.s32 @!p2 $0x0  }
0x16: {  	s3 =	sld [smem:$0x3FDB];
	s0 =	simm.s32 @p2 $0x1  }
0x17: {  	s4 =	simm.s32 $0x1BF5;
	[smem:$0x3FB5] =	sst s0  }
0x18: {  	s0 =	sld [smem:$0x3F98];
	_ =	swait.ge [sflag:s4], $0x0  }
0x19: {  	s7 =	sld [smem:$0x3F99]  }
0x1a: {  	s8 =	sadd.s32 $0xFFFFE003, lr  }
0x1b: {  	s9 =	sadd.s32 $0xFFFFFEF7, lr;
	s5 =	simm.s32 $0xFFFFFFFF;
	p2 =	slt.u32 s8, $0xFFFFF086  }
0x1c: {  	p1 =	slt.u32 s9, $0xF7A;
	s5 =	simm.s32 @!p2 $0x0  }
0x1d: {  	s5 =	simm.s32 @p1 $0x1;
	p0 =	seq.s32 s7, s2  }
0x1e: {  	s7 =	smul.u32 @!p0 $0xF7A, s2;
	p2 =	seq.s32 @!p0 s5, $0x0  }
0x1f: {  	s9 =	smul.u32 $0xF7A, s1;
	s8 =	simm.s32 @!p0 $0x1BF5;
	p2 =	por !p2, p0  }
0x20: {  	[sflag:s8] =	ssyncset.s32 @!p0 $0xFFFFF086;
	s6 =	sadd.s32 @!p0 s3, s7;
	s7 =	simm.s32 @!p0 $0x108  }
0x21: {  	s3 =	sadd.s32 s3, s9;
	s6 =	sadd.s32 @!p0 $0x88, s6;
	s7 =	simm.s32 @p2 $0x1082  }
0x22: {  	[simem:s7], [sflag:s8] =	dma.local @!p0 [hbm:s6], $0xF7A  }
0x23: {  	s9 =	sor.u32 $0xD0000000, s2;
	s6 =	simm.s32 $0x108;
	_ =	swait.ge @!p0 [sflag:s8], $0x0  }
0x24: {  	s3 =	sadd.s32 $0x88, s3;
	s6 =	simm.s32 @!p1 $0x1082;
	[sflag:s4] =	ssyncset.s32 $0xFFFFF086  }
0x25: {  	[simem:s6], [sflag:s4] =	dma.local [hbm:s3], $0xF7A  }
0x26: {  	[smem:$0x3F99] =	sst s1;
	(tag) =	ssettag s2;
	_ =	strace s9  }
0x27: {  	s1 =	sld [smem:$0x3FA9]  }
0x28: {  	s2 =	sld [smem:$0x3FAA]  }
0x29: {  	s4 =	sld [smem:$0x3FAC]  }
0x2a: {  	p0 =	seq.s32 s5, $0x0;
	s5 =	sld [smem:$0x3FAD]  }
0x2b: {  	s6 =	sld [smem:$0x3FAE]  }
0x2c: {  	s7 =	sld [smem:$0x3FAF]  }
0x2d: {  	s3 =	simm.s32 $0x108;
	s8 =	sld [smem:$0x3FB0]  }
0x2e: {  	s3 =	simm.s32 @!p0 $0x1082;
	s9 =	sld [smem:$0x3FB1]  }
0x2f: {  	lr =	sadd.s32 s0, s3;
	s0 =	sld [smem:$0x3FA8]  }
0x30: {  	s3 =	sld [smem:$0x3FAB]  }
0x31: {  	[smem:$0x3FB4] =	sst s10  }
0x32: {  	s10 =	sld [smem:$0x3FB2];
	_ =	sdelay $0x3  }
0x33: {  	p0 =	seq.s32 s10, $0x1;
	s10 =	sld [smem:$0x3FB4];
	_ =	sdelay $0x3  }
0x34: {  	[smem:$0x3FB4] =	sst s10  }
0x35: {  	s10 =	sld [smem:$0x3FB3];
	_ =	sdelay $0x3  }
0x36: {  	p1 =	seq.s32 s10, $0x1;
	s10 =	sld [smem:$0x3FB4];
	_ =	sdelay $0x3  }
0x37: {  	[smem:$0x3FB4] =	sst s10  }
0x38: {  	s10 =	sld [smem:$0x3FB5]  }
0x39: {  	_ = 	snop;
	(pc) =	sbr.ind lr, $3  }
0x3a: {  	_ = 	snop  }
0x3b: {  	_ = 	snop  }
0x3c: {  	p2 =	seq.s32 s10, $0x1;
	s10 =	sld [smem:$0x3FB4]  }
0x3d: {  	_ =	shalt  }
0x3e: {  	_ =	shalt  }
0x3f: {  	_ =	shalt  }
0x40: {  	_ =	shalt  }
0x41: {  	_ =	shalt  }
0x42: {  	_ =	shalt  }
0x43: {  	_ =	shalt  }
0x44: {  	_ =	shalt  }
0x45: {  	_ =	shalt  }
0x46: {  	_ =	shalt  }
0x47: {  	_ =	shalt  }
0x48: {  	_ =	shalt  }
0x49: {  	_ =	shalt  }
0x4a: {  	_ =	shalt  }
0x4b: {  	_ =	shalt  }
0x4c: {  	_ =	shalt  }
0x4d: {  	_ =	shalt  }
0x4e: {  	_ =	shalt  }
0x4f: {  	_ =	shalt  }
0x50: {  	_ =	shalt  }
0x51: {  	_ =	shalt  }
0x52: {  	_ =	shalt  }
0x53: {  	_ =	shalt  }
0x54: {  	_ =	shalt  }
0x55: {  	_ =	shalt  }
0x56: {  	_ =	shalt  }
0x57: {  	_ =	shalt  }
0x58: {  	_ =	shalt  }
0x59: {  	_ =	shalt  }
0x5a: {  	_ =	shalt  }
0x5b: {  	_ =	shalt  }
0x5c: {  	_ =	shalt  }
0x5d: {  	_ =	shalt  }
0x5e: {  	_ =	shalt  }
0x5f: {  	_ =	shalt  }
0x60: {  	_ =	shalt  }
0x61: {  	_ =	shalt  }
0x62: {  	_ =	shalt  }
0x63: {  	_ =	shalt  }
0x64: {  	_ =	shalt  }
0x65: {  	_ =	shalt  }
0x66: {  	_ =	shalt  }
0x67: {  	_ =	shalt  }
0x68: {  	_ =	shalt  }
0x69: {  	_ =	shalt  }
0x6a: {  	_ =	shalt  }
0x6b: {  	_ =	shalt  }
0x6c: {  	_ =	shalt  }
0x6d: {  	_ =	shalt  }
0x6e: {  	_ =	shalt  }
0x6f: {  	_ =	shalt  }
0x70: {  	_ =	shalt  }
0x71: {  	_ =	shalt  }
0x72: {  	_ =	shalt  }
0x73: {  	_ =	shalt  }
0x74: {  	_ =	shalt  }
0x75: {  	_ =	shalt  }
0x76: {  	_ =	shalt  }
0x77: {  	_ =	shalt  }
0x78: {  	_ =	shalt  }
0x79: {  	_ =	shalt  }
0x7a: {  	_ =	shalt  }
0x7b: {  	_ =	shalt  }
0x7c: {  	_ =	shalt  }
0x7d: {  	_ =	shalt  }
0x7e: {  	_ =	shalt  }
0x7f: {  	_ =	shalt  }
0x80: {  	_ =	shalt  }
0x81: {  	_ =	shalt  }
0x82: {  	_ =	shalt  }
0x83: {  	_ =	shalt  }
0x84: {  	_ =	shalt  }
0x85: {  	_ =	shalt  }
0x86: {  	_ =	shalt  }
0x87: {  	_ =	shalt  }
.Lfunc_end0:
.L_simem_size_0:
called_computation.3_lowered:
.L_overlay_start_0:
0x88: {  	s2 =	sld [smem:$0x3FD9]  }
0x89: {  	s3 =	sld [smem:$0x3FFE];
	_ =	sdelay $0x1  }
0x8a: {  	s1 =	srdreg.scid  }
0x8b: {  	s0 =	sand.u32 $0x1, s1  }
0x8c: {  	s17 =	sshll.u32 s0, $0xA;
	s2 =	sadd.s32 s3, s2  }
0x8d: {  	s2 =	sadd.s32 s2, s17  }
0x8e: {  	[smem:$0x3FC0] =	sst s2  }
0x8f: {  	_ = 	snop  }
0x90: {  	s2 =	sld [smem:$0x3FC9]  }
0x91: {  	s18 =	sld [smem:$0x3FC8]  }
0x92: {  	s4 =	sld [smem:$0x3FC3]  }
0x93: {  	s5 =	sld [smem:$0x3FC2];
	(tm) =	ssettm $0x1  }
0x94: {  	s6 =	sld [smem:$0x3FFB];
	_ =	sdelay $0x3  }
0x95: {  	_ =	strace s6  }
0x96: {  	s6 =	sld [smem:$0x3FFC];
	_ =	sdelay $0x3  }
0x97: {  	_ =	strace s6  }
0x98: {  	s6 =	sld [smem:$0x3FFD];
	_ =	sdelay $0x3  }
0x99: {  	_ =	strace s6  }
0x9a: {  	_ =	strace $0x8FFFFFFF  }
0x9b: {  	s19 =	sld [smem:$0x3FDB];
	_ =	sdelay $0x1  }
0x9c: {  	s7 =	simm.s32 $_scs_section_size  }
0x9d: {  	s8 =	simm.s32 $_size__tile_overlayer_lowered;
	s9 =	simm.s32 $_tile_overlayer_lowered  }
0x9e: {  	s22 =	simm.s32 $0x1BFF;
	s21 =	sshll.u32 s9, $0x1;
	s6 =	sadd.s32 s7, s19  }
0x9f: {  	s10 =	simm.s32 $0x0;
	s20 =	sshll.u32 s8, $0x1;
	s8 =	sadd.s32 s21, s6  }
0xa0: {  	[timem:s10], [sflag:s22] =	dma.local [hbm:s8], s20  }
0xa1: {  	_ =	swait.ge [sflag:s22], s20  }
0xa2: {  	s7 =	ssub.s32 $0x0, s20;
	[sflag:s22] =	ssyncset.done $0x0  }
0xa3: {  	[sflag:s22] =	ssyncadd.s32 s7;
	_ =	sdelay $0x1  }
0xa4: {  	s23 =	simm.s32 $0x1B8B  }
0xa5: {  	_ =	swait.ge [sflag:s23], $0x1  }
0xa6: {  	[sflag:s23] =	ssyncset.done $0x0  }
0xa7: {  	s25 =	simm.s32 $0x1B8E;
	s24 =	sld [smem:$0x3FFE];
	[sflag:s23] =	ssyncadd.s32 $0xFFFFFFFF  }
0xa8: {  	s26 =	simm.s32 $execute0_lowered;
	[smem:$0x3FD2] =	sst s25  }
0xa9: {  	s8 =	sshll.u32 s26, $0x1;
	_ =	strace $0x8000004F;
	[dreg:$0x1] =	wrdreg $0xFFFFFFFF  }
0xaa: {  	s28 =	simm.s32 $_size_execute0_lowered;
	s6 =	sadd.s32 s6, s8;
	[dreg:$0x0] =	wrdreg $0x0  }
0xab: {  	s8 =	sshll.u32 s28, $0x1;
	[dreg:$0x2] =	wrdreg s6  }
0xac: {  	[dreg:$0x3] =	wrdreg s8  }
0xad: {  	[dreg:$0x4] =	wrdreg $0xC0  }
0xae: {  	_ =	task [dreg:s10], $0x5FFFF  }
0xaf: {  	[dreg:$0x1] =	wrdreg $0xFFFFFFFF  }
0xb0: {  	[dreg:$0x0] =	wrdreg $0x60  }
0xb1: {  	[dreg:$0x2] =	wrdreg s2  }
0xb2: {  	[dreg:$0x3] =	wrdreg s18  }
0xb3: {  	[dreg:$0x4] =	wrdreg s24  }
0xb4: {  	[dreg:$0x5] =	wrdreg s4  }
0xb5: {  	[dreg:$0x6] =	wrdreg s5  }
0xb6: {  	[dreg:$0x7] =	wrdreg $0x9  }
0xb7: {  	_ =	task.clear_ibuf [dreg:s10], $0x8FFFF;
	_ =	strace $0x9000004F  }
0xb8: {  	s29 =	simm.s32 $0x9;
	_ =	strace $0x80000051  }
0xb9: {  	_ =	swait.ge [sflag:s29], $0x1  }
0xba: {  	[sflag:s29] =	ssyncadd.s32 $0xFFFFFFFF  }
0xbb: {  	_ =	strace $0x90000051  }
0xbc: {  	_ =	sfence  }
0xbd: {  	s30 =	sld [smem:$0x0];
	_ =	sdelay $0x2  }
0xbe: {  	s31 =	sshll.u32 s1, $0xD;
	s1 =	sshrl.u32 s1, $0x2  }
0xbf: {  	s3 =	sand.u32 $0x4000, s31;
	s1 =	sadd.s32 s1, s30  }
0xc0: {  	s0 =	sor.u32 s3, s0;
	s1 =	sshll.u32 s1, $0x11  }
0xc1: {  	s0 =	sor.u32 s1, s0  }
0xc2: {  	s0 =	sadd.s32 $0x8F2B, s0  }
0xc3: {  	[sflag:s0] =	ssyncadd.remote.s32 $0x1  }
0xc4: {  	_ =	sfence.sel $0xFFFF  }
0xc5: {  	[dreg:$0x0] =	wrdreg $0xFFFFFFFF;
	(pc) =	sbr.abs _section_cstart, $3  }
0xc6: {  	[dreg:$0x1] =	wrdreg $0xFFFFFFFF  }
0xc7: {  	_ =	task.clear_ibuf [dreg:s10], $0x2FFFF;
	_ =	strace $0x9FFFFFFF  }
0xc8: {  	(tm) =	ssettm $0x7FFFFFFF  }
0xc9: {  	_ =	shalt  }
tec
execute0_lowered:
.L_overlay_start_1:
0x0: {  	(tag) =	ssettag $0x1  }
0x1: {  	s2 =	rddreg [dreg:$0x0]  }
0x2: {  	s3 =	rddreg [dreg:$0x1]  }
0x3: {  	s11 =	rddreg [dreg:$0x2];
	s1 =	srdreg.scid  }
0x4: {  	s5 =	rddreg [dreg:$0x3];
	s0 =	stileid.u32;
	s15 =	sand.u32 $0x1, s1  }
0x5: {  	s13 =	rddreg [dreg:$0x4];
	s6 =	sshll.u32 s0, $0x8;
	s7 =	sshll.u32 s15, $0x7  }
0x6: {  	s4 =	simm.s32 $0x0;
	s1 =	rddreg [dreg:$0x5];
	s10 =	sor.u32 s7, s6  }
0x7: {  	[smem:$0x7FF] =	sst s4;
	s14 =	sshrl.u32 s10, $0x3  }
0x8: {  	_ =	strace $0x80000050;
	s6 =	sadd.s32 s5, s14;
	s5 =	simm.s32 $0x2  }
0x9: {  	[tilespmem:s4], [sflag:$0x2] =	stream.linear.gather [hbm4b:s6+s4], $0x80, $0x38;
	[tilespmem:$0x4100] =	vst v63  }
0xa: {  	_ =	swait.ge [sflag:s5], $0x80  }
0xb: {  	s8 =	simm.s32 $0x80;
	[sflag:s5] =	ssyncset.done $0x0  }
0xc: {  	s9 =	simm.s32 $0x1;
	s7 =	simm.s32 $0x100;
	[sflag:s5] =	ssyncadd.s32 $0xFFFFFF80  }
0xd: {  	[tilespmem:s7], [sflag:$0x1] =	stream.indirect.gather [hbm4b:s2+s8], $0x80, s4, s8, $0xb8;
	[tilespmem:$0x4100] =	vst v63  }
0xe: {  	s10 =	sshll.u32 s10, $0x4;
	_ =	swait.ge [sflag:s9], $0x4000  }
0xf: {  	s16 =	sadd.s32 s10, s11;
	[sflag:s9] =	ssyncset.done $0x0  }
0x10: {  	s10 =	sadd.s32 $0x2A400, s16;
	[sflag:s9] =	ssyncadd.s32 $0xFFFFC000  }
0x11: {  	[hbm4b:s10+s4] =	stream.linear.scatter [tilespmem:s7], [sflag:$0x2], $0x4000, $0x38;
	[tilespmem:$0x4100] =	vst v63  }
0x12: {  	_ =	swait.ge [sflag:s5], $0x4000  }
0x13: {  	[sflag:s5] =	ssyncset.done $0x0  }
0x14: {  	s11 =	sadd.s32 $0x3200, s11;
	[sflag:s5] =	ssyncadd.s32 $0xFFFFC000  }
0x15: {  	[tilespmem:s7], [sflag:$0x1] =	stream.indirect.gather [hbm4b:s11+s8], $0x80, s4, s8, $0xb8;
	[tilespmem:$0x4100] =	vst v63  }
0x16: {  	_ =	swait.ge [sflag:s9], $0x4000  }
0x17: {  	[sflag:s9] =	ssyncset.done $0x0  }
0x18: {  	s12 =	sadd.s32 $0x3A400, s16;
	[sflag:s9] =	ssyncadd.s32 $0xFFFFC000  }
0x19: {  	[hbm4b:s12+s4] =	stream.linear.scatter [tilespmem:s7], [sflag:$0x2], $0x4000, $0x38;
	[tilespmem:$0x4100] =	vst v63  }
0x1a: {  	_ =	swait.ge [sflag:s5], $0x4000  }
0x1b: {  	[sflag:s5] =	ssyncset.done $0x0  }
0x1c: {  	s13 =	sadd.s32 s13, s14;
	[sflag:s5] =	ssyncadd.s32 $0xFFFFC000  }
0x1d: {  	[tilespmem:s4], [sflag:$0x2] =	stream.linear.gather [hbm4b:s13+s4], $0x80, $0x38;
	[tilespmem:$0x4100] =	vst v63  }
0x1e: {  	_ =	swait.ge [sflag:s5], $0x80  }
0x1f: {  	[sflag:s5] =	ssyncset.done $0x0  }
0x20: {  	[sflag:s5] =	ssyncadd.s32 $0xFFFFFF80  }
0x21: {  	[tilespmem:s7], [sflag:$0x1] =	stream.indirect.gather [hbm4b:s3+s8], $0x80, s4, s8, $0xb8;
	[tilespmem:$0x4100] =	vst v63  }
0x22: {  	_ =	swait.ge [sflag:s9], $0x4000  }
0x23: {  	[sflag:s9] =	ssyncset.done $0x0  }
0x24: {  	s14 =	sadd.s32 $0x4A400, s16;
	[sflag:s9] =	ssyncadd.s32 $0xFFFFC000  }
0x25: {  	[hbm4b:s14+s4] =	stream.linear.scatter [tilespmem:s7], [sflag:$0x2], $0x4000, $0x38;
	[tilespmem:$0x4100] =	vst v63  }
0x26: {  	_ =	swait.ge [sflag:s5], $0x4000  }
0x27: {  	[sflag:s5] =	ssyncset.done $0x0  }
0x28: {  	[sflag:s5] =	ssyncadd.s32 $0xFFFFC000  }
0x29: {  	v0 =	vld [tilespmem:$0x70]  }
0x2a: {  	v1 =	vld [tilespmem:$0x30]  }
0x2b: {  	v2 =	vld [tilespmem:$0x50]  }
0x2c: {  	v3 =	vld [tilespmem:$0x40]  }
0x2d: {  	s15 =	ssub.s32 $0x2, s15;
	v4 =	vld [tilespmem:$0x60]  }
0x2e: {  	s17 =	sshrl.u32 s15, $0x1;
	v5 =	vld [tilespmem:$0x20];
	v0 =	vadd.s32 $0x1388, v0  }
0x2f: {  	s15 =	ssub.s32 s15, s17;
	v6 =	vld [tilespmem:$0x10];
	v1 =	vadd.s32 $0x1388, v1;
	[tilespmem:$0xF0] =	vst v0  }
0x30: {  	s17 =	smax.u32 s15, $0x1;
	v58 =	vld [tilespmem:$0x0];
	v59 =	vadd.s32 $0x1388, v2;
	[tilespmem:$0xB0] =	vst v1  }
0x31: {  	p0 =	sne.s32 s17, $0x1;
	v60 =	vadd.s32 $0x1388, v3;
	[tilespmem:$0xD0] =	vst v59  }
.Ltmp0:
0x32: {  	v61 =	vadd.s32 $0x1388, v4;
	[tilespmem:$0xC0] =	vst v60;
	(pc) =	sbr.rel @!p0 .LBB2_2-.Ltmp0, $4  }
0x33: {  	v62 =	vadd.s32 $0x1388, v5;
	[tilespmem:$0xE0] =	vst v61  }
0x34: {  	v63 =	vadd.s32 $0x1388, v6;
	[tilespmem:$0xA0] =	vst v62  }
0x35: {  	v0 =	vadd.s32 $0x1388, v58;
	[tilespmem:$0x90] =	vst v63  }
0x36: {  	s15 =	sadd.s32 $0x5A400, s16;
	s16 =	sadd.s32 $0xFFFFFFFF, s17;
	[tilespmem:$0x80] =	vst v0  }
.LBB2_1:
0x37: {  	[tilespmem:s7], [sflag:$0x1] =	stream.indirect.gather [hbm4b:s11+s8], $0x80, s8, s8, $0xb8;
	[tilespmem:$0x4100] =	vst v63  }
0x38: {  	p0 =	sne.s32 s16, $0x1;
	s16 =	sadd.s32 $0xFFFFFFFF, s16;
	_ =	swait.ge [sflag:s9], $0x4000  }
0x39: {  	[sflag:s9] =	ssyncset.done $0x0  }
0x3a: {  	[sflag:s9] =	ssyncadd.s32 $0xFFFFC000  }
0x3b: {  	[hbm4b:s15+s4] =	stream.linear.scatter [tilespmem:s7], [sflag:$0x2], $0x4000, $0x38;
	[tilespmem:$0x4100] =	vst v63  }
0x3c: {  	_ =	swait.ge [sflag:s5], $0x4000  }
0x3d: {  	[sflag:s5] =	ssyncset.done $0x0  }
0x3e: {  	[sflag:s5] =	ssyncadd.s32 $0xFFFFC000  }
0x3f: {  	[tilespmem:s4], [sflag:$0x2] =	stream.linear.gather [hbm4b:s6+s4], $0x80, $0x38;
	[tilespmem:$0x4100] =	vst v63  }
0x40: {  	_ =	swait.ge [sflag:s5], $0x80  }
0x41: {  	[sflag:s5] =	ssyncset.done $0x0  }
0x42: {  	[sflag:s5] =	ssyncadd.s32 $0xFFFFFF80  }
0x43: {  	[tilespmem:s7], [sflag:$0x1] =	stream.indirect.gather [hbm4b:s2+s8], $0x80, s4, s8, $0xb8;
	[tilespmem:$0x4100] =	vst v63  }
0x44: {  	_ =	swait.ge [sflag:s9], $0x4000  }
0x45: {  	[sflag:s9] =	ssyncset.done $0x0  }
0x46: {  	[sflag:s9] =	ssyncadd.s32 $0xFFFFC000  }
0x47: {  	[hbm4b:s10+s4] =	stream.linear.scatter [tilespmem:s7], [sflag:$0x2], $0x4000, $0x38;
	[tilespmem:$0x4100] =	vst v63  }
0x48: {  	_ =	swait.ge [sflag:s5], $0x4000  }
0x49: {  	[sflag:s5] =	ssyncset.done $0x0  }
0x4a: {  	[sflag:s5] =	ssyncadd.s32 $0xFFFFC000  }
0x4b: {  	[tilespmem:s7], [sflag:$0x1] =	stream.indirect.gather [hbm4b:s11+s8], $0x80, s4, s8, $0xb8;
	[tilespmem:$0x4100] =	vst v63  }
0x4c: {  	_ =	swait.ge [sflag:s9], $0x4000  }
0x4d: {  	[sflag:s9] =	ssyncset.done $0x0  }
0x4e: {  	[sflag:s9] =	ssyncadd.s32 $0xFFFFC000  }
0x4f: {  	[hbm4b:s12+s4] =	stream.linear.scatter [tilespmem:s7], [sflag:$0x2], $0x4000, $0x38;
	[tilespmem:$0x4100] =	vst v63  }
0x50: {  	_ =	swait.ge [sflag:s5], $0x4000  }
0x51: {  	[sflag:s5] =	ssyncset.done $0x0  }
0x52: {  	[sflag:s5] =	ssyncadd.s32 $0xFFFFC000  }
0x53: {  	[tilespmem:s4], [sflag:$0x2] =	stream.linear.gather [hbm4b:s13+s4], $0x80, $0x38;
	[tilespmem:$0x4100] =	vst v63  }
0x54: {  	_ =	swait.ge [sflag:s5], $0x80  }
0x55: {  	[sflag:s5] =	ssyncset.done $0x0  }
0x56: {  	[sflag:s5] =	ssyncadd.s32 $0xFFFFFF80  }
0x57: {  	[tilespmem:s7], [sflag:$0x1] =	stream.indirect.gather [hbm4b:s3+s8], $0x80, s4, s8, $0xb8;
	[tilespmem:$0x4100] =	vst v63  }
0x58: {  	_ =	swait.ge [sflag:s9], $0x4000  }
0x59: {  	[sflag:s9] =	ssyncset.done $0x0  }
0x5a: {  	[sflag:s9] =	ssyncadd.s32 $0xFFFFC000  }
0x5b: {  	[hbm4b:s14+s4] =	stream.linear.scatter [tilespmem:s7], [sflag:$0x2], $0x4000, $0x38;
	[tilespmem:$0x4100] =	vst v63  }
0x5c: {  	_ =	swait.ge [sflag:s5], $0x4000  }
0x5d: {  	[sflag:s5] =	ssyncset.done $0x0  }
0x5e: {  	[sflag:s5] =	ssyncadd.s32 $0xFFFFC000  }
0x5f: {  	v0 =	vld [tilespmem:$0x70]  }
0x60: {  	v1 =	vld [tilespmem:$0x30]  }
0x61: {  	v2 =	vld [tilespmem:$0x50]  }
0x62: {  	v3 =	vld [tilespmem:$0x40]  }
0x63: {  	v4 =	vld [tilespmem:$0x60]  }
0x64: {  	v5 =	vld [tilespmem:$0x20];
	v0 =	vadd.s32 $0x1388, v0  }
0x65: {  	v6 =	vld [tilespmem:$0x10];
	v1 =	vadd.s32 $0x1388, v1;
	[tilespmem:$0xF0] =	vst v0  }
0x66: {  	v0 =	vld [tilespmem:$0x0];
	[tilespmem:$0xB0] =	vst v1;
	v1 =	vadd.s32 $0x1388, v2  }
0x67: {  	v2 =	vadd.s32 $0x1388, v3;
	[tilespmem:$0xD0] =	vst v1  }
.Ltmp1:
0x68: {  	[tilespmem:$0xC0] =	vst v2;
	v1 =	vadd.s32 $0x1388, v4;
	(pc) =	sbr.rel @p0 .LBB2_1-.Ltmp1, $4  }
0x69: {  	v2 =	vadd.s32 $0x1388, v5;
	[tilespmem:$0xE0] =	vst v1  }
0x6a: {  	v1 =	vadd.s32 $0x1388, v6;
	[tilespmem:$0xA0] =	vst v2  }
0x6b: {  	v0 =	vadd.s32 $0x1388, v0;
	[tilespmem:$0x90] =	vst v1  }
0x6c: {  	[tilespmem:$0x80] =	vst v0  }
.LBB2_2:
0x6d: {  	[tilespmem:s7], [sflag:$0x1] =	stream.indirect.gather [hbm4b:s11+s8], $0x80, s8, s8, $0xb8;
	[tilespmem:$0x4100] =	vst v63  }
0x6e: {  	_ =	swait.ge [sflag:s9], $0x4000  }
0x6f: {  	[sflag:s9] =	ssyncset.done $0x0  }
0x70: {  	[sflag:s9] =	ssyncadd.s32 $0xFFFFC000  }
0x71: {  	[hbm4b:s15+s4] =	stream.linear.scatter [tilespmem:s7], [sflag:$0x2], $0x4000, $0x38;
	[tilespmem:$0x4100] =	vst v63  }
0x72: {  	_ =	swait.ge [sflag:s5], $0x4000  }
0x73: {  	[sflag:s5] =	ssyncset.done $0x0  }
0x74: {  	[sflag:s5] =	ssyncadd.s32 $0xFFFFC000  }
0x75: {  	_ =	sfence.sel $0x180000  }
0x76: {  	[bflag:$0x0] =	sbarrier.arrive $0xFFFF  }
0x77: {  	p0 =	sne.s32 s0, $0x0;
	_ =	strace $0x90000050  }
0x78: {  	s0 =	sadd.s32 @!p0 $0x100000, s1;
	[bflag:$0x2] =	sbarrier.arrive $0xFFFF  }
0x79: {  	[sflag:s0] =	ssyncadd.tile.s32 @!p0 $0x1;
	_ =	shalt  }
.Lfunc_end2:
_tile_overlayer_lowered:
.L_overlay_start_2:
0x7a: {  	(tag) =	ssettag $0x2  }
0x7b: {  	s0 =	rddreg [dreg:$0x0];
	s2 =	stileid.u32  }
0x7c: {  	s1 =	rddreg [dreg:$0x1];
	p0 =	sne.s32 s2, $0x0  }
0x7d: {  	s3 =	rddreg [dreg:$0x2];
	[bflag:$0x3] =	sbarrier.arrive $0xFFFF;
	s2 =	simm.s32 @!p0 $0x1C02  }
0x7e: {  	[timem:s3], [sflag:s2] =	dma.local @!p0 [hbm:s0], s1  }
0x7f: {  	s0 =	simm.s32 @!p0 $0x2  }
0x80: {  	_ =	swait.ge @!p0 [sflag:s0], s1  }
0x81: {  	s1 =	ssub.s32 @!p0 $0x0, s1;
	[sflag:s0] =	ssyncset.done @!p0 $0x0  }
0x82: {  	[sflag:s0] =	ssyncadd.s32 @!p0 s1  }
0x83: {  	[bflag:$0x3] =	sbarrier.arrive $0xFFFF  }
0x84: {  	_ =	shalt  }

</sc_bundles>
